<compile_context>
chip_gen: v7x
topology: tpu7x:2x2x1
jax: 0.10.2.dev20260603
libtpu: 0.0.44.dev20260713+nightly
codegen_flags: <defaults>
</compile_context>

<pallas_src>
import jax
import jax.numpy as jnp
from jax import lax
from jax.experimental import pallas as pl
from jax.experimental.pallas import tpu as pltpu
from jax.experimental.pallas import tpu_sc as plsc

N_NODES = 10000
N_EDGES = 320000
NFEAT = 128
NHID = 256
NCLASS = 40

NC = 2
NS = 16
NW = NC * NS
HHALF = NHID // NC

_E_PER_W = N_EDGES // NW
_HIST = 2 * N_NODES


def _deg_body(src_hbm, dst_hbm, out_hbm, sbuf, dbuf, hist):
    c = lax.axis_index("c")
    s = lax.axis_index("s")
    wid = s * NC + c
    zeros16 = jnp.zeros((16,), jnp.float32)

    def zb(t, carry):
        hist[pl.ds(t * 16, 16)] = zeros16
        return carry

    lax.fori_loop(0, _HIST // 16, zb, 0)

    base = wid * _E_PER_W
    pltpu.sync_copy(src_hbm.at[pl.ds(base, _E_PER_W)], sbuf)
    pltpu.sync_copy(dst_hbm.at[pl.ds(base, _E_PER_W)], dbuf)

    ones16 = jnp.ones((16,), jnp.float32)

    def body(j, carry):
        isrc = sbuf[pl.ds(j * 16, 16)]
        plsc.addupdate_scatter(hist, [isrc], ones16)
        idst = dbuf[pl.ds(j * 16, 16)] + N_NODES
        plsc.addupdate_scatter(hist, [idst], ones16)
        return carry

    lax.fori_loop(0, _E_PER_W // 16, body, 0)
    pltpu.sync_copy(hist, out_hbm.at[pl.ds(wid * _HIST, _HIST)])


_deg_kernel = pl.kernel(
    _deg_body,
    out_type=jax.ShapeDtypeStruct((NW * _HIST,), jnp.float32),
    mesh=plsc.VectorSubcoreMesh(core_axis_name="c", subcore_axis_name="s"),
    compiler_params=pltpu.CompilerParams(needs_layout_passes=False),
    scratch_types=[
        pltpu.VMEM((_E_PER_W,), jnp.int32),
        pltpu.VMEM((_E_PER_W,), jnp.int32),
        pltpu.VMEM((_HIST,), jnp.float32),
    ],
)



def _norm_body(hist_ref, nout_ref, nin_ref):
    deg = jnp.sum(hist_ref[...], axis=0)
    nrm = lax.rsqrt(jnp.maximum(deg, 1.0))
    nout_ref[...] = nrm[:N_NODES].reshape(N_NODES, 1)
    nin_ref[...] = nrm[N_NODES:].reshape(N_NODES, 1)


def _norm_call(hist):
    return pl.pallas_call(
        _norm_body,
        out_shape=(
            jax.ShapeDtypeStruct((N_NODES, 1), jnp.float32),
            jax.ShapeDtypeStruct((N_NODES, 1), jnp.float32),
        ),
    )(hist)


_RB = 400
_NB = N_NODES // _RB
_NPAD = 10000
_NBP = _NPAD // _RB


def _mm1_body(x_ref, w1_ref, nrm_ref, out_ref):
    out_ref[...] = (
        jnp.dot(x_ref[...], w1_ref[...], preferred_element_type=jnp.float32)
        * nrm_ref[...]
    )


def _mm1_call(xp, W1, noutp):
    return pl.pallas_call(
        _mm1_body,
        grid=(NC, _NBP),
        in_specs=[
            pl.BlockSpec((_RB, NFEAT), lambda h, i: (i, 0)),
            pl.BlockSpec((NFEAT, HHALF), lambda h, i: (0, h)),
            pl.BlockSpec((_RB, 1), lambda h, i: (i, 0)),
        ],
        out_specs=pl.BlockSpec((_RB, HHALF), lambda h, i: (h * _NBP + i, 0)),
        out_shape=jax.ShapeDtypeStruct((NC * _NPAD, HHALF), jnp.float32),
    )(xp, W1, noutp)


_CHUNK = 80
_TCH = 250
_EPAD = NS * _TCH * _CHUNK
_NBLK = 5
_BCH = _TCH // _NBLK
_CPR = 632
_CLAST = N_NODES - (NS - 1) * _CPR
_ZCH = 32


def _agg_body(hs_hbm, src_hbm, dst_hbm, out_hbm,
              gblk, dblk, rows0, rows1, zrow, agg_sp,
              gsem0, gsem1, ssem0, ssem1):
    c = lax.axis_index("c")
    s = lax.axis_index("s")
    coff = c * _NPAD

    zeros16 = jnp.zeros((16,), jnp.float32)

    def zb(t, carry):
        r = t // (HHALF // 16)
        col = t % (HHALF // 16)
        zrow[r, pl.ds(col * 16, 16)] = zeros16
        return carry

    lax.fori_loop(0, _ZCH * (HHALF // 16), zb, 0)

    def zero_range(start, nfull, tail):
        for j in range(nfull):
            pltpu.sync_copy(zrow, agg_sp.at[pl.ds(start + j * _ZCH, _ZCH)])
        if tail:
            pltpu.sync_copy(
                zrow.at[pl.ds(0, tail)],
                agg_sp.at[pl.ds(start + nfull * _ZCH, tail)],
            )

    @pl.when(s < NS - 1)
    def _():
        zero_range(s * _CPR, 19, 24)

    @pl.when(s == NS - 1)
    def _():
        zero_range((NS - 1) * _CPR, 16, 8)

    plsc.subcore_barrier()

    rows = (rows0, rows1)
    gsem = (gsem0, gsem1)
    ssem = (ssem0, ssem1)

    def fire_gather(j, b):
        pltpu.async_copy(hs_hbm.at[gblk.at[j]], rows[b], gsem[b])

    def wait_gather(b):
        pltpu.make_async_copy(hs_hbm.at[gblk.at[0]], rows[b], gsem[b]).wait()

    def fire_scatter(k, b):
        pltpu.async_copy(rows[b], agg_sp.at[dblk.at[k]], ssem[b], add=True)

    def wait_scatter(b):
        pltpu.make_async_copy(rows[b], agg_sp.at[dblk.at[0]], ssem[b]).wait()

    for blk in range(_NBLK):
        pltpu.sync_copy(src_hbm.at[s, blk], gblk)
        pltpu.sync_copy(dst_hbm.at[s, blk], dblk)

        def gx(t, carry):
            r = t // (_CHUNK // 16)
            q = t % (_CHUNK // 16)
            gblk[r, pl.ds(q * 16, 16)] = gblk[r, pl.ds(q * 16, 16)] + coff
            return carry

        lax.fori_loop(0, _BCH * (_CHUNK // 16), gx, 0)

        fire_gather(0, 0)

        def pair(i, carry):
            for b in range(2):
                k = 2 * i + b
                nb = 1 - b

                @pl.when(k + 1 < _BCH)
                def _():
                    @pl.when(k >= 1)
                    def _():
                        wait_scatter(nb)
                    fire_gather(k + 1, nb)

                wait_gather(b)
                fire_scatter(k, b)
            return carry

        lax.fori_loop(0, _BCH // 2, pair, 0)
        wait_scatter(0)
        wait_scatter(1)

    plsc.subcore_barrier()

    @pl.when(s < NS - 1)
    def _():
        pltpu.sync_copy(
            agg_sp.at[pl.ds(s * _CPR, _CPR)],
            out_hbm.at[pl.ds(c * N_NODES + s * _CPR, _CPR)],
        )

    @pl.when(s == NS - 1)
    def _():
        pltpu.sync_copy(
            agg_sp.at[pl.ds((NS - 1) * _CPR, _CLAST)],
            out_hbm.at[pl.ds(c * N_NODES + (NS - 1) * _CPR, _CLAST)],
        )


_agg_kernel = pl.kernel(
    _agg_body,
    out_type=jax.ShapeDtypeStruct((NC * N_NODES, HHALF), jnp.float32),
    mesh=plsc.VectorSubcoreMesh(core_axis_name="c", subcore_axis_name="s"),
    compiler_params=pltpu.CompilerParams(needs_layout_passes=False),
    scratch_types=[
        pltpu.VMEM((_BCH, _CHUNK), jnp.int32),
        pltpu.VMEM((_BCH, _CHUNK), jnp.int32),
        pltpu.VMEM((_CHUNK, HHALF), jnp.float32),
        pltpu.VMEM((_CHUNK, HHALF), jnp.float32),
        pltpu.VMEM((_ZCH, HHALF), jnp.float32),
        pltpu.VMEM_SHARED((_NPAD, HHALF), jnp.float32),
        pltpu.SemaphoreType.DMA,
        pltpu.SemaphoreType.DMA,
        pltpu.SemaphoreType.DMA,
        pltpu.SemaphoreType.DMA,
    ],
)



def _out_body(aggA_ref, aggB_ref, nin_ref, b1_ref, w2_ref, b2_ref, out_ref):
    agg = jnp.concatenate([aggA_ref[...], aggB_ref[...]], axis=1)
    h = agg * nin_ref[...] + b1_ref[...]
    h = jnp.maximum(h, 0.0)
    out_ref[...] = (
        jnp.dot(h, w2_ref[...], preferred_element_type=jnp.float32) + b2_ref[...]
    )


def _out_call(aggst, nin, b1, W2, b2):
    return pl.pallas_call(
        _out_body,
        grid=(_NB,),
        in_specs=[
            pl.BlockSpec((_RB, HHALF), lambda i: (i, 0)),
            pl.BlockSpec((_RB, HHALF), lambda i: (_NB + i, 0)),
            pl.BlockSpec((_RB, 1), lambda i: (i, 0)),
            pl.BlockSpec((1, NHID), lambda i: (0, 0)),
            pl.BlockSpec((NHID, NCLASS), lambda i: (0, 0)),
            pl.BlockSpec((1, NCLASS), lambda i: (0, 0)),
        ],
        out_specs=pl.BlockSpec((_RB, NCLASS), lambda i: (i, 0)),
        out_shape=jax.ShapeDtypeStruct((N_NODES, NCLASS), jnp.float32),
    )(aggst, aggst, nin, b1, W2, b2)


def kernel(x, edge_index, W1, b1, W2, b2):
    src = edge_index[0].astype(jnp.int32)
    dst = edge_index[1].astype(jnp.int32)
    histflat = _deg_kernel(src, dst)
    hist = histflat.reshape(NW, _HIST)
    nout, nin = _norm_call(hist)
    xp = jnp.concatenate(
        [x, jnp.zeros((_NPAD - N_NODES, NFEAT), jnp.float32)], axis=0)
    noutp = jnp.concatenate(
        [nout, jnp.zeros((_NPAD - N_NODES, 1), jnp.float32)], axis=0)
    hs = _mm1_call(xp, W1, noutp)
    epad = jnp.full((_EPAD - N_EDGES,), N_NODES, jnp.int32)
    src4 = jnp.concatenate([src, epad]).reshape(NS, _NBLK, _BCH, _CHUNK)
    dst4 = jnp.concatenate([dst, epad]).reshape(NS, _NBLK, _BCH, _CHUNK)
    aggst = _agg_kernel(hs, src4, dst4)
    out = _out_call(aggst, nin, b1.reshape(1, NHID), W2, b2.reshape(1, NCLASS))
    return out

# --- scband reference (transcript-rebuilt; emitter-appended) ---
"""Pipeline reference for scband-gcn-check-56487409877506 (READ-ONLY COPY).

The authoritative reference and input builder live on the scoring server;
editing this copy changes nothing except your own understanding.
"""

import jax, jax.numpy as jnp
import numpy as np

N_NODES = 10000
N_EDGES = 320000
NFEAT = 128
NHID = 256
NCLASS = 40


def setup_inputs(seed: int = 0) -> dict:
    key = jax.random.key(seed)
    k_x, k_e, k_w1, k_b1, k_w2, k_b2 = jax.random.split(key, 6)
    x = jax.random.normal(k_x, (N_NODES, NFEAT), dtype=jnp.float32)
    edge_index = jax.random.randint(k_e, (2, N_EDGES), 0, N_NODES, dtype=jnp.int64)
    # GraphConv weight (glorot) + bias
    s1 = (6.0 / (NFEAT + NHID)) ** 0.5
    W1 = jax.random.uniform(k_w1, (NFEAT, NHID), dtype=jnp.float32, minval=-s1, maxval=s1)
    b1 = jnp.zeros((NHID,), dtype=jnp.float32)
    # Linear fc weight + bias
    s2 = (1.0 / NHID) ** 0.5
    W2 = jax.random.uniform(k_w2, (NHID, NCLASS), dtype=jnp.float32, minval=-s2, maxval=s2)
    b2 = jax.random.uniform(k_b2, (NCLASS,), dtype=jnp.float32, minval=-s2, maxval=s2)
    return {"x": x, "edge_index": edge_index, "W1": W1, "b1": b1, "W2": W2, "b2": b2}


def reference(x, edge_index, W1, b1, W2, b2):
    # GraphConv with symmetric ('both') normalization, as in DGL's GraphConv:
    #   h = D_in^{-1/2} A D_out^{-1/2} (X W) + b
    n = x.shape[0]
    src = edge_index[0]
    dst = edge_index[1]
    ones = jnp.ones((src.shape[0],), dtype=jnp.float32)
    deg_out = jnp.zeros((n,), dtype=jnp.float32).at[src].add(ones)
    deg_in = jnp.zeros((n,), dtype=jnp.float32).at[dst].add(ones)
    norm_src = jnp.where(deg_out > 0, deg_out, 1.0) ** -0.5
    norm_dst = jnp.where(deg_in > 0, deg_in, 1.0) ** -0.5
    # project first (in_feats >= out_feats ordering is fine either way mathematically)
    h = x @ W1
    msg = jnp.take(h, src, axis=0) * (norm_src[src] * norm_dst[dst])[:, None]
    agg = jnp.zeros((n, h.shape[1]), dtype=h.dtype).at[dst].add(msg)
    h = agg + b1
    h = jax.nn.relu(h)
    out = h @ W2 + b2
    return out

if __name__ == "__main__":
    import jax
    _d = setup_inputs()
    print(jax.jit(kernel)(*tuple(_d.values())))

</pallas_src>

<mosaic_0001>
#map = affine_map<(d0, d1) -> (0)>
module attributes {stable_mosaic.version = 14 : i64} {
  func.func @_deg_body(%arg0: i32, %arg1: i32, %arg2: memref<320000xi32, #tpu.memory_space<hbm>>, %arg3: memref<320000xi32, #tpu.memory_space<hbm>>, %arg4: memref<640000xf32, #tpu.memory_space<hbm>>, %arg5: memref<10000xi32, #tpu.memory_space<vmem>>, %arg6: memref<10000xi32, #tpu.memory_space<vmem>>, %arg7: memref<20000xf32, #tpu.memory_space<vmem>>) attributes {dimension_semantics = [#tpu.dimension_semantics<core_parallel>, #tpu.dimension_semantics<subcore_parallel>], iteration_bounds = array<i64: 2, 16>, scalar_prefetch = 0 : i64, scratch_operands = 3 : i64, tpu.core_type = #tpu.core_type<sc_vector_subcore>, window_params = [{transform_indices = #map}, {transform_indices = #map}, {transform_indices = #map}]} {
    %mul3A = arith.constant 2 : i32
    %mul3A_0 = arith.muli %arg1, %mul3A : i32
    %add3A = arith.addi %mul3A_0, %arg0 : i32
    %broadcast_in_dim3A = arith.constant 0.000000e+00 : f32
    %broadcast_in_dim3A_1 = vector.broadcast %broadcast_in_dim3A : f32 to vector<16xf32>
    %scan3A = arith.constant 0 : i32
    %scan3A_2 = arith.constant 0 : i32
    %scan3A_3 = arith.constant 1250 : i32
    %scan3A_4 = arith.addi %scan3A_2, %scan3A_3 : i32
    %scan3A_5 = arith.constant 1 : i32
    scf.for %scan3A_19 = %scan3A_2 to %scan3A_4 step %scan3A_5  : i32 {
      %mul3A_20 = arith.constant 16 : i32
      %mul3A_21 = arith.muli %scan3A_19, %mul3A_20 : i32
      %swap3A = arith.index_cast %mul3A_21 : i32 to index
      %swap3A_22 = tpu.vector_load %arg7[%swap3A] {strides = array<i32>} : memref<20000xf32, #tpu.memory_space<vmem>>, vector<16xf32>,
      tpu.vector_store %arg7[%swap3A], %broadcast_in_dim3A_1 {strides = array<i32>} : memref<20000xf32, #tpu.memory_space<vmem>>, vector<16xf32>,
    }
    %scan3A_6 = arith.constant 1250 : i32
    %mul3A_7 = arith.constant 10000 : i32
    %mul3A_8 = arith.muli %add3A, %mul3A_7 : i32
    "tpu.region"() ({
      %run_scoped3A = tpu.sem_alloc : memref<!tpu.dma_semaphore, #tpu.memory_space<semaphore_mem>>
      %dma_start3A = tpu.memref_slice %arg2[%mul3A_8] : memref<320000xi32, #tpu.memory_space<hbm>> -> memref<10000xi32, #tpu.memory_space<hbm>>
      %dma_start3A_19 = tpu.memref_slice %arg2[%mul3A_8] : memref<320000xi32, #tpu.memory_space<hbm>> -> memref<10000xi32, #tpu.memory_space<hbm>>
      tpu.enqueue_dma source(%dma_start3A_19 : memref<10000xi32, #tpu.memory_space<hbm>>) target(%arg5 : memref<10000xi32, #tpu.memory_space<vmem>>) target_semaphore(%run_scoped3A : memref<!tpu.dma_semaphore, #tpu.memory_space<semaphore_mem>>)
      %dma_wait3A = tpu.memref_slice %arg2[%mul3A_8] : memref<320000xi32, #tpu.memory_space<hbm>> -> memref<10000xi32, #tpu.memory_space<hbm>>
      %dma_wait3A_20 = tpu.memref_slice %arg2[%mul3A_8] : memref<320000xi32, #tpu.memory_space<hbm>> -> memref<10000xi32, #tpu.memory_space<hbm>>
      tpu.wait_dma2 semaphore(%run_scoped3A : memref<!tpu.dma_semaphore, #tpu.memory_space<semaphore_mem>>) src(%dma_wait3A_20 : memref<10000xi32, #tpu.memory_space<hbm>>) dst(%arg5 : memref<10000xi32, #tpu.memory_space<vmem>>)
      tpu.yield
    }) : () -> ()
    "tpu.region"() ({
      %run_scoped3A = tpu.sem_alloc : memref<!tpu.dma_semaphore, #tpu.memory_space<semaphore_mem>>
      %dma_start3A = tpu.memref_slice %arg3[%mul3A_8] : memref<320000xi32, #tpu.memory_space<hbm>> -> memref<10000xi32, #tpu.memory_space<hbm>>
      %dma_start3A_19 = tpu.memref_slice %arg3[%mul3A_8] : memref<320000xi32, #tpu.memory_space<hbm>> -> memref<10000xi32, #tpu.memory_space<hbm>>
      tpu.enqueue_dma source(%dma_start3A_19 : memref<10000xi32, #tpu.memory_space<hbm>>) target(%arg6 : memref<10000xi32, #tpu.memory_space<vmem>>) target_semaphore(%run_scoped3A : memref<!tpu.dma_semaphore, #tpu.memory_space<semaphore_mem>>)
      %dma_wait3A = tpu.memref_slice %arg3[%mul3A_8] : memref<320000xi32, #tpu.memory_space<hbm>> -> memref<10000xi32, #tpu.memory_space<hbm>>
      %dma_wait3A_20 = tpu.memref_slice %arg3[%mul3A_8] : memref<320000xi32, #tpu.memory_space<hbm>> -> memref<10000xi32, #tpu.memory_space<hbm>>
      tpu.wait_dma2 semaphore(%run_scoped3A : memref<!tpu.dma_semaphore, #tpu.memory_space<semaphore_mem>>) src(%dma_wait3A_20 : memref<10000xi32, #tpu.memory_space<hbm>>) dst(%arg6 : memref<10000xi32, #tpu.memory_space<vmem>>)
      tpu.yield
    }) : () -> ()
    %broadcast_in_dim3A_9 = arith.constant 1.000000e+00 : f32
    %broadcast_in_dim3A_10 = vector.broadcast %broadcast_in_dim3A_9 : f32 to vector<16xf32>
    %scan3A_11 = arith.constant 0 : i32
    %scan3A_12 = arith.constant 0 : i32
    %scan3A_13 = arith.constant 625 : i32
    %scan3A_14 = arith.addi %scan3A_12, %scan3A_13 : i32
    %scan3A_15 = arith.constant 1 : i32
    scf.for %scan3A_19 = %scan3A_12 to %scan3A_14 step %scan3A_15  : i32 {
      %mul3A_20 = arith.constant 16 : i32
      %mul3A_21 = arith.muli %scan3A_19, %mul3A_20 : i32
      %get3A = arith.index_cast %mul3A_21 : i32 to index
      %get3A_22 = tpu.vector_load %arg5[%get3A] {strides = array<i32>} : memref<10000xi32, #tpu.memory_space<vmem>>, vector<16xi32>,
      tpu.vector_store_idx %arg7[%get3A_22], %broadcast_in_dim3A_10 {add = true} : memref<20000xf32, #tpu.memory_space<vmem>>[vector<16xi32>], vector<16xf32>,
      %mul3A_23 = arith.constant 16 : i32
      %mul3A_24 = arith.muli %scan3A_19, %mul3A_23 : i32
      %get3A_25 = arith.index_cast %mul3A_24 : i32 to index
      %get3A_26 = tpu.vector_load %arg6[%get3A_25] {strides = array<i32>} : memref<10000xi32, #tpu.memory_space<vmem>>, vector<16xi32>,
      %add3A_27 = arith.constant 10000 : i32
      %add3A_28 = vector.broadcast %add3A_27 : i32 to vector<16xi32>
      %add3A_29 = arith.addi %get3A_26, %add3A_28 : vector<16xi32>
      tpu.vector_store_idx %arg7[%add3A_29], %broadcast_in_dim3A_10 {add = true} : memref<20000xf32, #tpu.memory_space<vmem>>[vector<16xi32>], vector<16xf32>,
    }
    %scan3A_16 = arith.constant 625 : i32
    %mul3A_17 = arith.constant 20000 : i32
    %mul3A_18 = arith.muli %add3A, %mul3A_17 : i32
    "tpu.region"() ({
      %run_scoped3A = tpu.sem_alloc : memref<!tpu.dma_semaphore, #tpu.memory_space<semaphore_mem>>
      %dma_start3A = tpu.memref_slice %arg4[%mul3A_18] : memref<640000xf32, #tpu.memory_space<hbm>> -> memref<20000xf32, #tpu.memory_space<hbm>>
      %dma_start3A_19 = tpu.memref_slice %arg4[%mul3A_18] : memref<640000xf32, #tpu.memory_space<hbm>> -> memref<20000xf32, #tpu.memory_space<hbm>>
      tpu.enqueue_dma source(%arg7 : memref<20000xf32, #tpu.memory_space<vmem>>) target(%dma_start3A_19 : memref<20000xf32, #tpu.memory_space<hbm>>) target_semaphore(%run_scoped3A : memref<!tpu.dma_semaphore, #tpu.memory_space<semaphore_mem>>)
      %dma_wait3A = tpu.memref_slice %arg4[%mul3A_18] : memref<640000xf32, #tpu.memory_space<hbm>> -> memref<20000xf32, #tpu.memory_space<hbm>>
      %dma_wait3A_20 = tpu.memref_slice %arg4[%mul3A_18] : memref<640000xf32, #tpu.memory_space<hbm>> -> memref<20000xf32, #tpu.memory_space<hbm>>
      tpu.wait_dma2 semaphore(%run_scoped3A : memref<!tpu.dma_semaphore, #tpu.memory_space<semaphore_mem>>) src(%arg7 : memref<20000xf32, #tpu.memory_space<vmem>>) dst(%dma_wait3A_20 : memref<20000xf32, #tpu.memory_space<hbm>>)
      tpu.yield
    }) : () -> ()
    return
  }
}

#map = affine_map<(d0, d1) -> (0, 0)>
#map1 = affine_map<(d0, d1) -> (0, 0, 0, 0)>
module attributes {stable_mosaic.version = 14 : i64} {
  func.func @_agg_body(%arg0: i32, %arg1: i32, %arg2: memref<20000x128xf32, #tpu.memory_space<hbm>>, %arg3: memref<16x5x50x80xi32, #tpu.memory_space<hbm>>, %arg4: memref<16x5x50x80xi32, #tpu.memory_space<hbm>>, %arg5: memref<20000x128xf32, #tpu.memory_space<hbm>>, %arg6: memref<50x80xi32, #tpu.memory_space<vmem>>, %arg7: memref<50x80xi32, #tpu.memory_space<vmem>>, %arg8: memref<80x128xf32, #tpu.memory_space<vmem>>, %arg9: memref<80x128xf32, #tpu.memory_space<vmem>>, %arg10: memref<32x128xf32, #tpu.memory_space<vmem>>, %arg11: memref<10000x128xf32, #tpu.memory_space<vmem_shared>>, %arg12: memref<!tpu.dma_semaphore, #tpu.memory_space<semaphore_mem>>, %arg13: memref<!tpu.dma_semaphore, #tpu.memory_space<semaphore_mem>>, %arg14: memref<!tpu.dma_semaphore, #tpu.memory_space<semaphore_mem>>, %arg15: memref<!tpu.dma_semaphore, #tpu.memory_space<semaphore_mem>>) attributes {dimension_semantics = [#tpu.dimension_semantics<core_parallel>, #tpu.dimension_semantics<subcore_parallel>], iteration_bounds = array<i64: 2, 16>, scalar_prefetch = 0 : i64, scratch_operands = 10 : i64, tpu.core_type = #tpu.core_type<sc_vector_subcore>, window_params = [{transform_indices = #map}, {transform_indices = #map1}, {transform_indices = #map1}, {transform_indices = #map}]} {
    %mul3A = arith.constant 10000 : i32
    %mul3A_0 = arith.muli %arg0, %mul3A : i32
    %broadcast_in_dim3A = arith.constant 0.000000e+00 : f32
    %broadcast_in_dim3A_1 = vector.broadcast %broadcast_in_dim3A : f32 to vector<16xf32>
    %scan3A = arith.constant 0 : i32
    %scan3A_2 = arith.constant 0 : i32
    %scan3A_3 = arith.constant 256 : i32
    %scan3A_4 = arith.addi %scan3A_2, %scan3A_3 : i32
    %scan3A_5 = arith.constant 1 : i32
    scf.for %scan3A_196 = %scan3A_2 to %scan3A_4 step %scan3A_5  : i32 {
      %jit3A = arith.constant 8 : i32
      %div3A = arith.divsi %scan3A_196, %jit3A : i32
      %sign3A = arith.constant 0 : i32
      %sign3A_197 = arith.cmpi sgt, %scan3A_196, %sign3A : i32
      %sign3A_198 = arith.extui %sign3A_197 : i1 to i32
      %sign3A_199 = arith.constant 0 : i32
      %sign3A_200 = arith.cmpi slt, %scan3A_196, %sign3A_199 : i32
      %sign3A_201 = arith.extui %sign3A_200 : i1 to i32
      %sign3A_202 = arith.subi %sign3A_198, %sign3A_201 : i32
      %sign3A_203 = arith.constant 0 : i32
      %sign3A_204 = arith.cmpi sgt, %jit3A, %sign3A_203 : i32
      %sign3A_205 = arith.extui %sign3A_204 : i1 to i32
      %sign3A_206 = arith.constant 0 : i32
      %sign3A_207 = arith.cmpi slt, %jit3A, %sign3A_206 : i32
      %sign3A_208 = arith.extui %sign3A_207 : i1 to i32
      %sign3A_209 = arith.subi %sign3A_205, %sign3A_208 : i32
      %ne3A = arith.cmpi ne, %sign3A_202, %sign3A_209 : i32
      %rem3A = arith.remsi %scan3A_196, %jit3A : i32
      %ne3A_210 = arith.constant 0 : i32
      %ne3A_211 = arith.cmpi ne, %rem3A, %ne3A_210 : i32
      %and3A = arith.andi %ne3A, %ne3A_211 : i1
      %sub3A = arith.constant 1 : i32
      %sub3A_212 = arith.subi %div3A, %sub3A : i32
      %select_n3A = arith.select %and3A, %sub3A_212, %div3A : i32
      %jit3A_213 = arith.constant 8 : i32
      %eq3A_214 = arith.constant 0 : i32
      %eq3A_215 = arith.cmpi eq, %jit3A_213, %eq3A_214 : i32
      %jit3A_216 = arith.constant 1 : i32
      %select_n3A_217 = arith.select %eq3A_215, %jit3A_216, %jit3A_213 : i32
      %rem3A_218 = arith.remsi %scan3A_196, %select_n3A_217 : i32
      %ne3A_219 = arith.constant 0 : i32
      %ne3A_220 = arith.cmpi ne, %rem3A_218, %ne3A_219 : i32
      %lt3A_221 = arith.constant 0 : i32
      %lt3A_222 = arith.cmpi slt, %rem3A_218, %lt3A_221 : i32
      %lt3A_223 = arith.constant 0 : i32
      %lt3A_224 = arith.cmpi slt, %select_n3A_217, %lt3A_223 : i32
      %ne3A_225 = arith.xori %lt3A_222, %lt3A_224 : i1
      %and3A_226 = arith.andi %ne3A_225, %ne3A_220 : i1
      %add3A = arith.addi %rem3A_218, %select_n3A_217 : i32
      %select_n3A_227 = arith.select %and3A_226, %add3A, %rem3A_218 : i32
      %mul3A_228 = arith.constant 16 : i32
      %mul3A_229 = arith.muli %select_n3A_227, %mul3A_228 : i32
      %swap3A = arith.index_cast %select_n3A : i32 to index
      %swap3A_230 = arith.index_cast %mul3A_229 : i32 to index
      %swap3A_231 = tpu.vector_load %arg10[%swap3A, %swap3A_230] {strides = array<i32>} : memref<32x128xf32, #tpu.memory_space<vmem>>, vector<16xf32>,
      tpu.vector_store %arg10[%swap3A, %swap3A_230], %broadcast_in_dim3A_1 {strides = array<i32>} : memref<32x128xf32, #tpu.memory_space<vmem>>, vector<16xf32>,
    }
    %scan3A_6 = arith.constant 256 : i32
    %lt3A = arith.constant 15 : i32
    %lt3A_7 = arith.cmpi slt, %arg1, %lt3A : i32
    %convert_element_type3A = arith.extui %lt3A_7 : i1 to i32
    %cond3A = arith.constant 0 : i32
    %cond3A_8 = arith.cmpi ne, %convert_element_type3A, %cond3A : i32
    scf.if %cond3A_8 {
      %mul3A_196 = arith.constant 632 : i32
      %mul3A_197 = arith.muli %arg1, %mul3A_196 : i32
      %add3A = arith.constant 0 : i32
      %add3A_198 = arith.addi %mul3A_197, %add3A : i32
      "tpu.region"() ({
        %run_scoped3A_237 = tpu.sem_alloc : memref<!tpu.dma_semaphore, #tpu.memory_space<semaphore_mem>>
        %dma_start3A_238 = arith.constant 0 : i32
        %dma_start3A_239 = tpu.memref_slice %arg11[%add3A_198, %dma_start3A_238] : memref<10000x128xf32, #tpu.memory_space<vmem_shared>> -> memref<32x128xf32, #tpu.memory_space<vmem_shared>>
        %dma_start3A_240 = arith.constant 0 : i32
        %dma_start3A_241 = tpu.memref_slice %arg11[%add3A_198, %dma_start3A_240] : memref<10000x128xf32, #tpu.memory_space<vmem_shared>> -> memref<32x128xf32, #tpu.memory_space<vmem_shared>>
        tpu.enqueue_dma source(%arg10 : memref<32x128xf32, #tpu.memory_space<vmem>>) target(%dma_start3A_241 : memref<32x128xf32, #tpu.memory_space<vmem_shared>>) target_semaphore(%run_scoped3A_237 : memref<!tpu.dma_semaphore, #tpu.memory_space<semaphore_mem>>)
        %dma_wait3A_242 = arith.constant 0 : i32
        %dma_wait3A_243 = tpu.memref_slice %arg11[%add3A_198, %dma_wait3A_242] : memref<10000x128xf32, #tpu.memory_space<vmem_shared>> -> memref<32x128xf32, #tpu.memory_space<vmem_shared>>
        %dma_wait3A_244 = arith.constant 0 : i32
        %dma_wait3A_245 = tpu.memref_slice %arg11[%add3A_198, %dma_wait3A_244] : memref<10000x128xf32, #tpu.memory_space<vmem_shared>> -> memref<32x128xf32, #tpu.memory_space<vmem_shared>>
        tpu.wait_dma2 semaphore(%run_scoped3A_237 : memref<!tpu.dma_semaphore, #tpu.memory_space<semaphore_mem>>) src(%arg10 : memref<32x128xf32, #tpu.memory_space<vmem>>) dst(%dma_wait3A_245 : memref<32x128xf32, #tpu.memory_space<vmem_shared>>)
        tpu.yield
      }) : () -> ()
      %add3A_199 = arith.constant 32 : i32
      %add3A_200 = arith.addi %mul3A_197, %add3A_199 : i32
      "tpu.region"() ({
        %run_scoped3A_237 = tpu.sem_alloc : memref<!tpu.dma_semaphore, #tpu.memory_space<semaphore_mem>>
        %dma_start3A_238 = arith.constant 0 : i32
        %dma_start3A_239 = tpu.memref_slice %arg11[%add3A_200, %dma_start3A_238] : memref<10000x128xf32, #tpu.memory_space<vmem_shared>> -> memref<32x128xf32, #tpu.memory_space<vmem_shared>>
        %dma_start3A_240 = arith.constant 0 : i32
        %dma_start3A_241 = tpu.memref_slice %arg11[%add3A_200, %dma_start3A_240] : memref<10000x128xf32, #tpu.memory_space<vmem_shared>> -> memref<32x128xf32, #tpu.memory_space<vmem_shared>>
        tpu.enqueue_dma source(%arg10 : memref<32x128xf32, #tpu.memory_space<vmem>>) target(%dma_start3A_241 : memref<32x128xf32, #tpu.memory_space<vmem_shared>>) target_semaphore(%run_scoped3A_237 : memref<!tpu.dma_semaphore, #tpu.memory_space<semaphore_mem>>)
        %dma_wait3A_242 = arith.constant 0 : i32
        %dma_wait3A_243 = tpu.memref_slice %arg11[%add3A_200, %dma_wait3A_242] : memref<10000x128xf32, #tpu.memory_space<vmem_shared>> -> memref<32x128xf32, #tpu.memory_space<vmem_shared>>
        %dma_wait3A_244 = arith.constant 0 : i32
        %dma_wait3A_245 = tpu.memref_slice %arg11[%add3A_200, %dma_wait3A_244] : memref<10000x128xf32, #tpu.memory_space<vmem_shared>> -> memref<32x128xf32, #tpu.memory_space<vmem_shared>>
        tpu.wait_dma2 semaphore(%run_scoped3A_237 : memref<!tpu.dma_semaphore, #tpu.memory_space<semaphore_mem>>) src(%arg10 : memref<32x128xf32, #tpu.memory_space<vmem>>) dst(%dma_wait3A_245 : memref<32x128xf32, #tpu.memory_space<vmem_shared>>)
        tpu.yield
      }) : () -> ()
      %add3A_201 = arith.constant 64 : i32
      %add3A_202 = arith.addi %mul3A_197, %add3A_201 : i32
      "tpu.region"() ({
        %run_scoped3A_237 = tpu.sem_alloc : memref<!tpu.dma_semaphore, #tpu.memory_space<semaphore_mem>>
        %dma_start3A_238 = arith.constant 0 : i32
        %dma_start3A_239 = tpu.memref_slice %arg11[%add3A_202, %dma_start3A_238] : memref<10000x128xf32, #tpu.memory_space<vmem_shared>> -> memref<32x128xf32, #tpu.memory_space<vmem_shared>>
        %dma_start3A_240 = arith.constant 0 : i32
        %dma_start3A_241 = tpu.memref_slice %arg11[%add3A_202, %dma_start3A_240] : memref<10000x128xf32, #tpu.memory_space<vmem_shared>> -> memref<32x128xf32, #tpu.memory_space<vmem_shared>>
        tpu.enqueue_dma source(%arg10 : memref<32x128xf32, #tpu.memory_space<vmem>>) target(%dma_start3A_241 : memref<32x128xf32, #tpu.memory_space<vmem_shared>>) target_semaphore(%run_scoped3A_237 : memref<!tpu.dma_semaphore, #tpu.memory_space<semaphore_mem>>)
        %dma_wait3A_242 = arith.constant 0 : i32
        %dma_wait3A_243 = tpu.memref_slice %arg11[%add3A_202, %dma_wait3A_242] : memref<10000x128xf32, #tpu.memory_space<vmem_shared>> -> memref<32x128xf32, #tpu.memory_space<vmem_shared>>
        %dma_wait3A_244 = arith.constant 0 : i32
        %dma_wait3A_245 = tpu.memref_slice %arg11[%add3A_202, %dma_wait3A_244] : memref<10000x128xf32, #tpu.memory_space<vmem_shared>> -> memref<32x128xf32, #tpu.memory_space<vmem_shared>>
        tpu.wait_dma2 semaphore(%run_scoped3A_237 : memref<!tpu.dma_semaphore, #tpu.memory_space<semaphore_mem>>) src(%arg10 : memref<32x128xf32, #tpu.memory_space<vmem>>) dst(%dma_wait3A_245 : memref<32x128xf32, #tpu.memory_space<vmem_shared>>)
        tpu.yield
      }) : () -> ()
      %add3A_203 = arith.constant 96 : i32
      %add3A_204 = arith.addi %mul3A_197, %add3A_203 : i32
      "tpu.region"() ({
        %run_scoped3A_237 = tpu.sem_alloc : memref<!tpu.dma_semaphore, #tpu.memory_space<semaphore_mem>>
        %dma_start3A_238 = arith.constant 0 : i32
        %dma_start3A_239 = tpu.memref_slice %arg11[%add3A_204, %dma_start3A_238] : memref<10000x128xf32, #tpu.memory_space<vmem_shared>> -> memref<32x128xf32, #tpu.memory_space<vmem_shared>>
        %dma_start3A_240 = arith.constant 0 : i32
        %dma_start3A_241 = tpu.memref_slice %arg11[%add3A_204, %dma_start3A_240] : memref<10000x128xf32, #tpu.memory_space<vmem_shared>> -> memref<32x128xf32, #tpu.memory_space<vmem_shared>>
        tpu.enqueue_dma source(%arg10 : memref<32x128xf32, #tpu.memory_space<vmem>>) target(%dma_start3A_241 : memref<32x128xf32, #tpu.memory_space<vmem_shared>>) target_semaphore(%run_scoped3A_237 : memref<!tpu.dma_semaphore, #tpu.memory_space<semaphore_mem>>)
        %dma_wait3A_242 = arith.constant 0 : i32
        %dma_wait3A_243 = tpu.memref_slice %arg11[%add3A_204, %dma_wait3A_242] : memref<10000x128xf32, #tpu.memory_space<vmem_shared>> -> memref<32x128xf32, #tpu.memory_space<vmem_shared>>
        %dma_wait3A_244 = arith.constant 0 : i32
        %dma_wait3A_245 = tpu.memref_slice %arg11[%add3A_204, %dma_wait3A_244] : memref<10000x128xf32, #tpu.memory_space<vmem_shared>> -> memref<32x128xf32, #tpu.memory_space<vmem_shared>>
        tpu.wait_dma2 semaphore(%run_scoped3A_237 : memref<!tpu.dma_semaphore, #tpu.memory_space<semaphore_mem>>) src(%arg10 : memref<32x128xf32, #tpu.memory_space<vmem>>) dst(%dma_wait3A_245 : memref<32x128xf32, #tpu.memory_space<vmem_shared>>)
        tpu.yield
      }) : () -> ()
      %add3A_205 = arith.constant 128 : i32
      %add3A_206 = arith.addi %mul3A_197, %add3A_205 : i32
      "tpu.region"() ({
        %run_scoped3A_237 = tpu.sem_alloc : memref<!tpu.dma_semaphore, #tpu.memory_space<semaphore_mem>>
        %dma_start3A_238 = arith.constant 0 : i32
        %dma_start3A_239 = tpu.memref_slice %arg11[%add3A_206, %dma_start3A_238] : memref<10000x128xf32, #tpu.memory_space<vmem_shared>> -> memref<32x128xf32, #tpu.memory_space<vmem_shared>>
        %dma_start3A_240 = arith.constant 0 : i32
        %dma_start3A_241 = tpu.memref_slice %arg11[%add3A_206, %dma_start3A_240] : memref<10000x128xf32, #tpu.memory_space<vmem_shared>> -> memref<32x128xf32, #tpu.memory_space<vmem_shared>>
        tpu.enqueue_dma source(%arg10 : memref<32x128xf32, #tpu.memory_space<vmem>>) target(%dma_start3A_241 : memref<32x128xf32, #tpu.memory_space<vmem_shared>>) target_semaphore(%run_scoped3A_237 : memref<!tpu.dma_semaphore, #tpu.memory_space<semaphore_mem>>)
        %dma_wait3A_242 = arith.constant 0 : i32
        %dma_wait3A_243 = tpu.memref_slice %arg11[%add3A_206, %dma_wait3A_242] : memref<10000x128xf32, #tpu.memory_space<vmem_shared>> -> memref<32x128xf32, #tpu.memory_space<vmem_shared>>
        %dma_wait3A_244 = arith.constant 0 : i32
        %dma_wait3A_245 = tpu.memref_slice %arg11[%add3A_206, %dma_wait3A_244] : memref<10000x128xf32, #tpu.memory_space<vmem_shared>> -> memref<32x128xf32, #tpu.memory_space<vmem_shared>>
        tpu.wait_dma2 semaphore(%run_scoped3A_237 : memref<!tpu.dma_semaphore, #tpu.memory_space<semaphore_mem>>) src(%arg10 : memref<32x128xf32, #tpu.memory_space<vmem>>) dst(%dma_wait3A_245 : memref<32x128xf32, #tpu.memory_space<vmem_shared>>)
        tpu.yield
      }) : () -> ()
      %add3A_207 = arith.constant 160 : i32
      %add3A_208 = arith.addi %mul3A_197, %add3A_207 : i32
      "tpu.region"() ({
        %run_scoped3A_237 = tpu.sem_alloc : memref<!tpu.dma_semaphore, #tpu.memory_space<semaphore_mem>>
        %dma_start3A_238 = arith.constant 0 : i32
        %dma_start3A_239 = tpu.memref_slice %arg11[%add3A_208, %dma_start3A_238] : memref<10000x128xf32, #tpu.memory_space<vmem_shared>> -> memref<32x128xf32, #tpu.memory_space<vmem_shared>>
        %dma_start3A_240 = arith.constant 0 : i32
        %dma_start3A_241 = tpu.memref_slice %arg11[%add3A_208, %dma_start3A_240] : memref<10000x128xf32, #tpu.memory_space<vmem_shared>> -> memref<32x128xf32, #tpu.memory_space<vmem_shared>>
        tpu.enqueue_dma source(%arg10 : memref<32x128xf32, #tpu.memory_space<vmem>>) target(%dma_start3A_241 : memref<32x128xf32, #tpu.memory_space<vmem_shared>>) target_semaphore(%run_scoped3A_237 : memref<!tpu.dma_semaphore, #tpu.memory_space<semaphore_mem>>)
        %dma_wait3A_242 = arith.constant 0 : i32
        %dma_wait3A_243 = tpu.memref_slice %arg11[%add3A_208, %dma_wait3A_242] : memref<10000x128xf32, #tpu.memory_space<vmem_shared>> -> memref<32x128xf32, #tpu.memory_space<vmem_shared>>
        %dma_wait3A_244 = arith.constant 0 : i32
        %dma_wait3A_245 = tpu.memref_slice %arg11[%add3A_208, %dma_wait3A_244] : memref<10000x128xf32, #tpu.memory_space<vmem_shared>> -> memref<32x128xf32, #tpu.memory_space<vmem_shared>>
        tpu.wait_dma2 semaphore(%run_scoped3A_237 : memref<!tpu.dma_semaphore, #tpu.memory_space<semaphore_mem>>) src(%arg10 : memref<32x128xf32, #tpu.memory_space<vmem>>) dst(%dma_wait3A_245 : memref<32x128xf32, #tpu.memory_space<vmem_shared>>)
        tpu.yield
      }) : () -> ()
      %add3A_209 = arith.constant 192 : i32
      %add3A_210 = arith.addi %mul3A_197, %add3A_209 : i32
      "tpu.region"() ({
        %run_scoped3A_237 = tpu.sem_alloc : memref<!tpu.dma_semaphore, #tpu.memory_space<semaphore_mem>>
        %dma_start3A_238 = arith.constant 0 : i32
        %dma_start3A_239 = tpu.memref_slice %arg11[%add3A_210, %dma_start3A_238] : memref<10000x128xf32, #tpu.memory_space<vmem_shared>> -> memref<32x128xf32, #tpu.memory_space<vmem_shared>>
        %dma_start3A_240 = arith.constant 0 : i32
        %dma_start3A_241 = tpu.memref_slice %arg11[%add3A_210, %dma_start3A_240] : memref<10000x128xf32, #tpu.memory_space<vmem_shared>> -> memref<32x128xf32, #tpu.memory_space<vmem_shared>>
        tpu.enqueue_dma source(%arg10 : memref<32x128xf32, #tpu.memory_space<vmem>>) target(%dma_start3A_241 : memref<32x128xf32, #tpu.memory_space<vmem_shared>>) target_semaphore(%run_scoped3A_237 : memref<!tpu.dma_semaphore, #tpu.memory_space<semaphore_mem>>)
        %dma_wait3A_242 = arith.constant 0 : i32
        %dma_wait3A_243 = tpu.memref_slice %arg11[%add3A_210, %dma_wait3A_242] : memref<10000x128xf32, #tpu.memory_space<vmem_shared>> -> memref<32x128xf32, #tpu.memory_space<vmem_shared>>
        %dma_wait3A_244 = arith.constant 0 : i32
        %dma_wait3A_245 = tpu.memref_slice %arg11[%add3A_210, %dma_wait3A_244] : memref<10000x128xf32, #tpu.memory_space<vmem_shared>> -> memref<32x128xf32, #tpu.memory_space<vmem_shared>>
        tpu.wait_dma2 semaphore(%run_scoped3A_237 : memref<!tpu.dma_semaphore, #tpu.memory_space<semaphore_mem>>) src(%arg10 : memref<32x128xf32, #tpu.memory_space<vmem>>) dst(%dma_wait3A_245 : memref<32x128xf32, #tpu.memory_space<vmem_shared>>)
        tpu.yield
      }) : () -> ()
      %add3A_211 = arith.constant 224 : i32
      %add3A_212 = arith.addi %mul3A_197, %add3A_211 : i32
      "tpu.region"() ({
        %run_scoped3A_237 = tpu.sem_alloc : memref<!tpu.dma_semaphore, #tpu.memory_space<semaphore_mem>>
        %dma_start3A_238 = arith.constant 0 : i32
        %dma_start3A_239 = tpu.memref_slice %arg11[%add3A_212, %dma_start3A_238] : memref<10000x128xf32, #tpu.memory_space<vmem_shared>> -> memref<32x128xf32, #tpu.memory_space<vmem_shared>>
        %dma_start3A_240 = arith.constant 0 : i32
        %dma_start3A_241 = tpu.memref_slice %arg11[%add3A_212, %dma_start3A_240] : memref<10000x128xf32, #tpu.memory_space<vmem_shared>> -> memref<32x128xf32, #tpu.memory_space<vmem_shared>>
        tpu.enqueue_dma source(%arg10 : memref<32x128xf32, #tpu.memory_space<vmem>>) target(%dma_start3A_241 : memref<32x128xf32, #tpu.memory_space<vmem_shared>>) target_semaphore(%run_scoped3A_237 : memref<!tpu.dma_semaphore, #tpu.memory_space<semaphore_mem>>)
        %dma_wait3A_242 = arith.constant 0 : i32
        %dma_wait3A_243 = tpu.memref_slice %arg11[%add3A_212, %dma_wait3A_242] : memref<10000x128xf32, #tpu.memory_space<vmem_shared>> -> memref<32x128xf32, #tpu.memory_space<vmem_shared>>
        %dma_wait3A_244 = arith.constant 0 : i32
        %dma_wait3A_245 = tpu.memref_slice %arg11[%add3A_212, %dma_wait3A_244] : memref<10000x128xf32, #tpu.memory_space<vmem_shared>> -> memref<32x128xf32, #tpu.memory_space<vmem_shared>>
        tpu.wait_dma2 semaphore(%run_scoped3A_237 : memref<!tpu.dma_semaphore, #tpu.memory_space<semaphore_mem>>) src(%arg10 : memref<32x128xf32, #tpu.memory_space<vmem>>) dst(%dma_wait3A_245 : memref<32x128xf32, #tpu.memory_space<vmem_shared>>)
        tpu.yield
      }) : () -> ()
      %add3A_213 = arith.constant 256 : i32
      %add3A_214 = arith.addi %mul3A_197, %add3A_213 : i32
      "tpu.region"() ({
        %run_scoped3A_237 = tpu.sem_alloc : memref<!tpu.dma_semaphore, #tpu.memory_space<semaphore_mem>>
        %dma_start3A_238 = arith.constant 0 : i32
        %dma_start3A_239 = tpu.memref_slice %arg11[%add3A_214, %dma_start3A_238] : memref<10000x128xf32, #tpu.memory_space<vmem_shared>> -> memref<32x128xf32, #tpu.memory_space<vmem_shared>>
        %dma_start3A_240 = arith.constant 0 : i32
        %dma_start3A_241 = tpu.memref_slice %arg11[%add3A_214, %dma_start3A_240] : memref<10000x128xf32, #tpu.memory_space<vmem_shared>> -> memref<32x128xf32, #tpu.memory_space<vmem_shared>>
        tpu.enqueue_dma source(%arg10 : memref<32x128xf32, #tpu.memory_space<vmem>>) target(%dma_start3A_241 : memref<32x128xf32, #tpu.memory_space<vmem_shared>>) target_semaphore(%run_scoped3A_237 : memref<!tpu.dma_semaphore, #tpu.memory_space<semaphore_mem>>)
        %dma_wait3A_242 = arith.constant 0 : i32
        %dma_wait3A_243 = tpu.memref_slice %arg11[%add3A_214, %dma_wait3A_242] : memref<10000x128xf32, #tpu.memory_space<vmem_shared>> -> memref<32x128xf32, #tpu.memory_space<vmem_shared>>
        %dma_wait3A_244 = arith.constant 0 : i32
        %dma_wait3A_245 = tpu.memref_slice %arg11[%add3A_214, %dma_wait3A_244] : memref<10000x128xf32, #tpu.memory_space<vmem_shared>> -> memref<32x128xf32, #tpu.memory_space<vmem_shared>>
        tpu.wait_dma2 semaphore(%run_scoped3A_237 : memref<!tpu.dma_semaphore, #tpu.memory_space<semaphore_mem>>) src(%arg10 : memref<32x128xf32, #tpu.memory_space<vmem>>) dst(%dma_wait3A_245 : memref<32x128xf32, #tpu.memory_space<vmem_shared>>)
        tpu.yield
      }) : () -> ()
      %add3A_215 = arith.constant 288 : i32
      %add3A_216 = arith.addi %mul3A_197, %add3A_215 : i32
      "tpu.region"() ({
        %run_scoped3A_237 = tpu.sem_alloc : memref<!tpu.dma_semaphore, #tpu.memory_space<semaphore_mem>>
        %dma_start3A_238 = arith.constant 0 : i32
        %dma_start3A_239 = tpu.memref_slice %arg11[%add3A_216, %dma_start3A_238] : memref<10000x128xf32, #tpu.memory_space<vmem_shared>> -> memref<32x128xf32, #tpu.memory_space<vmem_shared>>
        %dma_start3A_240 = arith.constant 0 : i32
        %dma_start3A_241 = tpu.memref_slice %arg11[%add3A_216, %dma_start3A_240] : memref<10000x128xf32, #tpu.memory_space<vmem_shared>> -> memref<32x128xf32, #tpu.memory_space<vmem_shared>>
        tpu.enqueue_dma source(%arg10 : memref<32x128xf32, #tpu.memory_space<vmem>>) target(%dma_start3A_241 : memref<32x128xf32, #tpu.memory_space<vmem_shared>>) target_semaphore(%run_scoped3A_237 : memref<!tpu.dma_semaphore, #tpu.memory_space<semaphore_mem>>)
        %dma_wait3A_242 = arith.constant 0 : i32
        %dma_wait3A_243 = tpu.memref_slice %arg11[%add3A_216, %dma_wait3A_242] : memref<10000x128xf32, #tpu.memory_space<vmem_shared>> -> memref<32x128xf32, #tpu.memory_space<vmem_shared>>
        %dma_wait3A_244 = arith.constant 0 : i32
        %dma_wait3A_245 = tpu.memref_slice %arg11[%add3A_216, %dma_wait3A_244] : memref<10000x128xf32, #tpu.memory_space<vmem_shared>> -> memref<32x128xf32, #tpu.memory_space<vmem_shared>>
        tpu.wait_dma2 semaphore(%run_scoped3A_237 : memref<!tpu.dma_semaphore, #tpu.memory_space<semaphore_mem>>) src(%arg10 : memref<32x128xf32, #tpu.memory_space<vmem>>) dst(%dma_wait3A_245 : memref<32x128xf32, #tpu.memory_space<vmem_shared>>)
        tpu.yield
      }) : () -> ()
      %add3A_217 = arith.constant 320 : i32
      %add3A_218 = arith.addi %mul3A_197, %add3A_217 : i32
      "tpu.region"() ({
        %run_scoped3A_237 = tpu.sem_alloc : memref<!tpu.dma_semaphore, #tpu.memory_space<semaphore_mem>>
        %dma_start3A_238 = arith.constant 0 : i32
        %dma_start3A_239 = tpu.memref_slice %arg11[%add3A_218, %dma_start3A_238] : memref<10000x128xf32, #tpu.memory_space<vmem_shared>> -> memref<32x128xf32, #tpu.memory_space<vmem_shared>>
        %dma_start3A_240 = arith.constant 0 : i32
        %dma_start3A_241 = tpu.memref_slice %arg11[%add3A_218, %dma_start3A_240] : memref<10000x128xf32, #tpu.memory_space<vmem_shared>> -> memref<32x128xf32, #tpu.memory_space<vmem_shared>>
        tpu.enqueue_dma source(%arg10 : memref<32x128xf32, #tpu.memory_space<vmem>>) target(%dma_start3A_241 : memref<32x128xf32, #tpu.memory_space<vmem_shared>>) target_semaphore(%run_scoped3A_237 : memref<!tpu.dma_semaphore, #tpu.memory_space<semaphore_mem>>)
        %dma_wait3A_242 = arith.constant 0 : i32
        %dma_wait3A_243 = tpu.memref_slice %arg11[%add3A_218, %dma_wait3A_242] : memref<10000x128xf32, #tpu.memory_space<vmem_shared>> -> memref<32x128xf32, #tpu.memory_space<vmem_shared>>
        %dma_wait3A_244 = arith.constant 0 : i32
        %dma_wait3A_245 = tpu.memref_slice %arg11[%add3A_218, %dma_wait3A_244] : memref<10000x128xf32, #tpu.memory_space<vmem_shared>> -> memref<32x128xf32, #tpu.memory_space<vmem_shared>>
        tpu.wait_dma2 semaphore(%run_scoped3A_237 : memref<!tpu.dma_semaphore, #tpu.memory_space<semaphore_mem>>) src(%arg10 : memref<32x128xf32, #tpu.memory_space<vmem>>) dst(%dma_wait3A_245 : memref<32x128xf32, #tpu.memory_space<vmem_shared>>)
        tpu.yield
      }) : () -> ()
      %add3A_219 = arith.constant 352 : i32
      %add3A_220 = arith.addi %mul3A_197, %add3A_219 : i32
      "tpu.region"() ({
        %run_scoped3A_237 = tpu.sem_alloc : memref<!tpu.dma_semaphore, #tpu.memory_space<semaphore_mem>>
        %dma_start3A_238 = arith.constant 0 : i32
        %dma_start3A_239 = tpu.memref_slice %arg11[%add3A_220, %dma_start3A_238] : memref<10000x128xf32, #tpu.memory_space<vmem_shared>> -> memref<32x128xf32, #tpu.memory_space<vmem_shared>>
        %dma_start3A_240 = arith.constant 0 : i32
        %dma_start3A_241 = tpu.memref_slice %arg11[%add3A_220, %dma_start3A_240] : memref<10000x128xf32, #tpu.memory_space<vmem_shared>> -> memref<32x128xf32, #tpu.memory_space<vmem_shared>>
        tpu.enqueue_dma source(%arg10 : memref<32x128xf32, #tpu.memory_space<vmem>>) target(%dma_start3A_241 : memref<32x128xf32, #tpu.memory_space<vmem_shared>>) target_semaphore(%run_scoped3A_237 : memref<!tpu.dma_semaphore, #tpu.memory_space<semaphore_mem>>)
        %dma_wait3A_242 = arith.constant 0 : i32
        %dma_wait3A_243 = tpu.memref_slice %arg11[%add3A_220, %dma_wait3A_242] : memref<10000x128xf32, #tpu.memory_space<vmem_shared>> -> memref<32x128xf32, #tpu.memory_space<vmem_shared>>
        %dma_wait3A_244 = arith.constant 0 : i32
        %dma_wait3A_245 = tpu.memref_slice %arg11[%add3A_220, %dma_wait3A_244] : memref<10000x128xf32, #tpu.memory_space<vmem_shared>> -> memref<32x128xf32, #tpu.memory_space<vmem_shared>>
        tpu.wait_dma2 semaphore(%run_scoped3A_237 : memref<!tpu.dma_semaphore, #tpu.memory_space<semaphore_mem>>) src(%arg10 : memref<32x128xf32, #tpu.memory_space<vmem>>) dst(%dma_wait3A_245 : memref<32x128xf32, #tpu.memory_space<vmem_shared>>)
        tpu.yield
      }) : () -> ()
      %add3A_221 = arith.constant 384 : i32
      %add3A_222 = arith.addi %mul3A_197, %add3A_221 : i32
      "tpu.region"() ({
        %run_scoped3A_237 = tpu.sem_alloc : memref<!tpu.dma_semaphore, #tpu.memory_space<semaphore_mem>>
        %dma_start3A_238 = arith.constant 0 : i32
        %dma_start3A_239 = tpu.memref_slice %arg11[%add3A_222, %dma_start3A_238] : memref<10000x128xf32, #tpu.memory_space<vmem_shared>> -> memref<32x128xf32, #tpu.memory_space<vmem_shared>>
        %dma_start3A_240 = arith.constant 0 : i32
        %dma_start3A_241 = tpu.memref_slice %arg11[%add3A_222, %dma_start3A_240] : memref<10000x128xf32, #tpu.memory_space<vmem_shared>> -> memref<32x128xf32, #tpu.memory_space<vmem_shared>>
        tpu.enqueue_dma source(%arg10 : memref<32x128xf32, #tpu.memory_space<vmem>>) target(%dma_start3A_241 : memref<32x128xf32, #tpu.memory_space<vmem_shared>>) target_semaphore(%run_scoped3A_237 : memref<!tpu.dma_semaphore, #tpu.memory_space<semaphore_mem>>)
        %dma_wait3A_242 = arith.constant 0 : i32
        %dma_wait3A_243 = tpu.memref_slice %arg11[%add3A_222, %dma_wait3A_242] : memref<10000x128xf32, #tpu.memory_space<vmem_shared>> -> memref<32x128xf32, #tpu.memory_space<vmem_shared>>
        %dma_wait3A_244 = arith.constant 0 : i32
        %dma_wait3A_245 = tpu.memref_slice %arg11[%add3A_222, %dma_wait3A_244] : memref<10000x128xf32, #tpu.memory_space<vmem_shared>> -> memref<32x128xf32, #tpu.memory_space<vmem_shared>>
        tpu.wait_dma2 semaphore(%run_scoped3A_237 : memref<!tpu.dma_semaphore, #tpu.memory_space<semaphore_mem>>) src(%arg10 : memref<32x128xf32, #tpu.memory_space<vmem>>) dst(%dma_wait3A_245 : memref<32x128xf32, #tpu.memory_space<vmem_shared>>)
        tpu.yield
      }) : () -> ()
      %add3A_223 = arith.constant 416 : i32
      %add3A_224 = arith.addi %mul3A_197, %add3A_223 : i32
      "tpu.region"() ({
        %run_scoped3A_237 = tpu.sem_alloc : memref<!tpu.dma_semaphore, #tpu.memory_space<semaphore_mem>>
        %dma_start3A_238 = arith.constant 0 : i32
        %dma_start3A_239 = tpu.memref_slice %arg11[%add3A_224, %dma_start3A_238] : memref<10000x128xf32, #tpu.memory_space<vmem_shared>> -> memref<32x128xf32, #tpu.memory_space<vmem_shared>>
        %dma_start3A_240 = arith.constant 0 : i32
        %dma_start3A_241 = tpu.memref_slice %arg11[%add3A_224, %dma_start3A_240] : memref<10000x128xf32, #tpu.memory_space<vmem_shared>> -> memref<32x128xf32, #tpu.memory_space<vmem_shared>>
        tpu.enqueue_dma source(%arg10 : memref<32x128xf32, #tpu.memory_space<vmem>>) target(%dma_start3A_241 : memref<32x128xf32, #tpu.memory_space<vmem_shared>>) target_semaphore(%run_scoped3A_237 : memref<!tpu.dma_semaphore, #tpu.memory_space<semaphore_mem>>)
        %dma_wait3A_242 = arith.constant 0 : i32
        %dma_wait3A_243 = tpu.memref_slice %arg11[%add3A_224, %dma_wait3A_242] : memref<10000x128xf32, #tpu.memory_space<vmem_shared>> -> memref<32x128xf32, #tpu.memory_space<vmem_shared>>
        %dma_wait3A_244 = arith.constant 0 : i32
        %dma_wait3A_245 = tpu.memref_slice %arg11[%add3A_224, %dma_wait3A_244] : memref<10000x128xf32, #tpu.memory_space<vmem_shared>> -> memref<32x128xf32, #tpu.memory_space<vmem_shared>>
        tpu.wait_dma2 semaphore(%run_scoped3A_237 : memref<!tpu.dma_semaphore, #tpu.memory_space<semaphore_mem>>) src(%arg10 : memref<32x128xf32, #tpu.memory_space<vmem>>) dst(%dma_wait3A_245 : memref<32x128xf32, #tpu.memory_space<vmem_shared>>)
        tpu.yield
      }) : () -> ()
      %add3A_225 = arith.constant 448 : i32
      %add3A_226 = arith.addi %mul3A_197, %add3A_225 : i32
      "tpu.region"() ({
        %run_scoped3A_237 = tpu.sem_alloc : memref<!tpu.dma_semaphore, #tpu.memory_space<semaphore_mem>>
        %dma_start3A_238 = arith.constant 0 : i32
        %dma_start3A_239 = tpu.memref_slice %arg11[%add3A_226, %dma_start3A_238] : memref<10000x128xf32, #tpu.memory_space<vmem_shared>> -> memref<32x128xf32, #tpu.memory_space<vmem_shared>>
        %dma_start3A_240 = arith.constant 0 : i32
        %dma_start3A_241 = tpu.memref_slice %arg11[%add3A_226, %dma_start3A_240] : memref<10000x128xf32, #tpu.memory_space<vmem_shared>> -> memref<32x128xf32, #tpu.memory_space<vmem_shared>>
        tpu.enqueue_dma source(%arg10 : memref<32x128xf32, #tpu.memory_space<vmem>>) target(%dma_start3A_241 : memref<32x128xf32, #tpu.memory_space<vmem_shared>>) target_semaphore(%run_scoped3A_237 : memref<!tpu.dma_semaphore, #tpu.memory_space<semaphore_mem>>)
        %dma_wait3A_242 = arith.constant 0 : i32
        %dma_wait3A_243 = tpu.memref_slice %arg11[%add3A_226, %dma_wait3A_242] : memref<10000x128xf32, #tpu.memory_space<vmem_shared>> -> memref<32x128xf32, #tpu.memory_space<vmem_shared>>
        %dma_wait3A_244 = arith.constant 0 : i32
        %dma_wait3A_245 = tpu.memref_slice %arg11[%add3A_226, %dma_wait3A_244] : memref<10000x128xf32, #tpu.memory_space<vmem_shared>> -> memref<32x128xf32, #tpu.memory_space<vmem_shared>>
        tpu.wait_dma2 semaphore(%run_scoped3A_237 : memref<!tpu.dma_semaphore, #tpu.memory_space<semaphore_mem>>) src(%arg10 : memref<32x128xf32, #tpu.memory_space<vmem>>) dst(%dma_wait3A_245 : memref<32x128xf32, #tpu.memory_space<vmem_shared>>)
        tpu.yield
      }) : () -> ()
      %add3A_227 = arith.constant 480 : i32
      %add3A_228 = arith.addi %mul3A_197, %add3A_227 : i32
      "tpu.region"() ({
        %run_scoped3A_237 = tpu.sem_alloc : memref<!tpu.dma_semaphore, #tpu.memory_space<semaphore_mem>>
        %dma_start3A_238 = arith.constant 0 : i32
        %dma_start3A_239 = tpu.memref_slice %arg11[%add3A_228, %dma_start3A_238] : memref<10000x128xf32, #tpu.memory_space<vmem_shared>> -> memref<32x128xf32, #tpu.memory_space<vmem_shared>>
        %dma_start3A_240 = arith.constant 0 : i32
        %dma_start3A_241 = tpu.memref_slice %arg11[%add3A_228, %dma_start3A_240] : memref<10000x128xf32, #tpu.memory_space<vmem_shared>> -> memref<32x128xf32, #tpu.memory_space<vmem_shared>>
        tpu.enqueue_dma source(%arg10 : memref<32x128xf32, #tpu.memory_space<vmem>>) target(%dma_start3A_241 : memref<32x128xf32, #tpu.memory_space<vmem_shared>>) target_semaphore(%run_scoped3A_237 : memref<!tpu.dma_semaphore, #tpu.memory_space<semaphore_mem>>)
        %dma_wait3A_242 = arith.constant 0 : i32
        %dma_wait3A_243 = tpu.memref_slice %arg11[%add3A_228, %dma_wait3A_242] : memref<10000x128xf32, #tpu.memory_space<vmem_shared>> -> memref<32x128xf32, #tpu.memory_space<vmem_shared>>
        %dma_wait3A_244 = arith.constant 0 : i32
        %dma_wait3A_245 = tpu.memref_slice %arg11[%add3A_228, %dma_wait3A_244] : memref<10000x128xf32, #tpu.memory_space<vmem_shared>> -> memref<32x128xf32, #tpu.memory_space<vmem_shared>>
        tpu.wait_dma2 semaphore(%run_scoped3A_237 : memref<!tpu.dma_semaphore, #tpu.memory_space<semaphore_mem>>) src(%arg10 : memref<32x128xf32, #tpu.memory_space<vmem>>) dst(%dma_wait3A_245 : memref<32x128xf32, #tpu.memory_space<vmem_shared>>)
        tpu.yield
      }) : () -> ()
      %add3A_229 = arith.constant 512 : i32
      %add3A_230 = arith.addi %mul3A_197, %add3A_229 : i32
      "tpu.region"() ({
        %run_scoped3A_237 = tpu.sem_alloc : memref<!tpu.dma_semaphore, #tpu.memory_space<semaphore_mem>>
        %dma_start3A_238 = arith.constant 0 : i32
        %dma_start3A_239 = tpu.memref_slice %arg11[%add3A_230, %dma_start3A_238] : memref<10000x128xf32, #tpu.memory_space<vmem_shared>> -> memref<32x128xf32, #tpu.memory_space<vmem_shared>>
        %dma_start3A_240 = arith.constant 0 : i32
        %dma_start3A_241 = tpu.memref_slice %arg11[%add3A_230, %dma_start3A_240] : memref<10000x128xf32, #tpu.memory_space<vmem_shared>> -> memref<32x128xf32, #tpu.memory_space<vmem_shared>>
        tpu.enqueue_dma source(%arg10 : memref<32x128xf32, #tpu.memory_space<vmem>>) target(%dma_start3A_241 : memref<32x128xf32, #tpu.memory_space<vmem_shared>>) target_semaphore(%run_scoped3A_237 : memref<!tpu.dma_semaphore, #tpu.memory_space<semaphore_mem>>)
        %dma_wait3A_242 = arith.constant 0 : i32
        %dma_wait3A_243 = tpu.memref_slice %arg11[%add3A_230, %dma_wait3A_242] : memref<10000x128xf32, #tpu.memory_space<vmem_shared>> -> memref<32x128xf32, #tpu.memory_space<vmem_shared>>
        %dma_wait3A_244 = arith.constant 0 : i32
        %dma_wait3A_245 = tpu.memref_slice %arg11[%add3A_230, %dma_wait3A_244] : memref<10000x128xf32, #tpu.memory_space<vmem_shared>> -> memref<32x128xf32, #tpu.memory_space<vmem_shared>>
        tpu.wait_dma2 semaphore(%run_scoped3A_237 : memref<!tpu.dma_semaphore, #tpu.memory_space<semaphore_mem>>) src(%arg10 : memref<32x128xf32, #tpu.memory_space<vmem>>) dst(%dma_wait3A_245 : memref<32x128xf32, #tpu.memory_space<vmem_shared>>)
        tpu.yield
      }) : () -> ()
      %add3A_231 = arith.constant 544 : i32
      %add3A_232 = arith.addi %mul3A_197, %add3A_231 : i32
      "tpu.region"() ({
        %run_scoped3A_237 = tpu.sem_alloc : memref<!tpu.dma_semaphore, #tpu.memory_space<semaphore_mem>>
        %dma_start3A_238 = arith.constant 0 : i32
        %dma_start3A_239 = tpu.memref_slice %arg11[%add3A_232, %dma_start3A_238] : memref<10000x128xf32, #tpu.memory_space<vmem_shared>> -> memref<32x128xf32, #tpu.memory_space<vmem_shared>>
        %dma_start3A_240 = arith.constant 0 : i32
        %dma_start3A_241 = tpu.memref_slice %arg11[%add3A_232, %dma_start3A_240] : memref<10000x128xf32, #tpu.memory_space<vmem_shared>> -> memref<32x128xf32, #tpu.memory_space<vmem_shared>>
        tpu.enqueue_dma source(%arg10 : memref<32x128xf32, #tpu.memory_space<vmem>>) target(%dma_start3A_241 : memref<32x128xf32, #tpu.memory_space<vmem_shared>>) target_semaphore(%run_scoped3A_237 : memref<!tpu.dma_semaphore, #tpu.memory_space<semaphore_mem>>)
        %dma_wait3A_242 = arith.constant 0 : i32
        %dma_wait3A_243 = tpu.memref_slice %arg11[%add3A_232, %dma_wait3A_242] : memref<10000x128xf32, #tpu.memory_space<vmem_shared>> -> memref<32x128xf32, #tpu.memory_space<vmem_shared>>
        %dma_wait3A_244 = arith.constant 0 : i32
        %dma_wait3A_245 = tpu.memref_slice %arg11[%add3A_232, %dma_wait3A_244] : memref<10000x128xf32, #tpu.memory_space<vmem_shared>> -> memref<32x128xf32, #tpu.memory_space<vmem_shared>>
        tpu.wait_dma2 semaphore(%run_scoped3A_237 : memref<!tpu.dma_semaphore, #tpu.memory_space<semaphore_mem>>) src(%arg10 : memref<32x128xf32, #tpu.memory_space<vmem>>) dst(%dma_wait3A_245 : memref<32x128xf32, #tpu.memory_space<vmem_shared>>)
        tpu.yield
      }) : () -> ()
      %add3A_233 = arith.constant 576 : i32
      %add3A_234 = arith.addi %mul3A_197, %add3A_233 : i32
      "tpu.region"() ({
        %run_scoped3A_237 = tpu.sem_alloc : memref<!tpu.dma_semaphore, #tpu.memory_space<semaphore_mem>>
        %dma_start3A_238 = arith.constant 0 : i32
        %dma_start3A_239 = tpu.memref_slice %arg11[%add3A_234, %dma_start3A_238] : memref<10000x128xf32, #tpu.memory_space<vmem_shared>> -> memref<32x128xf32, #tpu.memory_space<vmem_shared>>
        %dma_start3A_240 = arith.constant 0 : i32
        %dma_start3A_241 = tpu.memref_slice %arg11[%add3A_234, %dma_start3A_240] : memref<10000x128xf32, #tpu.memory_space<vmem_shared>> -> memref<32x128xf32, #tpu.memory_space<vmem_shared>>
        tpu.enqueue_dma source(%arg10 : memref<32x128xf32, #tpu.memory_space<vmem>>) target(%dma_start3A_241 : memref<32x128xf32, #tpu.memory_space<vmem_shared>>) target_semaphore(%run_scoped3A_237 : memref<!tpu.dma_semaphore, #tpu.memory_space<semaphore_mem>>)
        %dma_wait3A_242 = arith.constant 0 : i32
        %dma_wait3A_243 = tpu.memref_slice %arg11[%add3A_234, %dma_wait3A_242] : memref<10000x128xf32, #tpu.memory_space<vmem_shared>> -> memref<32x128xf32, #tpu.memory_space<vmem_shared>>
        %dma_wait3A_244 = arith.constant 0 : i32
        %dma_wait3A_245 = tpu.memref_slice %arg11[%add3A_234, %dma_wait3A_244] : memref<10000x128xf32, #tpu.memory_space<vmem_shared>> -> memref<32x128xf32, #tpu.memory_space<vmem_shared>>
        tpu.wait_dma2 semaphore(%run_scoped3A_237 : memref<!tpu.dma_semaphore, #tpu.memory_space<semaphore_mem>>) src(%arg10 : memref<32x128xf32, #tpu.memory_space<vmem>>) dst(%dma_wait3A_245 : memref<32x128xf32, #tpu.memory_space<vmem_shared>>)
        tpu.yield
      }) : () -> ()
      %add3A_235 = arith.constant 608 : i32
      %add3A_236 = arith.addi %mul3A_197, %add3A_235 : i32
      "tpu.region"() ({
        %run_scoped3A_237 = tpu.sem_alloc : memref<!tpu.dma_semaphore, #tpu.memory_space<semaphore_mem>>
        %dma_start3A_238 = arith.constant 0 : i32
        %dma_start3A_239 = arith.constant 0 : i32
        %dma_start3A_240 = tpu.memref_slice %arg10[%dma_start3A_238, %dma_start3A_239] : memref<32x128xf32, #tpu.memory_space<vmem>> -> memref<24x128xf32, #tpu.memory_space<vmem>>
        %dma_start3A_241 = arith.constant 0 : i32
        %dma_start3A_242 = tpu.memref_slice %arg11[%add3A_236, %dma_start3A_241] : memref<10000x128xf32, #tpu.memory_space<vmem_shared>> -> memref<24x128xf32, #tpu.memory_space<vmem_shared>>
        %dma_start3A_243 = arith.constant 0 : i32
        %dma_start3A_244 = tpu.memref_slice %arg11[%add3A_236, %dma_start3A_243] : memref<10000x128xf32, #tpu.memory_space<vmem_shared>> -> memref<24x128xf32, #tpu.memory_space<vmem_shared>>
        %dma_start3A_245 = arith.constant 0 : i32
        %dma_start3A_246 = arith.constant 0 : i32
        %dma_start3A_247 = tpu.memref_slice %arg10[%dma_start3A_245, %dma_start3A_246] : memref<32x128xf32, #tpu.memory_space<vmem>> -> memref<24x128xf32, #tpu.memory_space<vmem>>
        tpu.enqueue_dma source(%dma_start3A_247 : memref<24x128xf32, #tpu.memory_space<vmem>>) target(%dma_start3A_244 : memref<24x128xf32, #tpu.memory_space<vmem_shared>>) target_semaphore(%run_scoped3A_237 : memref<!tpu.dma_semaphore, #tpu.memory_space<semaphore_mem>>)
        %dma_wait3A_248 = arith.constant 0 : i32
        %dma_wait3A_249 = arith.constant 0 : i32
        %dma_wait3A_250 = tpu.memref_slice %arg10[%dma_wait3A_248, %dma_wait3A_249] : memref<32x128xf32, #tpu.memory_space<vmem>> -> memref<24x128xf32, #tpu.memory_space<vmem>>
        %dma_wait3A_251 = arith.constant 0 : i32
        %dma_wait3A_252 = tpu.memref_slice %arg11[%add3A_236, %dma_wait3A_251] : memref<10000x128xf32, #tpu.memory_space<vmem_shared>> -> memref<24x128xf32, #tpu.memory_space<vmem_shared>>
        %dma_wait3A_253 = arith.constant 0 : i32
        %dma_wait3A_254 = tpu.memref_slice %arg11[%add3A_236, %dma_wait3A_253] : memref<10000x128xf32, #tpu.memory_space<vmem_shared>> -> memref<24x128xf32, #tpu.memory_space<vmem_shared>>
        %dma_wait3A_255 = arith.constant 0 : i32
        %dma_wait3A_256 = arith.constant 0 : i32
        %dma_wait3A_257 = tpu.memref_slice %arg10[%dma_wait3A_255, %dma_wait3A_256] : memref<32x128xf32, #tpu.memory_space<vmem>> -> memref<24x128xf32, #tpu.memory_space<vmem>>
        tpu.wait_dma2 semaphore(%run_scoped3A_237 : memref<!tpu.dma_semaphore, #tpu.memory_space<semaphore_mem>>) src(%dma_wait3A_257 : memref<24x128xf32, #tpu.memory_space<vmem>>) dst(%dma_wait3A_254 : memref<24x128xf32, #tpu.memory_space<vmem_shared>>)
        tpu.yield
      }) : () -> ()
    } else {
    }
    %eq3A = arith.constant 15 : i32
    %eq3A_9 = arith.cmpi eq, %arg1, %eq3A : i32
    %convert_element_type3A_10 = arith.extui %eq3A_9 : i1 to i32
    %cond3A_11 = arith.constant 0 : i32
    %cond3A_12 = arith.cmpi ne, %convert_element_type3A_10, %cond3A_11 : i32
    scf.if %cond3A_12 {
      "tpu.region"() ({
        %run_scoped3A_196 = tpu.sem_alloc : memref<!tpu.dma_semaphore, #tpu.memory_space<semaphore_mem>>
        %dma_start3A_197 = arith.constant 9480 : i32
        %dma_start3A_198 = arith.constant 0 : i32
        %dma_start3A_199 = tpu.memref_slice %arg11[%dma_start3A_197, %dma_start3A_198] : memref<10000x128xf32, #tpu.memory_space<vmem_shared>> -> memref<32x128xf32, #tpu.memory_space<vmem_shared>>
        %dma_start3A_200 = arith.constant 9480 : i32
        %dma_start3A_201 = arith.constant 0 : i32
        %dma_start3A_202 = tpu.memref_slice %arg11[%dma_start3A_200, %dma_start3A_201] : memref<10000x128xf32, #tpu.memory_space<vmem_shared>> -> memref<32x128xf32, #tpu.memory_space<vmem_shared>>
        tpu.enqueue_dma source(%arg10 : memref<32x128xf32, #tpu.memory_space<vmem>>) target(%dma_start3A_202 : memref<32x128xf32, #tpu.memory_space<vmem_shared>>) target_semaphore(%run_scoped3A_196 : memref<!tpu.dma_semaphore, #tpu.memory_space<semaphore_mem>>)
        %dma_wait3A_203 = arith.constant 9480 : i32
        %dma_wait3A_204 = arith.constant 0 : i32
        %dma_wait3A_205 = tpu.memref_slice %arg11[%dma_wait3A_203, %dma_wait3A_204] : memref<10000x128xf32, #tpu.memory_space<vmem_shared>> -> memref<32x128xf32, #tpu.memory_space<vmem_shared>>
        %dma_wait3A_206 = arith.constant 9480 : i32
        %dma_wait3A_207 = arith.constant 0 : i32
        %dma_wait3A_208 = tpu.memref_slice %arg11[%dma_wait3A_206, %dma_wait3A_207] : memref<10000x128xf32, #tpu.memory_space<vmem_shared>> -> memref<32x128xf32, #tpu.memory_space<vmem_shared>>
        tpu.wait_dma2 semaphore(%run_scoped3A_196 : memref<!tpu.dma_semaphore, #tpu.memory_space<semaphore_mem>>) src(%arg10 : memref<32x128xf32, #tpu.memory_space<vmem>>) dst(%dma_wait3A_208 : memref<32x128xf32, #tpu.memory_space<vmem_shared>>)
        tpu.yield
      }) : () -> ()
      "tpu.region"() ({
        %run_scoped3A_196 = tpu.sem_alloc : memref<!tpu.dma_semaphore, #tpu.memory_space<semaphore_mem>>
        %dma_start3A_197 = arith.constant 9512 : i32
        %dma_start3A_198 = arith.constant 0 : i32
        %dma_start3A_199 = tpu.memref_slice %arg11[%dma_start3A_197, %dma_start3A_198] : memref<10000x128xf32, #tpu.memory_space<vmem_shared>> -> memref<32x128xf32, #tpu.memory_space<vmem_shared>>
        %dma_start3A_200 = arith.constant 9512 : i32
        %dma_start3A_201 = arith.constant 0 : i32
        %dma_start3A_202 = tpu.memref_slice %arg11[%dma_start3A_200, %dma_start3A_201] : memref<10000x128xf32, #tpu.memory_space<vmem_shared>> -> memref<32x128xf32, #tpu.memory_space<vmem_shared>>
        tpu.enqueue_dma source(%arg10 : memref<32x128xf32, #tpu.memory_space<vmem>>) target(%dma_start3A_202 : memref<32x128xf32, #tpu.memory_space<vmem_shared>>) target_semaphore(%run_scoped3A_196 : memref<!tpu.dma_semaphore, #tpu.memory_space<semaphore_mem>>)
        %dma_wait3A_203 = arith.constant 9512 : i32
        %dma_wait3A_204 = arith.constant 0 : i32
        %dma_wait3A_205 = tpu.memref_slice %arg11[%dma_wait3A_203, %dma_wait3A_204] : memref<10000x128xf32, #tpu.memory_space<vmem_shared>> -> memref<32x128xf32, #tpu.memory_space<vmem_shared>>
        %dma_wait3A_206 = arith.constant 9512 : i32
        %dma_wait3A_207 = arith.constant 0 : i32
        %dma_wait3A_208 = tpu.memref_slice %arg11[%dma_wait3A_206, %dma_wait3A_207] : memref<10000x128xf32, #tpu.memory_space<vmem_shared>> -> memref<32x128xf32, #tpu.memory_space<vmem_shared>>
        tpu.wait_dma2 semaphore(%run_scoped3A_196 : memref<!tpu.dma_semaphore, #tpu.memory_space<semaphore_mem>>) src(%arg10 : memref<32x128xf32, #tpu.memory_space<vmem>>) dst(%dma_wait3A_208 : memref<32x128xf32, #tpu.memory_space<vmem_shared>>)
        tpu.yield
      }) : () -> ()
      "tpu.region"() ({
        %run_scoped3A_196 = tpu.sem_alloc : memref<!tpu.dma_semaphore, #tpu.memory_space<semaphore_mem>>
        %dma_start3A_197 = arith.constant 9544 : i32
        %dma_start3A_198 = arith.constant 0 : i32
        %dma_start3A_199 = tpu.memref_slice %arg11[%dma_start3A_197, %dma_start3A_198] : memref<10000x128xf32, #tpu.memory_space<vmem_shared>> -> memref<32x128xf32, #tpu.memory_space<vmem_shared>>
        %dma_start3A_200 = arith.constant 9544 : i32
        %dma_start3A_201 = arith.constant 0 : i32
        %dma_start3A_202 = tpu.memref_slice %arg11[%dma_start3A_200, %dma_start3A_201] : memref<10000x128xf32, #tpu.memory_space<vmem_shared>> -> memref<32x128xf32, #tpu.memory_space<vmem_shared>>
        tpu.enqueue_dma source(%arg10 : memref<32x128xf32, #tpu.memory_space<vmem>>) target(%dma_start3A_202 : memref<32x128xf32, #tpu.memory_space<vmem_shared>>) target_semaphore(%run_scoped3A_196 : memref<!tpu.dma_semaphore, #tpu.memory_space<semaphore_mem>>)
        %dma_wait3A_203 = arith.constant 9544 : i32
        %dma_wait3A_204 = arith.constant 0 : i32
        %dma_wait3A_205 = tpu.memref_slice %arg11[%dma_wait3A_203, %dma_wait3A_204] : memref<10000x128xf32, #tpu.memory_space<vmem_shared>> -> memref<32x128xf32, #tpu.memory_space<vmem_shared>>
        %dma_wait3A_206 = arith.constant 9544 : i32
        %dma_wait3A_207 = arith.constant 0 : i32
        %dma_wait3A_208 = tpu.memref_slice %arg11[%dma_wait3A_206, %dma_wait3A_207] : memref<10000x128xf32, #tpu.memory_space<vmem_shared>> -> memref<32x128xf32, #tpu.memory_space<vmem_shared>>
        tpu.wait_dma2 semaphore(%run_scoped3A_196 : memref<!tpu.dma_semaphore, #tpu.memory_space<semaphore_mem>>) src(%arg10 : memref<32x128xf32, #tpu.memory_space<vmem>>) dst(%dma_wait3A_208 : memref<32x128xf32, #tpu.memory_space<vmem_shared>>)
        tpu.yield
      }) : () -> ()
      "tpu.region"() ({
        %run_scoped3A_196 = tpu.sem_alloc : memref<!tpu.dma_semaphore, #tpu.memory_space<semaphore_mem>>
        %dma_start3A_197 = arith.constant 9576 : i32
        %dma_start3A_198 = arith.constant 0 : i32
        %dma_start3A_199 = tpu.memref_slice %arg11[%dma_start3A_197, %dma_start3A_198] : memref<10000x128xf32, #tpu.memory_space<vmem_shared>> -> memref<32x128xf32, #tpu.memory_space<vmem_shared>>
        %dma_start3A_200 = arith.constant 9576 : i32
        %dma_start3A_201 = arith.constant 0 : i32
        %dma_start3A_202 = tpu.memref_slice %arg11[%dma_start3A_200, %dma_start3A_201] : memref<10000x128xf32, #tpu.memory_space<vmem_shared>> -> memref<32x128xf32, #tpu.memory_space<vmem_shared>>
        tpu.enqueue_dma source(%arg10 : memref<32x128xf32, #tpu.memory_space<vmem>>) target(%dma_start3A_202 : memref<32x128xf32, #tpu.memory_space<vmem_shared>>) target_semaphore(%run_scoped3A_196 : memref<!tpu.dma_semaphore, #tpu.memory_space<semaphore_mem>>)
        %dma_wait3A_203 = arith.constant 9576 : i32
        %dma_wait3A_204 = arith.constant 0 : i32
        %dma_wait3A_205 = tpu.memref_slice %arg11[%dma_wait3A_203, %dma_wait3A_204] : memref<10000x128xf32, #tpu.memory_space<vmem_shared>> -> memref<32x128xf32, #tpu.memory_space<vmem_shared>>
        %dma_wait3A_206 = arith.constant 9576 : i32
        %dma_wait3A_207 = arith.constant 0 : i32
        %dma_wait3A_208 = tpu.memref_slice %arg11[%dma_wait3A_206, %dma_wait3A_207] : memref<10000x128xf32, #tpu.memory_space<vmem_shared>> -> memref<32x128xf32, #tpu.memory_space<vmem_shared>>
        tpu.wait_dma2 semaphore(%run_scoped3A_196 : memref<!tpu.dma_semaphore, #tpu.memory_space<semaphore_mem>>) src(%arg10 : memref<32x128xf32, #tpu.memory_space<vmem>>) dst(%dma_wait3A_208 : memref<32x128xf32, #tpu.memory_space<vmem_shared>>)
        tpu.yield
      }) : () -> ()
      "tpu.region"() ({
        %run_scoped3A_196 = tpu.sem_alloc : memref<!tpu.dma_semaphore, #tpu.memory_space<semaphore_mem>>
        %dma_start3A_197 = arith.constant 9608 : i32
        %dma_start3A_198 = arith.constant 0 : i32
        %dma_start3A_199 = tpu.memref_slice %arg11[%dma_start3A_197, %dma_start3A_198] : memref<10000x128xf32, #tpu.memory_space<vmem_shared>> -> memref<32x128xf32, #tpu.memory_space<vmem_shared>>
        %dma_start3A_200 = arith.constant 9608 : i32
        %dma_start3A_201 = arith.constant 0 : i32
        %dma_start3A_202 = tpu.memref_slice %arg11[%dma_start3A_200, %dma_start3A_201] : memref<10000x128xf32, #tpu.memory_space<vmem_shared>> -> memref<32x128xf32, #tpu.memory_space<vmem_shared>>
        tpu.enqueue_dma source(%arg10 : memref<32x128xf32, #tpu.memory_space<vmem>>) target(%dma_start3A_202 : memref<32x128xf32, #tpu.memory_space<vmem_shared>>) target_semaphore(%run_scoped3A_196 : memref<!tpu.dma_semaphore, #tpu.memory_space<semaphore_mem>>)
        %dma_wait3A_203 = arith.constant 9608 : i32
        %dma_wait3A_204 = arith.constant 0 : i32
        %dma_wait3A_205 = tpu.memref_slice %arg11[%dma_wait3A_203, %dma_wait3A_204] : memref<10000x128xf32, #tpu.memory_space<vmem_shared>> -> memref<32x128xf32, #tpu.memory_space<vmem_shared>>
        %dma_wait3A_206 = arith.constant 9608 : i32
        %dma_wait3A_207 = arith.constant 0 : i32
        %dma_wait3A_208 = tpu.memref_slice %arg11[%dma_wait3A_206, %dma_wait3A_207] : memref<10000x128xf32, #tpu.memory_space<vmem_shared>> -> memref<32x128xf32, #tpu.memory_space<vmem_shared>>
        tpu.wait_dma2 semaphore(%run_scoped3A_196 : memref<!tpu.dma_semaphore, #tpu.memory_space<semaphore_mem>>) src(%arg10 : memref<32x128xf32, #tpu.memory_space<vmem>>) dst(%dma_wait3A_208 : memref<32x128xf32, #tpu.memory_space<vmem_shared>>)
        tpu.yield
      }) : () -> ()
      "tpu.region"() ({
        %run_scoped3A_196 = tpu.sem_alloc : memref<!tpu.dma_semaphore, #tpu.memory_space<semaphore_mem>>
        %dma_start3A_197 = arith.constant 9640 : i32
        %dma_start3A_198 = arith.constant 0 : i32
        %dma_start3A_199 = tpu.memref_slice %arg11[%dma_start3A_197, %dma_start3A_198] : memref<10000x128xf32, #tpu.memory_space<vmem_shared>> -> memref<32x128xf32, #tpu.memory_space<vmem_shared>>
        %dma_start3A_200 = arith.constant 9640 : i32
        %dma_start3A_201 = arith.constant 0 : i32
        %dma_start3A_202 = tpu.memref_slice %arg11[%dma_start3A_200, %dma_start3A_201] : memref<10000x128xf32, #tpu.memory_space<vmem_shared>> -> memref<32x128xf32, #tpu.memory_space<vmem_shared>>
        tpu.enqueue_dma source(%arg10 : memref<32x128xf32, #tpu.memory_space<vmem>>) target(%dma_start3A_202 : memref<32x128xf32, #tpu.memory_space<vmem_shared>>) target_semaphore(%run_scoped3A_196 : memref<!tpu.dma_semaphore, #tpu.memory_space<semaphore_mem>>)
        %dma_wait3A_203 = arith.constant 9640 : i32
        %dma_wait3A_204 = arith.constant 0 : i32
        %dma_wait3A_205 = tpu.memref_slice %arg11[%dma_wait3A_203, %dma_wait3A_204] : memref<10000x128xf32, #tpu.memory_space<vmem_shared>> -> memref<32x128xf32, #tpu.memory_space<vmem_shared>>
        %dma_wait3A_206 = arith.constant 9640 : i32
        %dma_wait3A_207 = arith.constant 0 : i32
        %dma_wait3A_208 = tpu.memref_slice %arg11[%dma_wait3A_206, %dma_wait3A_207] : memref<10000x128xf32, #tpu.memory_space<vmem_shared>> -> memref<32x128xf32, #tpu.memory_space<vmem_shared>>
        tpu.wait_dma2 semaphore(%run_scoped3A_196 : memref<!tpu.dma_semaphore, #tpu.memory_space<semaphore_mem>>) src(%arg10 : memref<32x128xf32, #tpu.memory_space<vmem>>) dst(%dma_wait3A_208 : memref<32x128xf32, #tpu.memory_space<vmem_shared>>)
        tpu.yield
      }) : () -> ()
      "tpu.region"() ({
        %run_scoped3A_196 = tpu.sem_alloc : memref<!tpu.dma_semaphore, #tpu.memory_space<semaphore_mem>>
        %dma_start3A_197 = arith.constant 9672 : i32
        %dma_start3A_198 = arith.constant 0 : i32
        %dma_start3A_199 = tpu.memref_slice %arg11[%dma_start3A_197, %dma_start3A_198] : memref<10000x128xf32, #tpu.memory_space<vmem_shared>> -> memref<32x128xf32, #tpu.memory_space<vmem_shared>>
        %dma_start3A_200 = arith.constant 9672 : i32
        %dma_start3A_201 = arith.constant 0 : i32
        %dma_start3A_202 = tpu.memref_slice %arg11[%dma_start3A_200, %dma_start3A_201] : memref<10000x128xf32, #tpu.memory_space<vmem_shared>> -> memref<32x128xf32, #tpu.memory_space<vmem_shared>>
        tpu.enqueue_dma source(%arg10 : memref<32x128xf32, #tpu.memory_space<vmem>>) target(%dma_start3A_202 : memref<32x128xf32, #tpu.memory_space<vmem_shared>>) target_semaphore(%run_scoped3A_196 : memref<!tpu.dma_semaphore, #tpu.memory_space<semaphore_mem>>)
        %dma_wait3A_203 = arith.constant 9672 : i32
        %dma_wait3A_204 = arith.constant 0 : i32
        %dma_wait3A_205 = tpu.memref_slice %arg11[%dma_wait3A_203, %dma_wait3A_204] : memref<10000x128xf32, #tpu.memory_space<vmem_shared>> -> memref<32x128xf32, #tpu.memory_space<vmem_shared>>
        %dma_wait3A_206 = arith.constant 9672 : i32
        %dma_wait3A_207 = arith.constant 0 : i32
        %dma_wait3A_208 = tpu.memref_slice %arg11[%dma_wait3A_206, %dma_wait3A_207] : memref<10000x128xf32, #tpu.memory_space<vmem_shared>> -> memref<32x128xf32, #tpu.memory_space<vmem_shared>>
        tpu.wait_dma2 semaphore(%run_scoped3A_196 : memref<!tpu.dma_semaphore, #tpu.memory_space<semaphore_mem>>) src(%arg10 : memref<32x128xf32, #tpu.memory_space<vmem>>) dst(%dma_wait3A_208 : memref<32x128xf32, #tpu.memory_space<vmem_shared>>)
        tpu.yield
      }) : () -> ()
      "tpu.region"() ({
        %run_scoped3A_196 = tpu.sem_alloc : memref<!tpu.dma_semaphore, #tpu.memory_space<semaphore_mem>>
        %dma_start3A_197 = arith.constant 9704 : i32
        %dma_start3A_198 = arith.constant 0 : i32
        %dma_start3A_199 = tpu.memref_slice %arg11[%dma_start3A_197, %dma_start3A_198] : memref<10000x128xf32, #tpu.memory_space<vmem_shared>> -> memref<32x128xf32, #tpu.memory_space<vmem_shared>>
        %dma_start3A_200 = arith.constant 9704 : i32
        %dma_start3A_201 = arith.constant 0 : i32
        %dma_start3A_202 = tpu.memref_slice %arg11[%dma_start3A_200, %dma_start3A_201] : memref<10000x128xf32, #tpu.memory_space<vmem_shared>> -> memref<32x128xf32, #tpu.memory_space<vmem_shared>>
        tpu.enqueue_dma source(%arg10 : memref<32x128xf32, #tpu.memory_space<vmem>>) target(%dma_start3A_202 : memref<32x128xf32, #tpu.memory_space<vmem_shared>>) target_semaphore(%run_scoped3A_196 : memref<!tpu.dma_semaphore, #tpu.memory_space<semaphore_mem>>)
        %dma_wait3A_203 = arith.constant 9704 : i32
        %dma_wait3A_204 = arith.constant 0 : i32
        %dma_wait3A_205 = tpu.memref_slice %arg11[%dma_wait3A_203, %dma_wait3A_204] : memref<10000x128xf32, #tpu.memory_space<vmem_shared>> -> memref<32x128xf32, #tpu.memory_space<vmem_shared>>
        %dma_wait3A_206 = arith.constant 9704 : i32
        %dma_wait3A_207 = arith.constant 0 : i32
        %dma_wait3A_208 = tpu.memref_slice %arg11[%dma_wait3A_206, %dma_wait3A_207] : memref<10000x128xf32, #tpu.memory_space<vmem_shared>> -> memref<32x128xf32, #tpu.memory_space<vmem_shared>>
        tpu.wait_dma2 semaphore(%run_scoped3A_196 : memref<!tpu.dma_semaphore, #tpu.memory_space<semaphore_mem>>) src(%arg10 : memref<32x128xf32, #tpu.memory_space<vmem>>) dst(%dma_wait3A_208 : memref<32x128xf32, #tpu.memory_space<vmem_shared>>)
        tpu.yield
      }) : () -> ()
      "tpu.region"() ({
        %run_scoped3A_196 = tpu.sem_alloc : memref<!tpu.dma_semaphore, #tpu.memory_space<semaphore_mem>>
        %dma_start3A_197 = arith.constant 9736 : i32
        %dma_start3A_198 = arith.constant 0 : i32
        %dma_start3A_199 = tpu.memref_slice %arg11[%dma_start3A_197, %dma_start3A_198] : memref<10000x128xf32, #tpu.memory_space<vmem_shared>> -> memref<32x128xf32, #tpu.memory_space<vmem_shared>>
        %dma_start3A_200 = arith.constant 9736 : i32
        %dma_start3A_201 = arith.constant 0 : i32
        %dma_start3A_202 = tpu.memref_slice %arg11[%dma_start3A_200, %dma_start3A_201] : memref<10000x128xf32, #tpu.memory_space<vmem_shared>> -> memref<32x128xf32, #tpu.memory_space<vmem_shared>>
        tpu.enqueue_dma source(%arg10 : memref<32x128xf32, #tpu.memory_space<vmem>>) target(%dma_start3A_202 : memref<32x128xf32, #tpu.memory_space<vmem_shared>>) target_semaphore(%run_scoped3A_196 : memref<!tpu.dma_semaphore, #tpu.memory_space<semaphore_mem>>)
        %dma_wait3A_203 = arith.constant 9736 : i32
        %dma_wait3A_204 = arith.constant 0 : i32
        %dma_wait3A_205 = tpu.memref_slice %arg11[%dma_wait3A_203, %dma_wait3A_204] : memref<10000x128xf32, #tpu.memory_space<vmem_shared>> -> memref<32x128xf32, #tpu.memory_space<vmem_shared>>
        %dma_wait3A_206 = arith.constant 9736 : i32
        %dma_wait3A_207 = arith.constant 0 : i32
        %dma_wait3A_208 = tpu.memref_slice %arg11[%dma_wait3A_206, %dma_wait3A_207] : memref<10000x128xf32, #tpu.memory_space<vmem_shared>> -> memref<32x128xf32, #tpu.memory_space<vmem_shared>>
        tpu.wait_dma2 semaphore(%run_scoped3A_196 : memref<!tpu.dma_semaphore, #tpu.memory_space<semaphore_mem>>) src(%arg10 : memref<32x128xf32, #tpu.memory_space<vmem>>) dst(%dma_wait3A_208 : memref<32x128xf32, #tpu.memory_space<vmem_shared>>)
        tpu.yield
      }) : () -> ()
      "tpu.region"() ({
        %run_scoped3A_196 = tpu.sem_alloc : memref<!tpu.dma_semaphore, #tpu.memory_space<semaphore_mem>>
        %dma_start3A_197 = arith.constant 9768 : i32
        %dma_start3A_198 = arith.constant 0 : i32
        %dma_start3A_199 = tpu.memref_slice %arg11[%dma_start3A_197, %dma_start3A_198] : memref<10000x128xf32, #tpu.memory_space<vmem_shared>> -> memref<32x128xf32, #tpu.memory_space<vmem_shared>>
        %dma_start3A_200 = arith.constant 9768 : i32
        %dma_start3A_201 = arith.constant 0 : i32
        %dma_start3A_202 = tpu.memref_slice %arg11[%dma_start3A_200, %dma_start3A_201] : memref<10000x128xf32, #tpu.memory_space<vmem_shared>> -> memref<32x128xf32, #tpu.memory_space<vmem_shared>>
        tpu.enqueue_dma source(%arg10 : memref<32x128xf32, #tpu.memory_space<vmem>>) target(%dma_start3A_202 : memref<32x128xf32, #tpu.memory_space<vmem_shared>>) target_semaphore(%run_scoped3A_196 : memref<!tpu.dma_semaphore, #tpu.memory_space<semaphore_mem>>)
        %dma_wait3A_203 = arith.constant 9768 : i32
        %dma_wait3A_204 = arith.constant 0 : i32
        %dma_wait3A_205 = tpu.memref_slice %arg11[%dma_wait3A_203, %dma_wait3A_204] : memref<10000x128xf32, #tpu.memory_space<vmem_shared>> -> memref<32x128xf32, #tpu.memory_space<vmem_shared>>
        %dma_wait3A_206 = arith.constant 9768 : i32
        %dma_wait3A_207 = arith.constant 0 : i32
        %dma_wait3A_208 = tpu.memref_slice %arg11[%dma_wait3A_206, %dma_wait3A_207] : memref<10000x128xf32, #tpu.memory_space<vmem_shared>> -> memref<32x128xf32, #tpu.memory_space<vmem_shared>>
        tpu.wait_dma2 semaphore(%run_scoped3A_196 : memref<!tpu.dma_semaphore, #tpu.memory_space<semaphore_mem>>) src(%arg10 : memref<32x128xf32, #tpu.memory_space<vmem>>) dst(%dma_wait3A_208 : memref<32x128xf32, #tpu.memory_space<vmem_shared>>)
        tpu.yield
      }) : () -> ()
      "tpu.region"() ({
        %run_scoped3A_196 = tpu.sem_alloc : memref<!tpu.dma_semaphore, #tpu.memory_space<semaphore_mem>>
        %dma_start3A_197 = arith.constant 9800 : i32
        %dma_start3A_198 = arith.constant 0 : i32
        %dma_start3A_199 = tpu.memref_slice %arg11[%dma_start3A_197, %dma_start3A_198] : memref<10000x128xf32, #tpu.memory_space<vmem_shared>> -> memref<32x128xf32, #tpu.memory_space<vmem_shared>>
        %dma_start3A_200 = arith.constant 9800 : i32
        %dma_start3A_201 = arith.constant 0 : i32
        %dma_start3A_202 = tpu.memref_slice %arg11[%dma_start3A_200, %dma_start3A_201] : memref<10000x128xf32, #tpu.memory_space<vmem_shared>> -> memref<32x128xf32, #tpu.memory_space<vmem_shared>>
        tpu.enqueue_dma source(%arg10 : memref<32x128xf32, #tpu.memory_space<vmem>>) target(%dma_start3A_202 : memref<32x128xf32, #tpu.memory_space<vmem_shared>>) target_semaphore(%run_scoped3A_196 : memref<!tpu.dma_semaphore, #tpu.memory_space<semaphore_mem>>)
        %dma_wait3A_203 = arith.constant 9800 : i32
        %dma_wait3A_204 = arith.constant 0 : i32
        %dma_wait3A_205 = tpu.memref_slice %arg11[%dma_wait3A_203, %dma_wait3A_204] : memref<10000x128xf32, #tpu.memory_space<vmem_shared>> -> memref<32x128xf32, #tpu.memory_space<vmem_shared>>
        %dma_wait3A_206 = arith.constant 9800 : i32
        %dma_wait3A_207 = arith.constant 0 : i32
        %dma_wait3A_208 = tpu.memref_slice %arg11[%dma_wait3A_206, %dma_wait3A_207] : memref<10000x128xf32, #tpu.memory_space<vmem_shared>> -> memref<32x128xf32, #tpu.memory_space<vmem_shared>>
        tpu.wait_dma2 semaphore(%run_scoped3A_196 : memref<!tpu.dma_semaphore, #tpu.memory_space<semaphore_mem>>) src(%arg10 : memref<32x128xf32, #tpu.memory_space<vmem>>) dst(%dma_wait3A_208 : memref<32x128xf32, #tpu.memory_space<vmem_shared>>)
        tpu.yield
      }) : () -> ()
      "tpu.region"() ({
        %run_scoped3A_196 = tpu.sem_alloc : memref<!tpu.dma_semaphore, #tpu.memory_space<semaphore_mem>>
        %dma_start3A_197 = arith.constant 9832 : i32
        %dma_start3A_198 = arith.constant 0 : i32
        %dma_start3A_199 = tpu.memref_slice %arg11[%dma_start3A_197, %dma_start3A_198] : memref<10000x128xf32, #tpu.memory_space<vmem_shared>> -> memref<32x128xf32, #tpu.memory_space<vmem_shared>>
        %dma_start3A_200 = arith.constant 9832 : i32
        %dma_start3A_201 = arith.constant 0 : i32
        %dma_start3A_202 = tpu.memref_slice %arg11[%dma_start3A_200, %dma_start3A_201] : memref<10000x128xf32, #tpu.memory_space<vmem_shared>> -> memref<32x128xf32, #tpu.memory_space<vmem_shared>>
        tpu.enqueue_dma source(%arg10 : memref<32x128xf32, #tpu.memory_space<vmem>>) target(%dma_start3A_202 : memref<32x128xf32, #tpu.memory_space<vmem_shared>>) target_semaphore(%run_scoped3A_196 : memref<!tpu.dma_semaphore, #tpu.memory_space<semaphore_mem>>)
        %dma_wait3A_203 = arith.constant 9832 : i32
        %dma_wait3A_204 = arith.constant 0 : i32
        %dma_wait3A_205 = tpu.memref_slice %arg11[%dma_wait3A_203, %dma_wait3A_204] : memref<10000x128xf32, #tpu.memory_space<vmem_shared>> -> memref<32x128xf32, #tpu.memory_space<vmem_shared>>
        %dma_wait3A_206 = arith.constant 9832 : i32
        %dma_wait3A_207 = arith.constant 0 : i32
        %dma_wait3A_208 = tpu.memref_slice %arg11[%dma_wait3A_206, %dma_wait3A_207] : memref<10000x128xf32, #tpu.memory_space<vmem_shared>> -> memref<32x128xf32, #tpu.memory_space<vmem_shared>>
        tpu.wait_dma2 semaphore(%run_scoped3A_196 : memref<!tpu.dma_semaphore, #tpu.memory_space<semaphore_mem>>) src(%arg10 : memref<32x128xf32, #tpu.memory_space<vmem>>) dst(%dma_wait3A_208 : memref<32x128xf32, #tpu.memory_space<vmem_shared>>)
        tpu.yield
      }) : () -> ()
      "tpu.region"() ({
        %run_scoped3A_196 = tpu.sem_alloc : memref<!tpu.dma_semaphore, #tpu.memory_space<semaphore_mem>>
        %dma_start3A_197 = arith.constant 9864 : i32
        %dma_start3A_198 = arith.constant 0 : i32
        %dma_start3A_199 = tpu.memref_slice %arg11[%dma_start3A_197, %dma_start3A_198] : memref<10000x128xf32, #tpu.memory_space<vmem_shared>> -> memref<32x128xf32, #tpu.memory_space<vmem_shared>>
        %dma_start3A_200 = arith.constant 9864 : i32
        %dma_start3A_201 = arith.constant 0 : i32
        %dma_start3A_202 = tpu.memref_slice %arg11[%dma_start3A_200, %dma_start3A_201] : memref<10000x128xf32, #tpu.memory_space<vmem_shared>> -> memref<32x128xf32, #tpu.memory_space<vmem_shared>>
        tpu.enqueue_dma source(%arg10 : memref<32x128xf32, #tpu.memory_space<vmem>>) target(%dma_start3A_202 : memref<32x128xf32, #tpu.memory_space<vmem_shared>>) target_semaphore(%run_scoped3A_196 : memref<!tpu.dma_semaphore, #tpu.memory_space<semaphore_mem>>)
        %dma_wait3A_203 = arith.constant 9864 : i32
        %dma_wait3A_204 = arith.constant 0 : i32
        %dma_wait3A_205 = tpu.memref_slice %arg11[%dma_wait3A_203, %dma_wait3A_204] : memref<10000x128xf32, #tpu.memory_space<vmem_shared>> -> memref<32x128xf32, #tpu.memory_space<vmem_shared>>
        %dma_wait3A_206 = arith.constant 9864 : i32
        %dma_wait3A_207 = arith.constant 0 : i32
        %dma_wait3A_208 = tpu.memref_slice %arg11[%dma_wait3A_206, %dma_wait3A_207] : memref<10000x128xf32, #tpu.memory_space<vmem_shared>> -> memref<32x128xf32, #tpu.memory_space<vmem_shared>>
        tpu.wait_dma2 semaphore(%run_scoped3A_196 : memref<!tpu.dma_semaphore, #tpu.memory_space<semaphore_mem>>) src(%arg10 : memref<32x128xf32, #tpu.memory_space<vmem>>) dst(%dma_wait3A_208 : memref<32x128xf32, #tpu.memory_space<vmem_shared>>)
        tpu.yield
      }) : () -> ()
      "tpu.region"() ({
        %run_scoped3A_196 = tpu.sem_alloc : memref<!tpu.dma_semaphore, #tpu.memory_space<semaphore_mem>>
        %dma_start3A_197 = arith.constant 9896 : i32
        %dma_start3A_198 = arith.constant 0 : i32
        %dma_start3A_199 = tpu.memref_slice %arg11[%dma_start3A_197, %dma_start3A_198] : memref<10000x128xf32, #tpu.memory_space<vmem_shared>> -> memref<32x128xf32, #tpu.memory_space<vmem_shared>>
        %dma_start3A_200 = arith.constant 9896 : i32
        %dma_start3A_201 = arith.constant 0 : i32
        %dma_start3A_202 = tpu.memref_slice %arg11[%dma_start3A_200, %dma_start3A_201] : memref<10000x128xf32, #tpu.memory_space<vmem_shared>> -> memref<32x128xf32, #tpu.memory_space<vmem_shared>>
        tpu.enqueue_dma source(%arg10 : memref<32x128xf32, #tpu.memory_space<vmem>>) target(%dma_start3A_202 : memref<32x128xf32, #tpu.memory_space<vmem_shared>>) target_semaphore(%run_scoped3A_196 : memref<!tpu.dma_semaphore, #tpu.memory_space<semaphore_mem>>)
        %dma_wait3A_203 = arith.constant 9896 : i32
        %dma_wait3A_204 = arith.constant 0 : i32
        %dma_wait3A_205 = tpu.memref_slice %arg11[%dma_wait3A_203, %dma_wait3A_204] : memref<10000x128xf32, #tpu.memory_space<vmem_shared>> -> memref<32x128xf32, #tpu.memory_space<vmem_shared>>
        %dma_wait3A_206 = arith.constant 9896 : i32
        %dma_wait3A_207 = arith.constant 0 : i32
        %dma_wait3A_208 = tpu.memref_slice %arg11[%dma_wait3A_206, %dma_wait3A_207] : memref<10000x128xf32, #tpu.memory_space<vmem_shared>> -> memref<32x128xf32, #tpu.memory_space<vmem_shared>>
        tpu.wait_dma2 semaphore(%run_scoped3A_196 : memref<!tpu.dma_semaphore, #tpu.memory_space<semaphore_mem>>) src(%arg10 : memref<32x128xf32, #tpu.memory_space<vmem>>) dst(%dma_wait3A_208 : memref<32x128xf32, #tpu.memory_space<vmem_shared>>)
        tpu.yield
      }) : () -> ()
      "tpu.region"() ({
        %run_scoped3A_196 = tpu.sem_alloc : memref<!tpu.dma_semaphore, #tpu.memory_space<semaphore_mem>>
        %dma_start3A_197 = arith.constant 9928 : i32
        %dma_start3A_198 = arith.constant 0 : i32
        %dma_start3A_199 = tpu.memref_slice %arg11[%dma_start3A_197, %dma_start3A_198] : memref<10000x128xf32, #tpu.memory_space<vmem_shared>> -> memref<32x128xf32, #tpu.memory_space<vmem_shared>>
        %dma_start3A_200 = arith.constant 9928 : i32
        %dma_start3A_201 = arith.constant 0 : i32
        %dma_start3A_202 = tpu.memref_slice %arg11[%dma_start3A_200, %dma_start3A_201] : memref<10000x128xf32, #tpu.memory_space<vmem_shared>> -> memref<32x128xf32, #tpu.memory_space<vmem_shared>>
        tpu.enqueue_dma source(%arg10 : memref<32x128xf32, #tpu.memory_space<vmem>>) target(%dma_start3A_202 : memref<32x128xf32, #tpu.memory_space<vmem_shared>>) target_semaphore(%run_scoped3A_196 : memref<!tpu.dma_semaphore, #tpu.memory_space<semaphore_mem>>)
        %dma_wait3A_203 = arith.constant 9928 : i32
        %dma_wait3A_204 = arith.constant 0 : i32
        %dma_wait3A_205 = tpu.memref_slice %arg11[%dma_wait3A_203, %dma_wait3A_204] : memref<10000x128xf32, #tpu.memory_space<vmem_shared>> -> memref<32x128xf32, #tpu.memory_space<vmem_shared>>
        %dma_wait3A_206 = arith.constant 9928 : i32
        %dma_wait3A_207 = arith.constant 0 : i32
        %dma_wait3A_208 = tpu.memref_slice %arg11[%dma_wait3A_206, %dma_wait3A_207] : memref<10000x128xf32, #tpu.memory_space<vmem_shared>> -> memref<32x128xf32, #tpu.memory_space<vmem_shared>>
        tpu.wait_dma2 semaphore(%run_scoped3A_196 : memref<!tpu.dma_semaphore, #tpu.memory_space<semaphore_mem>>) src(%arg10 : memref<32x128xf32, #tpu.memory_space<vmem>>) dst(%dma_wait3A_208 : memref<32x128xf32, #tpu.memory_space<vmem_shared>>)
        tpu.yield
      }) : () -> ()
      "tpu.region"() ({
        %run_scoped3A_196 = tpu.sem_alloc : memref<!tpu.dma_semaphore, #tpu.memory_space<semaphore_mem>>
        %dma_start3A_197 = arith.constant 9960 : i32
        %dma_start3A_198 = arith.constant 0 : i32
        %dma_start3A_199 = tpu.memref_slice %arg11[%dma_start3A_197, %dma_start3A_198] : memref<10000x128xf32, #tpu.memory_space<vmem_shared>> -> memref<32x128xf32, #tpu.memory_space<vmem_shared>>
        %dma_start3A_200 = arith.constant 9960 : i32
        %dma_start3A_201 = arith.constant 0 : i32
        %dma_start3A_202 = tpu.memref_slice %arg11[%dma_start3A_200, %dma_start3A_201] : memref<10000x128xf32, #tpu.memory_space<vmem_shared>> -> memref<32x128xf32, #tpu.memory_space<vmem_shared>>
        tpu.enqueue_dma source(%arg10 : memref<32x128xf32, #tpu.memory_space<vmem>>) target(%dma_start3A_202 : memref<32x128xf32, #tpu.memory_space<vmem_shared>>) target_semaphore(%run_scoped3A_196 : memref<!tpu.dma_semaphore, #tpu.memory_space<semaphore_mem>>)
        %dma_wait3A_203 = arith.constant 9960 : i32
        %dma_wait3A_204 = arith.constant 0 : i32
        %dma_wait3A_205 = tpu.memref_slice %arg11[%dma_wait3A_203, %dma_wait3A_204] : memref<10000x128xf32, #tpu.memory_space<vmem_shared>> -> memref<32x128xf32, #tpu.memory_space<vmem_shared>>
        %dma_wait3A_206 = arith.constant 9960 : i32
        %dma_wait3A_207 = arith.constant 0 : i32
        %dma_wait3A_208 = tpu.memref_slice %arg11[%dma_wait3A_206, %dma_wait3A_207] : memref<10000x128xf32, #tpu.memory_space<vmem_shared>> -> memref<32x128xf32, #tpu.memory_space<vmem_shared>>
        tpu.wait_dma2 semaphore(%run_scoped3A_196 : memref<!tpu.dma_semaphore, #tpu.memory_space<semaphore_mem>>) src(%arg10 : memref<32x128xf32, #tpu.memory_space<vmem>>) dst(%dma_wait3A_208 : memref<32x128xf32, #tpu.memory_space<vmem_shared>>)
        tpu.yield
      }) : () -> ()
      "tpu.region"() ({
        %run_scoped3A_196 = tpu.sem_alloc : memref<!tpu.dma_semaphore, #tpu.memory_space<semaphore_mem>>
        %dma_start3A_197 = arith.constant 0 : i32
        %dma_start3A_198 = arith.constant 0 : i32
        %dma_start3A_199 = tpu.memref_slice %arg10[%dma_start3A_197, %dma_start3A_198] : memref<32x128xf32, #tpu.memory_space<vmem>> -> memref<8x128xf32, #tpu.memory_space<vmem>>
        %dma_start3A_200 = arith.constant 9992 : i32
        %dma_start3A_201 = arith.constant 0 : i32
        %dma_start3A_202 = tpu.memref_slice %arg11[%dma_start3A_200, %dma_start3A_201] : memref<10000x128xf32, #tpu.memory_space<vmem_shared>> -> memref<8x128xf32, #tpu.memory_space<vmem_shared>>
        %dma_start3A_203 = arith.constant 9992 : i32
        %dma_start3A_204 = arith.constant 0 : i32
        %dma_start3A_205 = tpu.memref_slice %arg11[%dma_start3A_203, %dma_start3A_204] : memref<10000x128xf32, #tpu.memory_space<vmem_shared>> -> memref<8x128xf32, #tpu.memory_space<vmem_shared>>
        %dma_start3A_206 = arith.constant 0 : i32
        %dma_start3A_207 = arith.constant 0 : i32
        %dma_start3A_208 = tpu.memref_slice %arg10[%dma_start3A_206, %dma_start3A_207] : memref<32x128xf32, #tpu.memory_space<vmem>> -> memref<8x128xf32, #tpu.memory_space<vmem>>
        tpu.enqueue_dma source(%dma_start3A_208 : memref<8x128xf32, #tpu.memory_space<vmem>>) target(%dma_start3A_205 : memref<8x128xf32, #tpu.memory_space<vmem_shared>>) target_semaphore(%run_scoped3A_196 : memref<!tpu.dma_semaphore, #tpu.memory_space<semaphore_mem>>)
        %dma_wait3A_209 = arith.constant 0 : i32
        %dma_wait3A_210 = arith.constant 0 : i32
        %dma_wait3A_211 = tpu.memref_slice %arg10[%dma_wait3A_209, %dma_wait3A_210] : memref<32x128xf32, #tpu.memory_space<vmem>> -> memref<8x128xf32, #tpu.memory_space<vmem>>
        %dma_wait3A_212 = arith.constant 9992 : i32
        %dma_wait3A_213 = arith.constant 0 : i32
        %dma_wait3A_214 = tpu.memref_slice %arg11[%dma_wait3A_212, %dma_wait3A_213] : memref<10000x128xf32, #tpu.memory_space<vmem_shared>> -> memref<8x128xf32, #tpu.memory_space<vmem_shared>>
        %dma_wait3A_215 = arith.constant 9992 : i32
        %dma_wait3A_216 = arith.constant 0 : i32
        %dma_wait3A_217 = tpu.memref_slice %arg11[%dma_wait3A_215, %dma_wait3A_216] : memref<10000x128xf32, #tpu.memory_space<vmem_shared>> -> memref<8x128xf32, #tpu.memory_space<vmem_shared>>
        %dma_wait3A_218 = arith.constant 0 : i32
        %dma_wait3A_219 = arith.constant 0 : i32
        %dma_wait3A_220 = tpu.memref_slice %arg10[%dma_wait3A_218, %dma_wait3A_219] : memref<32x128xf32, #tpu.memory_space<vmem>> -> memref<8x128xf32, #tpu.memory_space<vmem>>
        tpu.wait_dma2 semaphore(%run_scoped3A_196 : memref<!tpu.dma_semaphore, #tpu.memory_space<semaphore_mem>>) src(%dma_wait3A_220 : memref<8x128xf32, #tpu.memory_space<vmem>>) dst(%dma_wait3A_217 : memref<8x128xf32, #tpu.memory_space<vmem_shared>>)
        tpu.yield
      }) : () -> ()
    } else {
    }
    %barrier3A = arith.constant 0 : index
    tpu.barrier barrier_id(%barrier3A)
    %run_scoped3A = arith.constant 0 : i32
    "tpu.region"() ({
      %run_scoped3A_196 = tpu.sem_alloc : memref<!tpu.dma_semaphore, #tpu.memory_space<semaphore_mem>>
      %dma_start3A_197 = arith.constant 0 : i32
      %dma_start3A_198 = arith.constant 0 : i32
      %dma_start3A_199 = tpu.memref_slice %arg3[%arg1, %run_scoped3A, %dma_start3A_197, %dma_start3A_198] : memref<16x5x50x80xi32, #tpu.memory_space<hbm>> -> memref<1x1x50x80xi32, #tpu.memory_space<hbm>>
      %dma_start3A_200 = tpu.memref_squeeze %dma_start3A_199 : memref<1x1x50x80xi32, #tpu.memory_space<hbm>> -> memref<50x80xi32, #tpu.memory_space<hbm>>
      %dma_start3A_201 = arith.constant 0 : i32
      %dma_start3A_202 = arith.constant 0 : i32
      %dma_start3A_203 = tpu.memref_slice %arg3[%arg1, %run_scoped3A, %dma_start3A_201, %dma_start3A_202] : memref<16x5x50x80xi32, #tpu.memory_space<hbm>> -> memref<1x1x50x80xi32, #tpu.memory_space<hbm>>
      %dma_start3A_204 = tpu.memref_squeeze %dma_start3A_203 : memref<1x1x50x80xi32, #tpu.memory_space<hbm>> -> memref<50x80xi32, #tpu.memory_space<hbm>>
      tpu.enqueue_dma source(%dma_start3A_204 : memref<50x80xi32, #tpu.memory_space<hbm>>) target(%arg6 : memref<50x80xi32, #tpu.memory_space<vmem>>) target_semaphore(%run_scoped3A_196 : memref<!tpu.dma_semaphore, #tpu.memory_space<semaphore_mem>>)
      %dma_wait3A_205 = arith.constant 0 : i32
      %dma_wait3A_206 = arith.constant 0 : i32
      %dma_wait3A_207 = tpu.memref_slice %arg3[%arg1, %run_scoped3A, %dma_wait3A_205, %dma_wait3A_206] : memref<16x5x50x80xi32, #tpu.memory_space<hbm>> -> memref<1x1x50x80xi32, #tpu.memory_space<hbm>>
      %dma_wait3A_208 = tpu.memref_squeeze %dma_wait3A_207 : memref<1x1x50x80xi32, #tpu.memory_space<hbm>> -> memref<50x80xi32, #tpu.memory_space<hbm>>
      %dma_wait3A_209 = arith.constant 0 : i32
      %dma_wait3A_210 = arith.constant 0 : i32
      %dma_wait3A_211 = tpu.memref_slice %arg3[%arg1, %run_scoped3A, %dma_wait3A_209, %dma_wait3A_210] : memref<16x5x50x80xi32, #tpu.memory_space<hbm>> -> memref<1x1x50x80xi32, #tpu.memory_space<hbm>>
      %dma_wait3A_212 = tpu.memref_squeeze %dma_wait3A_211 : memref<1x1x50x80xi32, #tpu.memory_space<hbm>> -> memref<50x80xi32, #tpu.memory_space<hbm>>
      tpu.wait_dma2 semaphore(%run_scoped3A_196 : memref<!tpu.dma_semaphore, #tpu.memory_space<semaphore_mem>>) src(%dma_wait3A_212 : memref<50x80xi32, #tpu.memory_space<hbm>>) dst(%arg6 : memref<50x80xi32, #tpu.memory_space<vmem>>)
      tpu.yield
    }) : () -> ()
    %run_scoped3A_13 = arith.constant 0 : i32
    "tpu.region"() ({
      %run_scoped3A_196 = tpu.sem_alloc : memref<!tpu.dma_semaphore, #tpu.memory_space<semaphore_mem>>
      %dma_start3A_197 = arith.constant 0 : i32
      %dma_start3A_198 = arith.constant 0 : i32
      %dma_start3A_199 = tpu.memref_slice %arg4[%arg1, %run_scoped3A_13, %dma_start3A_197, %dma_start3A_198] : memref<16x5x50x80xi32, #tpu.memory_space<hbm>> -> memref<1x1x50x80xi32, #tpu.memory_space<hbm>>
      %dma_start3A_200 = tpu.memref_squeeze %dma_start3A_199 : memref<1x1x50x80xi32, #tpu.memory_space<hbm>> -> memref<50x80xi32, #tpu.memory_space<hbm>>
      %dma_start3A_201 = arith.constant 0 : i32
      %dma_start3A_202 = arith.constant 0 : i32
      %dma_start3A_203 = tpu.memref_slice %arg4[%arg1, %run_scoped3A_13, %dma_start3A_201, %dma_start3A_202] : memref<16x5x50x80xi32, #tpu.memory_space<hbm>> -> memref<1x1x50x80xi32, #tpu.memory_space<hbm>>
      %dma_start3A_204 = tpu.memref_squeeze %dma_start3A_203 : memref<1x1x50x80xi32, #tpu.memory_space<hbm>> -> memref<50x80xi32, #tpu.memory_space<hbm>>
      tpu.enqueue_dma source(%dma_start3A_204 : memref<50x80xi32, #tpu.memory_space<hbm>>) target(%arg7 : memref<50x80xi32, #tpu.memory_space<vmem>>) target_semaphore(%run_scoped3A_196 : memref<!tpu.dma_semaphore, #tpu.memory_space<semaphore_mem>>)
      %dma_wait3A_205 = arith.constant 0 : i32
      %dma_wait3A_206 = arith.constant 0 : i32
      %dma_wait3A_207 = tpu.memref_slice %arg4[%arg1, %run_scoped3A_13, %dma_wait3A_205, %dma_wait3A_206] : memref<16x5x50x80xi32, #tpu.memory_space<hbm>> -> memref<1x1x50x80xi32, #tpu.memory_space<hbm>>
      %dma_wait3A_208 = tpu.memref_squeeze %dma_wait3A_207 : memref<1x1x50x80xi32, #tpu.memory_space<hbm>> -> memref<50x80xi32, #tpu.memory_space<hbm>>
      %dma_wait3A_209 = arith.constant 0 : i32
      %dma_wait3A_210 = arith.constant 0 : i32
      %dma_wait3A_211 = tpu.memref_slice %arg4[%arg1, %run_scoped3A_13, %dma_wait3A_209, %dma_wait3A_210] : memref<16x5x50x80xi32, #tpu.memory_space<hbm>> -> memref<1x1x50x80xi32, #tpu.memory_space<hbm>>
      %dma_wait3A_212 = tpu.memref_squeeze %dma_wait3A_211 : memref<1x1x50x80xi32, #tpu.memory_space<hbm>> -> memref<50x80xi32, #tpu.memory_space<hbm>>
      tpu.wait_dma2 semaphore(%run_scoped3A_196 : memref<!tpu.dma_semaphore, #tpu.memory_space<semaphore_mem>>) src(%dma_wait3A_212 : memref<50x80xi32, #tpu.memory_space<hbm>>) dst(%arg7 : memref<50x80xi32, #tpu.memory_space<vmem>>)
      tpu.yield
    }) : () -> ()
    %scan3A_14 = arith.constant 0 : i32
    %scan3A_15 = arith.constant 0 : i32
    %scan3A_16 = arith.constant 250 : i32
    %scan3A_17 = arith.addi %scan3A_15, %scan3A_16 : i32
    %scan3A_18 = arith.constant 1 : i32
    scf.for %scan3A_196 = %scan3A_15 to %scan3A_17 step %scan3A_18  : i32 {
      %jit3A = arith.constant 5 : i32
      %div3A = arith.divsi %scan3A_196, %jit3A : i32
      %sign3A = arith.constant 0 : i32
      %sign3A_197 = arith.cmpi sgt, %scan3A_196, %sign3A : i32
      %sign3A_198 = arith.extui %sign3A_197 : i1 to i32
      %sign3A_199 = arith.constant 0 : i32
      %sign3A_200 = arith.cmpi slt, %scan3A_196, %sign3A_199 : i32
      %sign3A_201 = arith.extui %sign3A_200 : i1 to i32
      %sign3A_202 = arith.subi %sign3A_198, %sign3A_201 : i32
      %sign3A_203 = arith.constant 0 : i32
      %sign3A_204 = arith.cmpi sgt, %jit3A, %sign3A_203 : i32
      %sign3A_205 = arith.extui %sign3A_204 : i1 to i32
      %sign3A_206 = arith.constant 0 : i32
      %sign3A_207 = arith.cmpi slt, %jit3A, %sign3A_206 : i32
      %sign3A_208 = arith.extui %sign3A_207 : i1 to i32
      %sign3A_209 = arith.subi %sign3A_205, %sign3A_208 : i32
      %ne3A = arith.cmpi ne, %sign3A_202, %sign3A_209 : i32
      %rem3A = arith.remsi %scan3A_196, %jit3A : i32
      %ne3A_210 = arith.constant 0 : i32
      %ne3A_211 = arith.cmpi ne, %rem3A, %ne3A_210 : i32
      %and3A = arith.andi %ne3A, %ne3A_211 : i1
      %sub3A = arith.constant 1 : i32
      %sub3A_212 = arith.subi %div3A, %sub3A : i32
      %select_n3A = arith.select %and3A, %sub3A_212, %div3A : i32
      %jit3A_213 = arith.constant 5 : i32
      %eq3A_214 = arith.constant 0 : i32
      %eq3A_215 = arith.cmpi eq, %jit3A_213, %eq3A_214 : i32
      %jit3A_216 = arith.constant 1 : i32
      %select_n3A_217 = arith.select %eq3A_215, %jit3A_216, %jit3A_213 : i32
      %rem3A_218 = arith.remsi %scan3A_196, %select_n3A_217 : i32
      %ne3A_219 = arith.constant 0 : i32
      %ne3A_220 = arith.cmpi ne, %rem3A_218, %ne3A_219 : i32
      %lt3A_221 = arith.constant 0 : i32
      %lt3A_222 = arith.cmpi slt, %rem3A_218, %lt3A_221 : i32
      %lt3A_223 = arith.constant 0 : i32
      %lt3A_224 = arith.cmpi slt, %select_n3A_217, %lt3A_223 : i32
      %ne3A_225 = arith.xori %lt3A_222, %lt3A_224 : i1
      %and3A_226 = arith.andi %ne3A_225, %ne3A_220 : i1
      %add3A = arith.addi %rem3A_218, %select_n3A_217 : i32
      %select_n3A_227 = arith.select %and3A_226, %add3A, %rem3A_218 : i32
      %mul3A_228 = arith.constant 16 : i32
      %mul3A_229 = arith.muli %select_n3A_227, %mul3A_228 : i32
      %get3A = arith.index_cast %select_n3A : i32 to index
      %get3A_230 = arith.index_cast %mul3A_229 : i32 to index
      %get3A_231 = tpu.vector_load %arg6[%get3A, %get3A_230] {strides = array<i32>} : memref<50x80xi32, #tpu.memory_space<vmem>>, vector<16xi32>,
      %add3A_232 = vector.broadcast %mul3A_0 : i32 to vector<16xi32>
      %add3A_233 = arith.addi %get3A_231, %add3A_232 : vector<16xi32>
      %mul3A_234 = arith.constant 16 : i32
      %mul3A_235 = arith.muli %select_n3A_227, %mul3A_234 : i32
      %swap3A = arith.index_cast %select_n3A : i32 to index
      %swap3A_236 = arith.index_cast %mul3A_235 : i32 to index
      %swap3A_237 = tpu.vector_load %arg6[%swap3A, %swap3A_236] {strides = array<i32>} : memref<50x80xi32, #tpu.memory_space<vmem>>, vector<16xi32>,
      tpu.vector_store %arg6[%swap3A, %swap3A_236], %add3A_233 {strides = array<i32>} : memref<50x80xi32, #tpu.memory_space<vmem>>, vector<16xi32>,
    }
    %scan3A_19 = arith.constant 250 : i32
    %dma_start3A = arith.constant 0 : i32
    %dma_start3A_20 = arith.constant 0 : i32
    %dma_start3A_21 = tpu.memref_slice %arg6[%dma_start3A, %dma_start3A_20] : memref<50x80xi32, #tpu.memory_space<vmem>> -> memref<1x80xi32, #tpu.memory_space<vmem>>
    %dma_start3A_22 = tpu.memref_squeeze %dma_start3A_21 : memref<1x80xi32, #tpu.memory_space<vmem>> -> memref<80xi32, #tpu.memory_space<vmem>>
    %dma_start3A_23 = arith.constant 0 : i32
    %dma_start3A_24 = arith.constant 0 : i32
    %dma_start3A_25 = tpu.memref_slice %arg2[%dma_start3A_23, %dma_start3A_24] : memref<20000x128xf32, #tpu.memory_space<hbm>> -> memref<20000x128xf32, #tpu.memory_space<hbm>>
    tpu.enqueue_indirect_dma source(%dma_start3A_25 : memref<20000x128xf32, #tpu.memory_space<hbm>>) target(%arg8 : memref<80x128xf32, #tpu.memory_space<vmem>>) offsets(%dma_start3A_22 : memref<80xi32, #tpu.memory_space<vmem>>) semaphore(%arg12 : memref<!tpu.dma_semaphore, #tpu.memory_space<semaphore_mem>>)
    %scan3A_26 = arith.constant 0 : i32
    %scan3A_27 = arith.constant 0 : i32
    %scan3A_28 = arith.constant 25 : i32
    %scan3A_29 = arith.addi %scan3A_27, %scan3A_28 : i32
    %scan3A_30 = arith.constant 1 : i32
    scf.for %scan3A_196 = %scan3A_27 to %scan3A_29 step %scan3A_30  : i32 {
      %mul3A_197 = arith.constant 2 : i32
      %mul3A_198 = arith.muli %mul3A_197, %scan3A_196 : i32
      %add3A = arith.constant 0 : i32
      %add3A_199 = arith.addi %mul3A_198, %add3A : i32
      %add3A_200 = arith.constant 1 : i32
      %add3A_201 = arith.addi %add3A_199, %add3A_200 : i32
      %lt3A_202 = arith.constant 50 : i32
      %lt3A_203 = arith.cmpi slt, %add3A_201, %lt3A_202 : i32
      %convert_element_type3A_204 = arith.extui %lt3A_203 : i1 to i32
      %cond3A_205 = arith.constant 0 : i32
      %cond3A_206 = arith.cmpi ne, %convert_element_type3A_204, %cond3A_205 : i32
      scf.if %cond3A_206 {
        %ge3A = arith.constant 1 : i32
        %ge3A_244 = arith.cmpi sge, %add3A_199, %ge3A : i32
        %convert_element_type3A_245 = arith.extui %ge3A_244 : i1 to i32
        %cond3A_246 = arith.constant 0 : i32
        %cond3A_247 = arith.cmpi ne, %convert_element_type3A_245, %cond3A_246 : i32
        scf.if %cond3A_247 {
          %dma_wait3A_256 = arith.constant 0 : i32
          %dma_wait3A_257 = arith.constant 0 : i32
          %dma_wait3A_258 = tpu.memref_slice %arg7[%dma_wait3A_256, %dma_wait3A_257] : memref<50x80xi32, #tpu.memory_space<vmem>> -> memref<1x80xi32, #tpu.memory_space<vmem>>
          %dma_wait3A_259 = tpu.memref_squeeze %dma_wait3A_258 : memref<1x80xi32, #tpu.memory_space<vmem>> -> memref<80xi32, #tpu.memory_space<vmem>>
          %dma_wait3A_260 = arith.constant 0 : i32
          %dma_wait3A_261 = arith.constant 0 : i32
          %dma_wait3A_262 = tpu.memref_slice %arg11[%dma_wait3A_260, %dma_wait3A_261] : memref<10000x128xf32, #tpu.memory_space<vmem_shared>> -> memref<10000x128xf32, #tpu.memory_space<vmem_shared>>
          tpu.wait_indirect_dma semaphore(%arg15 : memref<!tpu.dma_semaphore, #tpu.memory_space<semaphore_mem>>) src(%arg9 : memref<80x128xf32, #tpu.memory_space<vmem>>) dst(%dma_wait3A_262 : memref<10000x128xf32, #tpu.memory_space<vmem_shared>>)
        } else {
        }
        %add3A_248 = arith.constant 1 : i32
        %add3A_249 = arith.addi %add3A_199, %add3A_248 : i32
        %dma_start3A_250 = arith.constant 0 : i32
        %dma_start3A_251 = tpu.memref_slice %arg6[%add3A_249, %dma_start3A_250] : memref<50x80xi32, #tpu.memory_space<vmem>> -> memref<1x80xi32, #tpu.memory_space<vmem>>
        %dma_start3A_252 = tpu.memref_squeeze %dma_start3A_251 : memref<1x80xi32, #tpu.memory_space<vmem>> -> memref<80xi32, #tpu.memory_space<vmem>>
        %dma_start3A_253 = arith.constant 0 : i32
        %dma_start3A_254 = arith.constant 0 : i32
        %dma_start3A_255 = tpu.memref_slice %arg2[%dma_start3A_253, %dma_start3A_254] : memref<20000x128xf32, #tpu.memory_space<hbm>> -> memref<20000x128xf32, #tpu.memory_space<hbm>>
        tpu.enqueue_indirect_dma source(%dma_start3A_255 : memref<20000x128xf32, #tpu.memory_space<hbm>>) target(%arg9 : memref<80x128xf32, #tpu.memory_space<vmem>>) offsets(%dma_start3A_252 : memref<80xi32, #tpu.memory_space<vmem>>) semaphore(%arg13 : memref<!tpu.dma_semaphore, #tpu.memory_space<semaphore_mem>>)
      } else {
      }
      %dma_wait3A_207 = arith.constant 0 : i32
      %dma_wait3A_208 = arith.constant 0 : i32
      %dma_wait3A_209 = tpu.memref_slice %arg6[%dma_wait3A_207, %dma_wait3A_208] : memref<50x80xi32, #tpu.memory_space<vmem>> -> memref<1x80xi32, #tpu.memory_space<vmem>>
      %dma_wait3A_210 = tpu.memref_squeeze %dma_wait3A_209 : memref<1x80xi32, #tpu.memory_space<vmem>> -> memref<80xi32, #tpu.memory_space<vmem>>
      %dma_wait3A_211 = arith.constant 0 : i32
      %dma_wait3A_212 = arith.constant 0 : i32
      %dma_wait3A_213 = tpu.memref_slice %arg2[%dma_wait3A_211, %dma_wait3A_212] : memref<20000x128xf32, #tpu.memory_space<hbm>> -> memref<20000x128xf32, #tpu.memory_space<hbm>>
      tpu.wait_indirect_dma semaphore(%arg12 : memref<!tpu.dma_semaphore, #tpu.memory_space<semaphore_mem>>) src(%dma_wait3A_213 : memref<20000x128xf32, #tpu.memory_space<hbm>>) dst(%arg8 : memref<80x128xf32, #tpu.memory_space<vmem>>)
      %dma_start3A_214 = arith.constant 0 : i32
      %dma_start3A_215 = tpu.memref_slice %arg7[%add3A_199, %dma_start3A_214] : memref<50x80xi32, #tpu.memory_space<vmem>> -> memref<1x80xi32, #tpu.memory_space<vmem>>
      %dma_start3A_216 = tpu.memref_squeeze %dma_start3A_215 : memref<1x80xi32, #tpu.memory_space<vmem>> -> memref<80xi32, #tpu.memory_space<vmem>>
      %dma_start3A_217 = arith.constant 0 : i32
      %dma_start3A_218 = arith.constant 0 : i32
      %dma_start3A_219 = tpu.memref_slice %arg11[%dma_start3A_217, %dma_start3A_218] : memref<10000x128xf32, #tpu.memory_space<vmem_shared>> -> memref<10000x128xf32, #tpu.memory_space<vmem_shared>>
      tpu.enqueue_indirect_dma source(%arg8 : memref<80x128xf32, #tpu.memory_space<vmem>>) target(%dma_start3A_219 : memref<10000x128xf32, #tpu.memory_space<vmem_shared>>) offsets(%dma_start3A_216 : memref<80xi32, #tpu.memory_space<vmem>>) semaphore(%arg14 : memref<!tpu.dma_semaphore, #tpu.memory_space<semaphore_mem>>) {add = true}
      %mul3A_220 = arith.constant 2 : i32
      %mul3A_221 = arith.muli %mul3A_220, %scan3A_196 : i32
      %add3A_222 = arith.constant 1 : i32
      %add3A_223 = arith.addi %mul3A_221, %add3A_222 : i32
      %add3A_224 = arith.constant 1 : i32
      %add3A_225 = arith.addi %add3A_223, %add3A_224 : i32
      %lt3A_226 = arith.constant 50 : i32
      %lt3A_227 = arith.cmpi slt, %add3A_225, %lt3A_226 : i32
      %convert_element_type3A_228 = arith.extui %lt3A_227 : i1 to i32
      %cond3A_229 = arith.constant 0 : i32
      %cond3A_230 = arith.cmpi ne, %convert_element_type3A_228, %cond3A_229 : i32
      scf.if %cond3A_230 {
        %ge3A = arith.constant 1 : i32
        %ge3A_244 = arith.cmpi sge, %add3A_223, %ge3A : i32
        %convert_element_type3A_245 = arith.extui %ge3A_244 : i1 to i32
        %cond3A_246 = arith.constant 0 : i32
        %cond3A_247 = arith.cmpi ne, %convert_element_type3A_245, %cond3A_246 : i32
        scf.if %cond3A_247 {
          %dma_wait3A_256 = arith.constant 0 : i32
          %dma_wait3A_257 = arith.constant 0 : i32
          %dma_wait3A_258 = tpu.memref_slice %arg7[%dma_wait3A_256, %dma_wait3A_257] : memref<50x80xi32, #tpu.memory_space<vmem>> -> memref<1x80xi32, #tpu.memory_space<vmem>>
          %dma_wait3A_259 = tpu.memref_squeeze %dma_wait3A_258 : memref<1x80xi32, #tpu.memory_space<vmem>> -> memref<80xi32, #tpu.memory_space<vmem>>
          %dma_wait3A_260 = arith.constant 0 : i32
          %dma_wait3A_261 = arith.constant 0 : i32
          %dma_wait3A_262 = tpu.memref_slice %arg11[%dma_wait3A_260, %dma_wait3A_261] : memref<10000x128xf32, #tpu.memory_space<vmem_shared>> -> memref<10000x128xf32, #tpu.memory_space<vmem_shared>>
          tpu.wait_indirect_dma semaphore(%arg14 : memref<!tpu.dma_semaphore, #tpu.memory_space<semaphore_mem>>) src(%arg8 : memref<80x128xf32, #tpu.memory_space<vmem>>) dst(%dma_wait3A_262 : memref<10000x128xf32, #tpu.memory_space<vmem_shared>>)
        } else {
        }
        %add3A_248 = arith.constant 1 : i32
        %add3A_249 = arith.addi %add3A_223, %add3A_248 : i32
        %dma_start3A_250 = arith.constant 0 : i32
        %dma_start3A_251 = tpu.memref_slice %arg6[%add3A_249, %dma_start3A_250] : memref<50x80xi32, #tpu.memory_space<vmem>> -> memref<1x80xi32, #tpu.memory_space<vmem>>
        %dma_start3A_252 = tpu.memref_squeeze %dma_start3A_251 : memref<1x80xi32, #tpu.memory_space<vmem>> -> memref<80xi32, #tpu.memory_space<vmem>>
        %dma_start3A_253 = arith.constant 0 : i32
        %dma_start3A_254 = arith.constant 0 : i32
        %dma_start3A_255 = tpu.memref_slice %arg2[%dma_start3A_253, %dma_start3A_254] : memref<20000x128xf32, #tpu.memory_space<hbm>> -> memref<20000x128xf32, #tpu.memory_space<hbm>>
        tpu.enqueue_indirect_dma source(%dma_start3A_255 : memref<20000x128xf32, #tpu.memory_space<hbm>>) target(%arg8 : memref<80x128xf32, #tpu.memory_space<vmem>>) offsets(%dma_start3A_252 : memref<80xi32, #tpu.memory_space<vmem>>) semaphore(%arg12 : memref<!tpu.dma_semaphore, #tpu.memory_space<semaphore_mem>>)
      } else {
      }
      %dma_wait3A_231 = arith.constant 0 : i32
      %dma_wait3A_232 = arith.constant 0 : i32
      %dma_wait3A_233 = tpu.memref_slice %arg6[%dma_wait3A_231, %dma_wait3A_232] : memref<50x80xi32, #tpu.memory_space<vmem>> -> memref<1x80xi32, #tpu.memory_space<vmem>>
      %dma_wait3A_234 = tpu.memref_squeeze %dma_wait3A_233 : memref<1x80xi32, #tpu.memory_space<vmem>> -> memref<80xi32, #tpu.memory_space<vmem>>
      %dma_wait3A_235 = arith.constant 0 : i32
      %dma_wait3A_236 = arith.constant 0 : i32
      %dma_wait3A_237 = tpu.memref_slice %arg2[%dma_wait3A_235, %dma_wait3A_236] : memref<20000x128xf32, #tpu.memory_space<hbm>> -> memref<20000x128xf32, #tpu.memory_space<hbm>>
      tpu.wait_indirect_dma semaphore(%arg13 : memref<!tpu.dma_semaphore, #tpu.memory_space<semaphore_mem>>) src(%dma_wait3A_237 : memref<20000x128xf32, #tpu.memory_space<hbm>>) dst(%arg9 : memref<80x128xf32, #tpu.memory_space<vmem>>)
      %dma_start3A_238 = arith.constant 0 : i32
      %dma_start3A_239 = tpu.memref_slice %arg7[%add3A_223, %dma_start3A_238] : memref<50x80xi32, #tpu.memory_space<vmem>> -> memref<1x80xi32, #tpu.memory_space<vmem>>
      %dma_start3A_240 = tpu.memref_squeeze %dma_start3A_239 : memref<1x80xi32, #tpu.memory_space<vmem>> -> memref<80xi32, #tpu.memory_space<vmem>>
      %dma_start3A_241 = arith.constant 0 : i32
      %dma_start3A_242 = arith.constant 0 : i32
      %dma_start3A_243 = tpu.memref_slice %arg11[%dma_start3A_241, %dma_start3A_242] : memref<10000x128xf32, #tpu.memory_space<vmem_shared>> -> memref<10000x128xf32, #tpu.memory_space<vmem_shared>>
      tpu.enqueue_indirect_dma source(%arg9 : memref<80x128xf32, #tpu.memory_space<vmem>>) target(%dma_start3A_243 : memref<10000x128xf32, #tpu.memory_space<vmem_shared>>) offsets(%dma_start3A_240 : memref<80xi32, #tpu.memory_space<vmem>>) semaphore(%arg15 : memref<!tpu.dma_semaphore, #tpu.memory_space<semaphore_mem>>) {add = true}
    }
    %scan3A_31 = arith.constant 25 : i32
    %dma_wait3A = arith.constant 0 : i32
    %dma_wait3A_32 = arith.constant 0 : i32
    %dma_wait3A_33 = tpu.memref_slice %arg7[%dma_wait3A, %dma_wait3A_32] : memref<50x80xi32, #tpu.memory_space<vmem>> -> memref<1x80xi32, #tpu.memory_space<vmem>>
    %dma_wait3A_34 = tpu.memref_squeeze %dma_wait3A_33 : memref<1x80xi32, #tpu.memory_space<vmem>> -> memref<80xi32, #tpu.memory_space<vmem>>
    %dma_wait3A_35 = arith.constant 0 : i32
    %dma_wait3A_36 = arith.constant 0 : i32
    %dma_wait3A_37 = tpu.memref_slice %arg11[%dma_wait3A_35, %dma_wait3A_36] : memref<10000x128xf32, #tpu.memory_space<vmem_shared>> -> memref<10000x128xf32, #tpu.memory_space<vmem_shared>>
    tpu.wait_indirect_dma semaphore(%arg14 : memref<!tpu.dma_semaphore, #tpu.memory_space<semaphore_mem>>) src(%arg8 : memref<80x128xf32, #tpu.memory_space<vmem>>) dst(%dma_wait3A_37 : memref<10000x128xf32, #tpu.memory_space<vmem_shared>>)
    %dma_wait3A_38 = arith.constant 0 : i32
    %dma_wait3A_39 = arith.constant 0 : i32
    %dma_wait3A_40 = tpu.memref_slice %arg7[%dma_wait3A_38, %dma_wait3A_39] : memref<50x80xi32, #tpu.memory_space<vmem>> -> memref<1x80xi32, #tpu.memory_space<vmem>>
    %dma_wait3A_41 = tpu.memref_squeeze %dma_wait3A_40 : memref<1x80xi32, #tpu.memory_space<vmem>> -> memref<80xi32, #tpu.memory_space<vmem>>
    %dma_wait3A_42 = arith.constant 0 : i32
    %dma_wait3A_43 = arith.constant 0 : i32
    %dma_wait3A_44 = tpu.memref_slice %arg11[%dma_wait3A_42, %dma_wait3A_43] : memref<10000x128xf32, #tpu.memory_space<vmem_shared>> -> memref<10000x128xf32, #tpu.memory_space<vmem_shared>>
    tpu.wait_indirect_dma semaphore(%arg15 : memref<!tpu.dma_semaphore, #tpu.memory_space<semaphore_mem>>) src(%arg9 : memref<80x128xf32, #tpu.memory_space<vmem>>) dst(%dma_wait3A_44 : memref<10000x128xf32, #tpu.memory_space<vmem_shared>>)
    %run_scoped3A_45 = arith.constant 1 : i32
    "tpu.region"() ({
      %run_scoped3A_196 = tpu.sem_alloc : memref<!tpu.dma_semaphore, #tpu.memory_space<semaphore_mem>>
      %dma_start3A_197 = arith.constant 0 : i32
      %dma_start3A_198 = arith.constant 0 : i32
      %dma_start3A_199 = tpu.memref_slice %arg3[%arg1, %run_scoped3A_45, %dma_start3A_197, %dma_start3A_198] : memref<16x5x50x80xi32, #tpu.memory_space<hbm>> -> memref<1x1x50x80xi32, #tpu.memory_space<hbm>>
      %dma_start3A_200 = tpu.memref_squeeze %dma_start3A_199 : memref<1x1x50x80xi32, #tpu.memory_space<hbm>> -> memref<50x80xi32, #tpu.memory_space<hbm>>
      %dma_start3A_201 = arith.constant 0 : i32
      %dma_start3A_202 = arith.constant 0 : i32
      %dma_start3A_203 = tpu.memref_slice %arg3[%arg1, %run_scoped3A_45, %dma_start3A_201, %dma_start3A_202] : memref<16x5x50x80xi32, #tpu.memory_space<hbm>> -> memref<1x1x50x80xi32, #tpu.memory_space<hbm>>
      %dma_start3A_204 = tpu.memref_squeeze %dma_start3A_203 : memref<1x1x50x80xi32, #tpu.memory_space<hbm>> -> memref<50x80xi32, #tpu.memory_space<hbm>>
      tpu.enqueue_dma source(%dma_start3A_204 : memref<50x80xi32, #tpu.memory_space<hbm>>) target(%arg6 : memref<50x80xi32, #tpu.memory_space<vmem>>) target_semaphore(%run_scoped3A_196 : memref<!tpu.dma_semaphore, #tpu.memory_space<semaphore_mem>>)
      %dma_wait3A_205 = arith.constant 0 : i32
      %dma_wait3A_206 = arith.constant 0 : i32
      %dma_wait3A_207 = tpu.memref_slice %arg3[%arg1, %run_scoped3A_45, %dma_wait3A_205, %dma_wait3A_206] : memref<16x5x50x80xi32, #tpu.memory_space<hbm>> -> memref<1x1x50x80xi32, #tpu.memory_space<hbm>>
      %dma_wait3A_208 = tpu.memref_squeeze %dma_wait3A_207 : memref<1x1x50x80xi32, #tpu.memory_space<hbm>> -> memref<50x80xi32, #tpu.memory_space<hbm>>
      %dma_wait3A_209 = arith.constant 0 : i32
      %dma_wait3A_210 = arith.constant 0 : i32
      %dma_wait3A_211 = tpu.memref_slice %arg3[%arg1, %run_scoped3A_45, %dma_wait3A_209, %dma_wait3A_210] : memref<16x5x50x80xi32, #tpu.memory_space<hbm>> -> memref<1x1x50x80xi32, #tpu.memory_space<hbm>>
      %dma_wait3A_212 = tpu.memref_squeeze %dma_wait3A_211 : memref<1x1x50x80xi32, #tpu.memory_space<hbm>> -> memref<50x80xi32, #tpu.memory_space<hbm>>
      tpu.wait_dma2 semaphore(%run_scoped3A_196 : memref<!tpu.dma_semaphore, #tpu.memory_space<semaphore_mem>>) src(%dma_wait3A_212 : memref<50x80xi32, #tpu.memory_space<hbm>>) dst(%arg6 : memref<50x80xi32, #tpu.memory_space<vmem>>)
      tpu.yield
    }) : () -> ()
    %run_scoped3A_46 = arith.constant 1 : i32
    "tpu.region"() ({
      %run_scoped3A_196 = tpu.sem_alloc : memref<!tpu.dma_semaphore, #tpu.memory_space<semaphore_mem>>
      %dma_start3A_197 = arith.constant 0 : i32
      %dma_start3A_198 = arith.constant 0 : i32
      %dma_start3A_199 = tpu.memref_slice %arg4[%arg1, %run_scoped3A_46, %dma_start3A_197, %dma_start3A_198] : memref<16x5x50x80xi32, #tpu.memory_space<hbm>> -> memref<1x1x50x80xi32, #tpu.memory_space<hbm>>
      %dma_start3A_200 = tpu.memref_squeeze %dma_start3A_199 : memref<1x1x50x80xi32, #tpu.memory_space<hbm>> -> memref<50x80xi32, #tpu.memory_space<hbm>>
      %dma_start3A_201 = arith.constant 0 : i32
      %dma_start3A_202 = arith.constant 0 : i32
      %dma_start3A_203 = tpu.memref_slice %arg4[%arg1, %run_scoped3A_46, %dma_start3A_201, %dma_start3A_202] : memref<16x5x50x80xi32, #tpu.memory_space<hbm>> -> memref<1x1x50x80xi32, #tpu.memory_space<hbm>>
      %dma_start3A_204 = tpu.memref_squeeze %dma_start3A_203 : memref<1x1x50x80xi32, #tpu.memory_space<hbm>> -> memref<50x80xi32, #tpu.memory_space<hbm>>
      tpu.enqueue_dma source(%dma_start3A_204 : memref<50x80xi32, #tpu.memory_space<hbm>>) target(%arg7 : memref<50x80xi32, #tpu.memory_space<vmem>>) target_semaphore(%run_scoped3A_196 : memref<!tpu.dma_semaphore, #tpu.memory_space<semaphore_mem>>)
      %dma_wait3A_205 = arith.constant 0 : i32
      %dma_wait3A_206 = arith.constant 0 : i32
      %dma_wait3A_207 = tpu.memref_slice %arg4[%arg1, %run_scoped3A_46, %dma_wait3A_205, %dma_wait3A_206] : memref<16x5x50x80xi32, #tpu.memory_space<hbm>> -> memref<1x1x50x80xi32, #tpu.memory_space<hbm>>
      %dma_wait3A_208 = tpu.memref_squeeze %dma_wait3A_207 : memref<1x1x50x80xi32, #tpu.memory_space<hbm>> -> memref<50x80xi32, #tpu.memory_space<hbm>>
      %dma_wait3A_209 = arith.constant 0 : i32
      %dma_wait3A_210 = arith.constant 0 : i32
      %dma_wait3A_211 = tpu.memref_slice %arg4[%arg1, %run_scoped3A_46, %dma_wait3A_209, %dma_wait3A_210] : memref<16x5x50x80xi32, #tpu.memory_space<hbm>> -> memref<1x1x50x80xi32, #tpu.memory_space<hbm>>
      %dma_wait3A_212 = tpu.memref_squeeze %dma_wait3A_211 : memref<1x1x50x80xi32, #tpu.memory_space<hbm>> -> memref<50x80xi32, #tpu.memory_space<hbm>>
      tpu.wait_dma2 semaphore(%run_scoped3A_196 : memref<!tpu.dma_semaphore, #tpu.memory_space<semaphore_mem>>) src(%dma_wait3A_212 : memref<50x80xi32, #tpu.memory_space<hbm>>) dst(%arg7 : memref<50x80xi32, #tpu.memory_space<vmem>>)
      tpu.yield
    }) : () -> ()
    %scan3A_47 = arith.constant 0 : i32
    %scan3A_48 = arith.constant 0 : i32
    %scan3A_49 = arith.constant 250 : i32
    %scan3A_50 = arith.addi %scan3A_48, %scan3A_49 : i32
    %scan3A_51 = arith.constant 1 : i32
    scf.for %scan3A_196 = %scan3A_48 to %scan3A_50 step %scan3A_51  : i32 {
      %jit3A = arith.constant 5 : i32
      %div3A = arith.divsi %scan3A_196, %jit3A : i32
      %sign3A = arith.constant 0 : i32
      %sign3A_197 = arith.cmpi sgt, %scan3A_196, %sign3A : i32
      %sign3A_198 = arith.extui %sign3A_197 : i1 to i32
      %sign3A_199 = arith.constant 0 : i32
      %sign3A_200 = arith.cmpi slt, %scan3A_196, %sign3A_199 : i32
      %sign3A_201 = arith.extui %sign3A_200 : i1 to i32
      %sign3A_202 = arith.subi %sign3A_198, %sign3A_201 : i32
      %sign3A_203 = arith.constant 0 : i32
      %sign3A_204 = arith.cmpi sgt, %jit3A, %sign3A_203 : i32
      %sign3A_205 = arith.extui %sign3A_204 : i1 to i32
      %sign3A_206 = arith.constant 0 : i32
      %sign3A_207 = arith.cmpi slt, %jit3A, %sign3A_206 : i32
      %sign3A_208 = arith.extui %sign3A_207 : i1 to i32
      %sign3A_209 = arith.subi %sign3A_205, %sign3A_208 : i32
      %ne3A = arith.cmpi ne, %sign3A_202, %sign3A_209 : i32
      %rem3A = arith.remsi %scan3A_196, %jit3A : i32
      %ne3A_210 = arith.constant 0 : i32
      %ne3A_211 = arith.cmpi ne, %rem3A, %ne3A_210 : i32
      %and3A = arith.andi %ne3A, %ne3A_211 : i1
      %sub3A = arith.constant 1 : i32
      %sub3A_212 = arith.subi %div3A, %sub3A : i32
      %select_n3A = arith.select %and3A, %sub3A_212, %div3A : i32
      %jit3A_213 = arith.constant 5 : i32
      %eq3A_214 = arith.constant 0 : i32
      %eq3A_215 = arith.cmpi eq, %jit3A_213, %eq3A_214 : i32
      %jit3A_216 = arith.constant 1 : i32
      %select_n3A_217 = arith.select %eq3A_215, %jit3A_216, %jit3A_213 : i32
      %rem3A_218 = arith.remsi %scan3A_196, %select_n3A_217 : i32
      %ne3A_219 = arith.constant 0 : i32
      %ne3A_220 = arith.cmpi ne, %rem3A_218, %ne3A_219 : i32
      %lt3A_221 = arith.constant 0 : i32
      %lt3A_222 = arith.cmpi slt, %rem3A_218, %lt3A_221 : i32
      %lt3A_223 = arith.constant 0 : i32
      %lt3A_224 = arith.cmpi slt, %select_n3A_217, %lt3A_223 : i32
      %ne3A_225 = arith.xori %lt3A_222, %lt3A_224 : i1
      %and3A_226 = arith.andi %ne3A_225, %ne3A_220 : i1
      %add3A = arith.addi %rem3A_218, %select_n3A_217 : i32
      %select_n3A_227 = arith.select %and3A_226, %add3A, %rem3A_218 : i32
      %mul3A_228 = arith.constant 16 : i32
      %mul3A_229 = arith.muli %select_n3A_227, %mul3A_228 : i32
      %get3A = arith.index_cast %select_n3A : i32 to index
      %get3A_230 = arith.index_cast %mul3A_229 : i32 to index
      %get3A_231 = tpu.vector_load %arg6[%get3A, %get3A_230] {strides = array<i32>} : memref<50x80xi32, #tpu.memory_space<vmem>>, vector<16xi32>,
      %add3A_232 = vector.broadcast %mul3A_0 : i32 to vector<16xi32>
      %add3A_233 = arith.addi %get3A_231, %add3A_232 : vector<16xi32>
      %mul3A_234 = arith.constant 16 : i32
      %mul3A_235 = arith.muli %select_n3A_227, %mul3A_234 : i32
      %swap3A = arith.index_cast %select_n3A : i32 to index
      %swap3A_236 = arith.index_cast %mul3A_235 : i32 to index
      %swap3A_237 = tpu.vector_load %arg6[%swap3A, %swap3A_236] {strides = array<i32>} : memref<50x80xi32, #tpu.memory_space<vmem>>, vector<16xi32>,
      tpu.vector_store %arg6[%swap3A, %swap3A_236], %add3A_233 {strides = array<i32>} : memref<50x80xi32, #tpu.memory_space<vmem>>, vector<16xi32>,
    }
    %scan3A_52 = arith.constant 250 : i32
    %dma_start3A_53 = arith.constant 0 : i32
    %dma_start3A_54 = arith.constant 0 : i32
    %dma_start3A_55 = tpu.memref_slice %arg6[%dma_start3A_53, %dma_start3A_54] : memref<50x80xi32, #tpu.memory_space<vmem>> -> memref<1x80xi32, #tpu.memory_space<vmem>>
    %dma_start3A_56 = tpu.memref_squeeze %dma_start3A_55 : memref<1x80xi32, #tpu.memory_space<vmem>> -> memref<80xi32, #tpu.memory_space<vmem>>
    %dma_start3A_57 = arith.constant 0 : i32
    %dma_start3A_58 = arith.constant 0 : i32
    %dma_start3A_59 = tpu.memref_slice %arg2[%dma_start3A_57, %dma_start3A_58] : memref<20000x128xf32, #tpu.memory_space<hbm>> -> memref<20000x128xf32, #tpu.memory_space<hbm>>
    tpu.enqueue_indirect_dma source(%dma_start3A_59 : memref<20000x128xf32, #tpu.memory_space<hbm>>) target(%arg8 : memref<80x128xf32, #tpu.memory_space<vmem>>) offsets(%dma_start3A_56 : memref<80xi32, #tpu.memory_space<vmem>>) semaphore(%arg12 : memref<!tpu.dma_semaphore, #tpu.memory_space<semaphore_mem>>)
    %scan3A_60 = arith.constant 0 : i32
    %scan3A_61 = arith.constant 0 : i32
    %scan3A_62 = arith.constant 25 : i32
    %scan3A_63 = arith.addi %scan3A_61, %scan3A_62 : i32
    %scan3A_64 = arith.constant 1 : i32
    scf.for %scan3A_196 = %scan3A_61 to %scan3A_63 step %scan3A_64  : i32 {
      %mul3A_197 = arith.constant 2 : i32
      %mul3A_198 = arith.muli %mul3A_197, %scan3A_196 : i32
      %add3A = arith.constant 0 : i32
      %add3A_199 = arith.addi %mul3A_198, %add3A : i32
      %add3A_200 = arith.constant 1 : i32
      %add3A_201 = arith.addi %add3A_199, %add3A_200 : i32
      %lt3A_202 = arith.constant 50 : i32
      %lt3A_203 = arith.cmpi slt, %add3A_201, %lt3A_202 : i32
      %convert_element_type3A_204 = arith.extui %lt3A_203 : i1 to i32
      %cond3A_205 = arith.constant 0 : i32
      %cond3A_206 = arith.cmpi ne, %convert_element_type3A_204, %cond3A_205 : i32
      scf.if %cond3A_206 {
        %ge3A = arith.constant 1 : i32
        %ge3A_244 = arith.cmpi sge, %add3A_199, %ge3A : i32
        %convert_element_type3A_245 = arith.extui %ge3A_244 : i1 to i32
        %cond3A_246 = arith.constant 0 : i32
        %cond3A_247 = arith.cmpi ne, %convert_element_type3A_245, %cond3A_246 : i32
        scf.if %cond3A_247 {
          %dma_wait3A_256 = arith.constant 0 : i32
          %dma_wait3A_257 = arith.constant 0 : i32
          %dma_wait3A_258 = tpu.memref_slice %arg7[%dma_wait3A_256, %dma_wait3A_257] : memref<50x80xi32, #tpu.memory_space<vmem>> -> memref<1x80xi32, #tpu.memory_space<vmem>>
          %dma_wait3A_259 = tpu.memref_squeeze %dma_wait3A_258 : memref<1x80xi32, #tpu.memory_space<vmem>> -> memref<80xi32, #tpu.memory_space<vmem>>
          %dma_wait3A_260 = arith.constant 0 : i32
          %dma_wait3A_261 = arith.constant 0 : i32
          %dma_wait3A_262 = tpu.memref_slice %arg11[%dma_wait3A_260, %dma_wait3A_261] : memref<10000x128xf32, #tpu.memory_space<vmem_shared>> -> memref<10000x128xf32, #tpu.memory_space<vmem_shared>>
          tpu.wait_indirect_dma semaphore(%arg15 : memref<!tpu.dma_semaphore, #tpu.memory_space<semaphore_mem>>) src(%arg9 : memref<80x128xf32, #tpu.memory_space<vmem>>) dst(%dma_wait3A_262 : memref<10000x128xf32, #tpu.memory_space<vmem_shared>>)
        } else {
        }
        %add3A_248 = arith.constant 1 : i32
        %add3A_249 = arith.addi %add3A_199, %add3A_248 : i32
        %dma_start3A_250 = arith.constant 0 : i32
        %dma_start3A_251 = tpu.memref_slice %arg6[%add3A_249, %dma_start3A_250] : memref<50x80xi32, #tpu.memory_space<vmem>> -> memref<1x80xi32, #tpu.memory_space<vmem>>
        %dma_start3A_252 = tpu.memref_squeeze %dma_start3A_251 : memref<1x80xi32, #tpu.memory_space<vmem>> -> memref<80xi32, #tpu.memory_space<vmem>>
        %dma_start3A_253 = arith.constant 0 : i32
        %dma_start3A_254 = arith.constant 0 : i32
        %dma_start3A_255 = tpu.memref_slice %arg2[%dma_start3A_253, %dma_start3A_254] : memref<20000x128xf32, #tpu.memory_space<hbm>> -> memref<20000x128xf32, #tpu.memory_space<hbm>>
        tpu.enqueue_indirect_dma source(%dma_start3A_255 : memref<20000x128xf32, #tpu.memory_space<hbm>>) target(%arg9 : memref<80x128xf32, #tpu.memory_space<vmem>>) offsets(%dma_start3A_252 : memref<80xi32, #tpu.memory_space<vmem>>) semaphore(%arg13 : memref<!tpu.dma_semaphore, #tpu.memory_space<semaphore_mem>>)
      } else {
      }
      %dma_wait3A_207 = arith.constant 0 : i32
      %dma_wait3A_208 = arith.constant 0 : i32
      %dma_wait3A_209 = tpu.memref_slice %arg6[%dma_wait3A_207, %dma_wait3A_208] : memref<50x80xi32, #tpu.memory_space<vmem>> -> memref<1x80xi32, #tpu.memory_space<vmem>>
      %dma_wait3A_210 = tpu.memref_squeeze %dma_wait3A_209 : memref<1x80xi32, #tpu.memory_space<vmem>> -> memref<80xi32, #tpu.memory_space<vmem>>
      %dma_wait3A_211 = arith.constant 0 : i32
      %dma_wait3A_212 = arith.constant 0 : i32
      %dma_wait3A_213 = tpu.memref_slice %arg2[%dma_wait3A_211, %dma_wait3A_212] : memref<20000x128xf32, #tpu.memory_space<hbm>> -> memref<20000x128xf32, #tpu.memory_space<hbm>>
      tpu.wait_indirect_dma semaphore(%arg12 : memref<!tpu.dma_semaphore, #tpu.memory_space<semaphore_mem>>) src(%dma_wait3A_213 : memref<20000x128xf32, #tpu.memory_space<hbm>>) dst(%arg8 : memref<80x128xf32, #tpu.memory_space<vmem>>)
      %dma_start3A_214 = arith.constant 0 : i32
      %dma_start3A_215 = tpu.memref_slice %arg7[%add3A_199, %dma_start3A_214] : memref<50x80xi32, #tpu.memory_space<vmem>> -> memref<1x80xi32, #tpu.memory_space<vmem>>
      %dma_start3A_216 = tpu.memref_squeeze %dma_start3A_215 : memref<1x80xi32, #tpu.memory_space<vmem>> -> memref<80xi32, #tpu.memory_space<vmem>>
      %dma_start3A_217 = arith.constant 0 : i32
      %dma_start3A_218 = arith.constant 0 : i32
      %dma_start3A_219 = tpu.memref_slice %arg11[%dma_start3A_217, %dma_start3A_218] : memref<10000x128xf32, #tpu.memory_space<vmem_shared>> -> memref<10000x128xf32, #tpu.memory_space<vmem_shared>>
      tpu.enqueue_indirect_dma source(%arg8 : memref<80x128xf32, #tpu.memory_space<vmem>>) target(%dma_start3A_219 : memref<10000x128xf32, #tpu.memory_space<vmem_shared>>) offsets(%dma_start3A_216 : memref<80xi32, #tpu.memory_space<vmem>>) semaphore(%arg14 : memref<!tpu.dma_semaphore, #tpu.memory_space<semaphore_mem>>) {add = true}
      %mul3A_220 = arith.constant 2 : i32
      %mul3A_221 = arith.muli %mul3A_220, %scan3A_196 : i32
      %add3A_222 = arith.constant 1 : i32
      %add3A_223 = arith.addi %mul3A_221, %add3A_222 : i32
      %add3A_224 = arith.constant 1 : i32
      %add3A_225 = arith.addi %add3A_223, %add3A_224 : i32
      %lt3A_226 = arith.constant 50 : i32
      %lt3A_227 = arith.cmpi slt, %add3A_225, %lt3A_226 : i32
      %convert_element_type3A_228 = arith.extui %lt3A_227 : i1 to i32
      %cond3A_229 = arith.constant 0 : i32
      %cond3A_230 = arith.cmpi ne, %convert_element_type3A_228, %cond3A_229 : i32
      scf.if %cond3A_230 {
        %ge3A = arith.constant 1 : i32
        %ge3A_244 = arith.cmpi sge, %add3A_223, %ge3A : i32
        %convert_element_type3A_245 = arith.extui %ge3A_244 : i1 to i32
        %cond3A_246 = arith.constant 0 : i32
        %cond3A_247 = arith.cmpi ne, %convert_element_type3A_245, %cond3A_246 : i32
        scf.if %cond3A_247 {
          %dma_wait3A_256 = arith.constant 0 : i32
          %dma_wait3A_257 = arith.constant 0 : i32
          %dma_wait3A_258 = tpu.memref_slice %arg7[%dma_wait3A_256, %dma_wait3A_257] : memref<50x80xi32, #tpu.memory_space<vmem>> -> memref<1x80xi32, #tpu.memory_space<vmem>>
          %dma_wait3A_259 = tpu.memref_squeeze %dma_wait3A_258 : memref<1x80xi32, #tpu.memory_space<vmem>> -> memref<80xi32, #tpu.memory_space<vmem>>
          %dma_wait3A_260 = arith.constant 0 : i32
          %dma_wait3A_261 = arith.constant 0 : i32
          %dma_wait3A_262 = tpu.memref_slice %arg11[%dma_wait3A_260, %dma_wait3A_261] : memref<10000x128xf32, #tpu.memory_space<vmem_shared>> -> memref<10000x128xf32, #tpu.memory_space<vmem_shared>>
          tpu.wait_indirect_dma semaphore(%arg14 : memref<!tpu.dma_semaphore, #tpu.memory_space<semaphore_mem>>) src(%arg8 : memref<80x128xf32, #tpu.memory_space<vmem>>) dst(%dma_wait3A_262 : memref<10000x128xf32, #tpu.memory_space<vmem_shared>>)
        } else {
        }
        %add3A_248 = arith.constant 1 : i32
        %add3A_249 = arith.addi %add3A_223, %add3A_248 : i32
        %dma_start3A_250 = arith.constant 0 : i32
        %dma_start3A_251 = tpu.memref_slice %arg6[%add3A_249, %dma_start3A_250] : memref<50x80xi32, #tpu.memory_space<vmem>> -> memref<1x80xi32, #tpu.memory_space<vmem>>
        %dma_start3A_252 = tpu.memref_squeeze %dma_start3A_251 : memref<1x80xi32, #tpu.memory_space<vmem>> -> memref<80xi32, #tpu.memory_space<vmem>>
        %dma_start3A_253 = arith.constant 0 : i32
        %dma_start3A_254 = arith.constant 0 : i32
        %dma_start3A_255 = tpu.memref_slice %arg2[%dma_start3A_253, %dma_start3A_254] : memref<20000x128xf32, #tpu.memory_space<hbm>> -> memref<20000x128xf32, #tpu.memory_space<hbm>>
        tpu.enqueue_indirect_dma source(%dma_start3A_255 : memref<20000x128xf32, #tpu.memory_space<hbm>>) target(%arg8 : memref<80x128xf32, #tpu.memory_space<vmem>>) offsets(%dma_start3A_252 : memref<80xi32, #tpu.memory_space<vmem>>) semaphore(%arg12 : memref<!tpu.dma_semaphore, #tpu.memory_space<semaphore_mem>>)
      } else {
      }
      %dma_wait3A_231 = arith.constant 0 : i32
      %dma_wait3A_232 = arith.constant 0 : i32
      %dma_wait3A_233 = tpu.memref_slice %arg6[%dma_wait3A_231, %dma_wait3A_232] : memref<50x80xi32, #tpu.memory_space<vmem>> -> memref<1x80xi32, #tpu.memory_space<vmem>>
      %dma_wait3A_234 = tpu.memref_squeeze %dma_wait3A_233 : memref<1x80xi32, #tpu.memory_space<vmem>> -> memref<80xi32, #tpu.memory_space<vmem>>
      %dma_wait3A_235 = arith.constant 0 : i32
      %dma_wait3A_236 = arith.constant 0 : i32
      %dma_wait3A_237 = tpu.memref_slice %arg2[%dma_wait3A_235, %dma_wait3A_236] : memref<20000x128xf32, #tpu.memory_space<hbm>> -> memref<20000x128xf32, #tpu.memory_space<hbm>>
      tpu.wait_indirect_dma semaphore(%arg13 : memref<!tpu.dma_semaphore, #tpu.memory_space<semaphore_mem>>) src(%dma_wait3A_237 : memref<20000x128xf32, #tpu.memory_space<hbm>>) dst(%arg9 : memref<80x128xf32, #tpu.memory_space<vmem>>)
      %dma_start3A_238 = arith.constant 0 : i32
      %dma_start3A_239 = tpu.memref_slice %arg7[%add3A_223, %dma_start3A_238] : memref<50x80xi32, #tpu.memory_space<vmem>> -> memref<1x80xi32, #tpu.memory_space<vmem>>
      %dma_start3A_240 = tpu.memref_squeeze %dma_start3A_239 : memref<1x80xi32, #tpu.memory_space<vmem>> -> memref<80xi32, #tpu.memory_space<vmem>>
      %dma_start3A_241 = arith.constant 0 : i32
      %dma_start3A_242 = arith.constant 0 : i32
      %dma_start3A_243 = tpu.memref_slice %arg11[%dma_start3A_241, %dma_start3A_242] : memref<10000x128xf32, #tpu.memory_space<vmem_shared>> -> memref<10000x128xf32, #tpu.memory_space<vmem_shared>>
      tpu.enqueue_indirect_dma source(%arg9 : memref<80x128xf32, #tpu.memory_space<vmem>>) target(%dma_start3A_243 : memref<10000x128xf32, #tpu.memory_space<vmem_shared>>) offsets(%dma_start3A_240 : memref<80xi32, #tpu.memory_space<vmem>>) semaphore(%arg15 : memref<!tpu.dma_semaphore, #tpu.memory_space<semaphore_mem>>) {add = true}
    }
    %scan3A_65 = arith.constant 25 : i32
    %dma_wait3A_66 = arith.constant 0 : i32
    %dma_wait3A_67 = arith.constant 0 : i32
    %dma_wait3A_68 = tpu.memref_slice %arg7[%dma_wait3A_66, %dma_wait3A_67] : memref<50x80xi32, #tpu.memory_space<vmem>> -> memref<1x80xi32, #tpu.memory_space<vmem>>
    %dma_wait3A_69 = tpu.memref_squeeze %dma_wait3A_68 : memref<1x80xi32, #tpu.memory_space<vmem>> -> memref<80xi32, #tpu.memory_space<vmem>>
    %dma_wait3A_70 = arith.constant 0 : i32
    %dma_wait3A_71 = arith.constant 0 : i32
    %dma_wait3A_72 = tpu.memref_slice %arg11[%dma_wait3A_70, %dma_wait3A_71] : memref<10000x128xf32, #tpu.memory_space<vmem_shared>> -> memref<10000x128xf32, #tpu.memory_space<vmem_shared>>
    tpu.wait_indirect_dma semaphore(%arg14 : memref<!tpu.dma_semaphore, #tpu.memory_space<semaphore_mem>>) src(%arg8 : memref<80x128xf32, #tpu.memory_space<vmem>>) dst(%dma_wait3A_72 : memref<10000x128xf32, #tpu.memory_space<vmem_shared>>)
    %dma_wait3A_73 = arith.constant 0 : i32
    %dma_wait3A_74 = arith.constant 0 : i32
    %dma_wait3A_75 = tpu.memref_slice %arg7[%dma_wait3A_73, %dma_wait3A_74] : memref<50x80xi32, #tpu.memory_space<vmem>> -> memref<1x80xi32, #tpu.memory_space<vmem>>
    %dma_wait3A_76 = tpu.memref_squeeze %dma_wait3A_75 : memref<1x80xi32, #tpu.memory_space<vmem>> -> memref<80xi32, #tpu.memory_space<vmem>>
    %dma_wait3A_77 = arith.constant 0 : i32
    %dma_wait3A_78 = arith.constant 0 : i32
    %dma_wait3A_79 = tpu.memref_slice %arg11[%dma_wait3A_77, %dma_wait3A_78] : memref<10000x128xf32, #tpu.memory_space<vmem_shared>> -> memref<10000x128xf32, #tpu.memory_space<vmem_shared>>
    tpu.wait_indirect_dma semaphore(%arg15 : memref<!tpu.dma_semaphore, #tpu.memory_space<semaphore_mem>>) src(%arg9 : memref<80x128xf32, #tpu.memory_space<vmem>>) dst(%dma_wait3A_79 : memref<10000x128xf32, #tpu.memory_space<vmem_shared>>)
    %run_scoped3A_80 = arith.constant 2 : i32
    "tpu.region"() ({
      %run_scoped3A_196 = tpu.sem_alloc : memref<!tpu.dma_semaphore, #tpu.memory_space<semaphore_mem>>
      %dma_start3A_197 = arith.constant 0 : i32
      %dma_start3A_198 = arith.constant 0 : i32
      %dma_start3A_199 = tpu.memref_slice %arg3[%arg1, %run_scoped3A_80, %dma_start3A_197, %dma_start3A_198] : memref<16x5x50x80xi32, #tpu.memory_space<hbm>> -> memref<1x1x50x80xi32, #tpu.memory_space<hbm>>
      %dma_start3A_200 = tpu.memref_squeeze %dma_start3A_199 : memref<1x1x50x80xi32, #tpu.memory_space<hbm>> -> memref<50x80xi32, #tpu.memory_space<hbm>>
      %dma_start3A_201 = arith.constant 0 : i32
      %dma_start3A_202 = arith.constant 0 : i32
      %dma_start3A_203 = tpu.memref_slice %arg3[%arg1, %run_scoped3A_80, %dma_start3A_201, %dma_start3A_202] : memref<16x5x50x80xi32, #tpu.memory_space<hbm>> -> memref<1x1x50x80xi32, #tpu.memory_space<hbm>>
      %dma_start3A_204 = tpu.memref_squeeze %dma_start3A_203 : memref<1x1x50x80xi32, #tpu.memory_space<hbm>> -> memref<50x80xi32, #tpu.memory_space<hbm>>
      tpu.enqueue_dma source(%dma_start3A_204 : memref<50x80xi32, #tpu.memory_space<hbm>>) target(%arg6 : memref<50x80xi32, #tpu.memory_space<vmem>>) target_semaphore(%run_scoped3A_196 : memref<!tpu.dma_semaphore, #tpu.memory_space<semaphore_mem>>)
      %dma_wait3A_205 = arith.constant 0 : i32
      %dma_wait3A_206 = arith.constant 0 : i32
      %dma_wait3A_207 = tpu.memref_slice %arg3[%arg1, %run_scoped3A_80, %dma_wait3A_205, %dma_wait3A_206] : memref<16x5x50x80xi32, #tpu.memory_space<hbm>> -> memref<1x1x50x80xi32, #tpu.memory_space<hbm>>
      %dma_wait3A_208 = tpu.memref_squeeze %dma_wait3A_207 : memref<1x1x50x80xi32, #tpu.memory_space<hbm>> -> memref<50x80xi32, #tpu.memory_space<hbm>>
      %dma_wait3A_209 = arith.constant 0 : i32
      %dma_wait3A_210 = arith.constant 0 : i32
      %dma_wait3A_211 = tpu.memref_slice %arg3[%arg1, %run_scoped3A_80, %dma_wait3A_209, %dma_wait3A_210] : memref<16x5x50x80xi32, #tpu.memory_space<hbm>> -> memref<1x1x50x80xi32, #tpu.memory_space<hbm>>
      %dma_wait3A_212 = tpu.memref_squeeze %dma_wait3A_211 : memref<1x1x50x80xi32, #tpu.memory_space<hbm>> -> memref<50x80xi32, #tpu.memory_space<hbm>>
      tpu.wait_dma2 semaphore(%run_scoped3A_196 : memref<!tpu.dma_semaphore, #tpu.memory_space<semaphore_mem>>) src(%dma_wait3A_212 : memref<50x80xi32, #tpu.memory_space<hbm>>) dst(%arg6 : memref<50x80xi32, #tpu.memory_space<vmem>>)
      tpu.yield
    }) : () -> ()
    %run_scoped3A_81 = arith.constant 2 : i32
    "tpu.region"() ({
      %run_scoped3A_196 = tpu.sem_alloc : memref<!tpu.dma_semaphore, #tpu.memory_space<semaphore_mem>>
      %dma_start3A_197 = arith.constant 0 : i32
      %dma_start3A_198 = arith.constant 0 : i32
      %dma_start3A_199 = tpu.memref_slice %arg4[%arg1, %run_scoped3A_81, %dma_start3A_197, %dma_start3A_198] : memref<16x5x50x80xi32, #tpu.memory_space<hbm>> -> memref<1x1x50x80xi32, #tpu.memory_space<hbm>>
      %dma_start3A_200 = tpu.memref_squeeze %dma_start3A_199 : memref<1x1x50x80xi32, #tpu.memory_space<hbm>> -> memref<50x80xi32, #tpu.memory_space<hbm>>
      %dma_start3A_201 = arith.constant 0 : i32
      %dma_start3A_202 = arith.constant 0 : i32
      %dma_start3A_203 = tpu.memref_slice %arg4[%arg1, %run_scoped3A_81, %dma_start3A_201, %dma_start3A_202] : memref<16x5x50x80xi32, #tpu.memory_space<hbm>> -> memref<1x1x50x80xi32, #tpu.memory_space<hbm>>
      %dma_start3A_204 = tpu.memref_squeeze %dma_start3A_203 : memref<1x1x50x80xi32, #tpu.memory_space<hbm>> -> memref<50x80xi32, #tpu.memory_space<hbm>>
      tpu.enqueue_dma source(%dma_start3A_204 : memref<50x80xi32, #tpu.memory_space<hbm>>) target(%arg7 : memref<50x80xi32, #tpu.memory_space<vmem>>) target_semaphore(%run_scoped3A_196 : memref<!tpu.dma_semaphore, #tpu.memory_space<semaphore_mem>>)
      %dma_wait3A_205 = arith.constant 0 : i32
      %dma_wait3A_206 = arith.constant 0 : i32
      %dma_wait3A_207 = tpu.memref_slice %arg4[%arg1, %run_scoped3A_81, %dma_wait3A_205, %dma_wait3A_206] : memref<16x5x50x80xi32, #tpu.memory_space<hbm>> -> memref<1x1x50x80xi32, #tpu.memory_space<hbm>>
      %dma_wait3A_208 = tpu.memref_squeeze %dma_wait3A_207 : memref<1x1x50x80xi32, #tpu.memory_space<hbm>> -> memref<50x80xi32, #tpu.memory_space<hbm>>
      %dma_wait3A_209 = arith.constant 0 : i32
      %dma_wait3A_210 = arith.constant 0 : i32
      %dma_wait3A_211 = tpu.memref_slice %arg4[%arg1, %run_scoped3A_81, %dma_wait3A_209, %dma_wait3A_210] : memref<16x5x50x80xi32, #tpu.memory_space<hbm>> -> memref<1x1x50x80xi32, #tpu.memory_space<hbm>>
      %dma_wait3A_212 = tpu.memref_squeeze %dma_wait3A_211 : memref<1x1x50x80xi32, #tpu.memory_space<hbm>> -> memref<50x80xi32, #tpu.memory_space<hbm>>
      tpu.wait_dma2 semaphore(%run_scoped3A_196 : memref<!tpu.dma_semaphore, #tpu.memory_space<semaphore_mem>>) src(%dma_wait3A_212 : memref<50x80xi32, #tpu.memory_space<hbm>>) dst(%arg7 : memref<50x80xi32, #tpu.memory_space<vmem>>)
      tpu.yield
    }) : () -> ()
    %scan3A_82 = arith.constant 0 : i32
    %scan3A_83 = arith.constant 0 : i32
    %scan3A_84 = arith.constant 250 : i32
    %scan3A_85 = arith.addi %scan3A_83, %scan3A_84 : i32
    %scan3A_86 = arith.constant 1 : i32
    scf.for %scan3A_196 = %scan3A_83 to %scan3A_85 step %scan3A_86  : i32 {
      %jit3A = arith.constant 5 : i32
      %div3A = arith.divsi %scan3A_196, %jit3A : i32
      %sign3A = arith.constant 0 : i32
      %sign3A_197 = arith.cmpi sgt, %scan3A_196, %sign3A : i32
      %sign3A_198 = arith.extui %sign3A_197 : i1 to i32
      %sign3A_199 = arith.constant 0 : i32
      %sign3A_200 = arith.cmpi slt, %scan3A_196, %sign3A_199 : i32
      %sign3A_201 = arith.extui %sign3A_200 : i1 to i32
      %sign3A_202 = arith.subi %sign3A_198, %sign3A_201 : i32
      %sign3A_203 = arith.constant 0 : i32
      %sign3A_204 = arith.cmpi sgt, %jit3A, %sign3A_203 : i32
      %sign3A_205 = arith.extui %sign3A_204 : i1 to i32
      %sign3A_206 = arith.constant 0 : i32
      %sign3A_207 = arith.cmpi slt, %jit3A, %sign3A_206 : i32
      %sign3A_208 = arith.extui %sign3A_207 : i1 to i32
      %sign3A_209 = arith.subi %sign3A_205, %sign3A_208 : i32
      %ne3A = arith.cmpi ne, %sign3A_202, %sign3A_209 : i32
      %rem3A = arith.remsi %scan3A_196, %jit3A : i32
      %ne3A_210 = arith.constant 0 : i32
      %ne3A_211 = arith.cmpi ne, %rem3A, %ne3A_210 : i32
      %and3A = arith.andi %ne3A, %ne3A_211 : i1
      %sub3A = arith.constant 1 : i32
      %sub3A_212 = arith.subi %div3A, %sub3A : i32
      %select_n3A = arith.select %and3A, %sub3A_212, %div3A : i32
      %jit3A_213 = arith.constant 5 : i32
      %eq3A_214 = arith.constant 0 : i32
      %eq3A_215 = arith.cmpi eq, %jit3A_213, %eq3A_214 : i32
      %jit3A_216 = arith.constant 1 : i32
      %select_n3A_217 = arith.select %eq3A_215, %jit3A_216, %jit3A_213 : i32
      %rem3A_218 = arith.remsi %scan3A_196, %select_n3A_217 : i32
      %ne3A_219 = arith.constant 0 : i32
      %ne3A_220 = arith.cmpi ne, %rem3A_218, %ne3A_219 : i32
      %lt3A_221 = arith.constant 0 : i32
      %lt3A_222 = arith.cmpi slt, %rem3A_218, %lt3A_221 : i32
      %lt3A_223 = arith.constant 0 : i32
      %lt3A_224 = arith.cmpi slt, %select_n3A_217, %lt3A_223 : i32
      %ne3A_225 = arith.xori %lt3A_222, %lt3A_224 : i1
      %and3A_226 = arith.andi %ne3A_225, %ne3A_220 : i1
      %add3A = arith.addi %rem3A_218, %select_n3A_217 : i32
      %select_n3A_227 = arith.select %and3A_226, %add3A, %rem3A_218 : i32
      %mul3A_228 = arith.constant 16 : i32
      %mul3A_229 = arith.muli %select_n3A_227, %mul3A_228 : i32
      %get3A = arith.index_cast %select_n3A : i32 to index
      %get3A_230 = arith.index_cast %mul3A_229 : i32 to index
      %get3A_231 = tpu.vector_load %arg6[%get3A, %get3A_230] {strides = array<i32>} : memref<50x80xi32, #tpu.memory_space<vmem>>, vector<16xi32>,
      %add3A_232 = vector.broadcast %mul3A_0 : i32 to vector<16xi32>
      %add3A_233 = arith.addi %get3A_231, %add3A_232 : vector<16xi32>
      %mul3A_234 = arith.constant 16 : i32
      %mul3A_235 = arith.muli %select_n3A_227, %mul3A_234 : i32
      %swap3A = arith.index_cast %select_n3A : i32 to index
      %swap3A_236 = arith.index_cast %mul3A_235 : i32 to index
      %swap3A_237 = tpu.vector_load %arg6[%swap3A, %swap3A_236] {strides = array<i32>} : memref<50x80xi32, #tpu.memory_space<vmem>>, vector<16xi32>,
      tpu.vector_store %arg6[%swap3A, %swap3A_236], %add3A_233 {strides = array<i32>} : memref<50x80xi32, #tpu.memory_space<vmem>>, vector<16xi32>,
    }
    %scan3A_87 = arith.constant 250 : i32
    %dma_start3A_88 = arith.constant 0 : i32
    %dma_start3A_89 = arith.constant 0 : i32
    %dma_start3A_90 = tpu.memref_slice %arg6[%dma_start3A_88, %dma_start3A_89] : memref<50x80xi32, #tpu.memory_space<vmem>> -> memref<1x80xi32, #tpu.memory_space<vmem>>
    %dma_start3A_91 = tpu.memref_squeeze %dma_start3A_90 : memref<1x80xi32, #tpu.memory_space<vmem>> -> memref<80xi32, #tpu.memory_space<vmem>>
    %dma_start3A_92 = arith.constant 0 : i32
    %dma_start3A_93 = arith.constant 0 : i32
    %dma_start3A_94 = tpu.memref_slice %arg2[%dma_start3A_92, %dma_start3A_93] : memref<20000x128xf32, #tpu.memory_space<hbm>> -> memref<20000x128xf32, #tpu.memory_space<hbm>>
    tpu.enqueue_indirect_dma source(%dma_start3A_94 : memref<20000x128xf32, #tpu.memory_space<hbm>>) target(%arg8 : memref<80x128xf32, #tpu.memory_space<vmem>>) offsets(%dma_start3A_91 : memref<80xi32, #tpu.memory_space<vmem>>) semaphore(%arg12 : memref<!tpu.dma_semaphore, #tpu.memory_space<semaphore_mem>>)
    %scan3A_95 = arith.constant 0 : i32
    %scan3A_96 = arith.constant 0 : i32
    %scan3A_97 = arith.constant 25 : i32
    %scan3A_98 = arith.addi %scan3A_96, %scan3A_97 : i32
    %scan3A_99 = arith.constant 1 : i32
    scf.for %scan3A_196 = %scan3A_96 to %scan3A_98 step %scan3A_99  : i32 {
      %mul3A_197 = arith.constant 2 : i32
      %mul3A_198 = arith.muli %mul3A_197, %scan3A_196 : i32
      %add3A = arith.constant 0 : i32
      %add3A_199 = arith.addi %mul3A_198, %add3A : i32
      %add3A_200 = arith.constant 1 : i32
      %add3A_201 = arith.addi %add3A_199, %add3A_200 : i32
      %lt3A_202 = arith.constant 50 : i32
      %lt3A_203 = arith.cmpi slt, %add3A_201, %lt3A_202 : i32
      %convert_element_type3A_204 = arith.extui %lt3A_203 : i1 to i32
      %cond3A_205 = arith.constant 0 : i32
      %cond3A_206 = arith.cmpi ne, %convert_element_type3A_204, %cond3A_205 : i32
      scf.if %cond3A_206 {
        %ge3A = arith.constant 1 : i32
        %ge3A_244 = arith.cmpi sge, %add3A_199, %ge3A : i32
        %convert_element_type3A_245 = arith.extui %ge3A_244 : i1 to i32
        %cond3A_246 = arith.constant 0 : i32
        %cond3A_247 = arith.cmpi ne, %convert_element_type3A_245, %cond3A_246 : i32
        scf.if %cond3A_247 {
          %dma_wait3A_256 = arith.constant 0 : i32
          %dma_wait3A_257 = arith.constant 0 : i32
          %dma_wait3A_258 = tpu.memref_slice %arg7[%dma_wait3A_256, %dma_wait3A_257] : memref<50x80xi32, #tpu.memory_space<vmem>> -> memref<1x80xi32, #tpu.memory_space<vmem>>
          %dma_wait3A_259 = tpu.memref_squeeze %dma_wait3A_258 : memref<1x80xi32, #tpu.memory_space<vmem>> -> memref<80xi32, #tpu.memory_space<vmem>>
          %dma_wait3A_260 = arith.constant 0 : i32
          %dma_wait3A_261 = arith.constant 0 : i32
          %dma_wait3A_262 = tpu.memref_slice %arg11[%dma_wait3A_260, %dma_wait3A_261] : memref<10000x128xf32, #tpu.memory_space<vmem_shared>> -> memref<10000x128xf32, #tpu.memory_space<vmem_shared>>
          tpu.wait_indirect_dma semaphore(%arg15 : memref<!tpu.dma_semaphore, #tpu.memory_space<semaphore_mem>>) src(%arg9 : memref<80x128xf32, #tpu.memory_space<vmem>>) dst(%dma_wait3A_262 : memref<10000x128xf32, #tpu.memory_space<vmem_shared>>)
        } else {
        }
        %add3A_248 = arith.constant 1 : i32
        %add3A_249 = arith.addi %add3A_199, %add3A_248 : i32
        %dma_start3A_250 = arith.constant 0 : i32
        %dma_start3A_251 = tpu.memref_slice %arg6[%add3A_249, %dma_start3A_250] : memref<50x80xi32, #tpu.memory_space<vmem>> -> memref<1x80xi32, #tpu.memory_space<vmem>>
        %dma_start3A_252 = tpu.memref_squeeze %dma_start3A_251 : memref<1x80xi32, #tpu.memory_space<vmem>> -> memref<80xi32, #tpu.memory_space<vmem>>
        %dma_start3A_253 = arith.constant 0 : i32
        %dma_start3A_254 = arith.constant 0 : i32
        %dma_start3A_255 = tpu.memref_slice %arg2[%dma_start3A_253, %dma_start3A_254] : memref<20000x128xf32, #tpu.memory_space<hbm>> -> memref<20000x128xf32, #tpu.memory_space<hbm>>
        tpu.enqueue_indirect_dma source(%dma_start3A_255 : memref<20000x128xf32, #tpu.memory_space<hbm>>) target(%arg9 : memref<80x128xf32, #tpu.memory_space<vmem>>) offsets(%dma_start3A_252 : memref<80xi32, #tpu.memory_space<vmem>>) semaphore(%arg13 : memref<!tpu.dma_semaphore, #tpu.memory_space<semaphore_mem>>)
      } else {
      }
      %dma_wait3A_207 = arith.constant 0 : i32
      %dma_wait3A_208 = arith.constant 0 : i32
      %dma_wait3A_209 = tpu.memref_slice %arg6[%dma_wait3A_207, %dma_wait3A_208] : memref<50x80xi32, #tpu.memory_space<vmem>> -> memref<1x80xi32, #tpu.memory_space<vmem>>
      %dma_wait3A_210 = tpu.memref_squeeze %dma_wait3A_209 : memref<1x80xi32, #tpu.memory_space<vmem>> -> memref<80xi32, #tpu.memory_space<vmem>>
      %dma_wait3A_211 = arith.constant 0 : i32
      %dma_wait3A_212 = arith.constant 0 : i32
      %dma_wait3A_213 = tpu.memref_slice %arg2[%dma_wait3A_211, %dma_wait3A_212] : memref<20000x128xf32, #tpu.memory_space<hbm>> -> memref<20000x128xf32, #tpu.memory_space<hbm>>
      tpu.wait_indirect_dma semaphore(%arg12 : memref<!tpu.dma_semaphore, #tpu.memory_space<semaphore_mem>>) src(%dma_wait3A_213 : memref<20000x128xf32, #tpu.memory_space<hbm>>) dst(%arg8 : memref<80x128xf32, #tpu.memory_space<vmem>>)
      %dma_start3A_214 = arith.constant 0 : i32
      %dma_start3A_215 = tpu.memref_slice %arg7[%add3A_199, %dma_start3A_214] : memref<50x80xi32, #tpu.memory_space<vmem>> -> memref<1x80xi32, #tpu.memory_space<vmem>>
      %dma_start3A_216 = tpu.memref_squeeze %dma_start3A_215 : memref<1x80xi32, #tpu.memory_space<vmem>> -> memref<80xi32, #tpu.memory_space<vmem>>
      %dma_start3A_217 = arith.constant 0 : i32
      %dma_start3A_218 = arith.constant 0 : i32
      %dma_start3A_219 = tpu.memref_slice %arg11[%dma_start3A_217, %dma_start3A_218] : memref<10000x128xf32, #tpu.memory_space<vmem_shared>> -> memref<10000x128xf32, #tpu.memory_space<vmem_shared>>
      tpu.enqueue_indirect_dma source(%arg8 : memref<80x128xf32, #tpu.memory_space<vmem>>) target(%dma_start3A_219 : memref<10000x128xf32, #tpu.memory_space<vmem_shared>>) offsets(%dma_start3A_216 : memref<80xi32, #tpu.memory_space<vmem>>) semaphore(%arg14 : memref<!tpu.dma_semaphore, #tpu.memory_space<semaphore_mem>>) {add = true}
      %mul3A_220 = arith.constant 2 : i32
      %mul3A_221 = arith.muli %mul3A_220, %scan3A_196 : i32
      %add3A_222 = arith.constant 1 : i32
      %add3A_223 = arith.addi %mul3A_221, %add3A_222 : i32
      %add3A_224 = arith.constant 1 : i32
      %add3A_225 = arith.addi %add3A_223, %add3A_224 : i32
      %lt3A_226 = arith.constant 50 : i32
      %lt3A_227 = arith.cmpi slt, %add3A_225, %lt3A_226 : i32
      %convert_element_type3A_228 = arith.extui %lt3A_227 : i1 to i32
      %cond3A_229 = arith.constant 0 : i32
      %cond3A_230 = arith.cmpi ne, %convert_element_type3A_228, %cond3A_229 : i32
      scf.if %cond3A_230 {
        %ge3A = arith.constant 1 : i32
        %ge3A_244 = arith.cmpi sge, %add3A_223, %ge3A : i32
        %convert_element_type3A_245 = arith.extui %ge3A_244 : i1 to i32
        %cond3A_246 = arith.constant 0 : i32
        %cond3A_247 = arith.cmpi ne, %convert_element_type3A_245, %cond3A_246 : i32
        scf.if %cond3A_247 {
          %dma_wait3A_256 = arith.constant 0 : i32
          %dma_wait3A_257 = arith.constant 0 : i32
          %dma_wait3A_258 = tpu.memref_slice %arg7[%dma_wait3A_256, %dma_wait3A_257] : memref<50x80xi32, #tpu.memory_space<vmem>> -> memref<1x80xi32, #tpu.memory_space<vmem>>
          %dma_wait3A_259 = tpu.memref_squeeze %dma_wait3A_258 : memref<1x80xi32, #tpu.memory_space<vmem>> -> memref<80xi32, #tpu.memory_space<vmem>>
          %dma_wait3A_260 = arith.constant 0 : i32
          %dma_wait3A_261 = arith.constant 0 : i32
          %dma_wait3A_262 = tpu.memref_slice %arg11[%dma_wait3A_260, %dma_wait3A_261] : memref<10000x128xf32, #tpu.memory_space<vmem_shared>> -> memref<10000x128xf32, #tpu.memory_space<vmem_shared>>
          tpu.wait_indirect_dma semaphore(%arg14 : memref<!tpu.dma_semaphore, #tpu.memory_space<semaphore_mem>>) src(%arg8 : memref<80x128xf32, #tpu.memory_space<vmem>>) dst(%dma_wait3A_262 : memref<10000x128xf32, #tpu.memory_space<vmem_shared>>)
        } else {
        }
        %add3A_248 = arith.constant 1 : i32
        %add3A_249 = arith.addi %add3A_223, %add3A_248 : i32
        %dma_start3A_250 = arith.constant 0 : i32
        %dma_start3A_251 = tpu.memref_slice %arg6[%add3A_249, %dma_start3A_250] : memref<50x80xi32, #tpu.memory_space<vmem>> -> memref<1x80xi32, #tpu.memory_space<vmem>>
        %dma_start3A_252 = tpu.memref_squeeze %dma_start3A_251 : memref<1x80xi32, #tpu.memory_space<vmem>> -> memref<80xi32, #tpu.memory_space<vmem>>
        %dma_start3A_253 = arith.constant 0 : i32
        %dma_start3A_254 = arith.constant 0 : i32
        %dma_start3A_255 = tpu.memref_slice %arg2[%dma_start3A_253, %dma_start3A_254] : memref<20000x128xf32, #tpu.memory_space<hbm>> -> memref<20000x128xf32, #tpu.memory_space<hbm>>
        tpu.enqueue_indirect_dma source(%dma_start3A_255 : memref<20000x128xf32, #tpu.memory_space<hbm>>) target(%arg8 : memref<80x128xf32, #tpu.memory_space<vmem>>) offsets(%dma_start3A_252 : memref<80xi32, #tpu.memory_space<vmem>>) semaphore(%arg12 : memref<!tpu.dma_semaphore, #tpu.memory_space<semaphore_mem>>)
      } else {
      }
      %dma_wait3A_231 = arith.constant 0 : i32
      %dma_wait3A_232 = arith.constant 0 : i32
      %dma_wait3A_233 = tpu.memref_slice %arg6[%dma_wait3A_231, %dma_wait3A_232] : memref<50x80xi32, #tpu.memory_space<vmem>> -> memref<1x80xi32, #tpu.memory_space<vmem>>
      %dma_wait3A_234 = tpu.memref_squeeze %dma_wait3A_233 : memref<1x80xi32, #tpu.memory_space<vmem>> -> memref<80xi32, #tpu.memory_space<vmem>>
      %dma_wait3A_235 = arith.constant 0 : i32
      %dma_wait3A_236 = arith.constant 0 : i32
      %dma_wait3A_237 = tpu.memref_slice %arg2[%dma_wait3A_235, %dma_wait3A_236] : memref<20000x128xf32, #tpu.memory_space<hbm>> -> memref<20000x128xf32, #tpu.memory_space<hbm>>
      tpu.wait_indirect_dma semaphore(%arg13 : memref<!tpu.dma_semaphore, #tpu.memory_space<semaphore_mem>>) src(%dma_wait3A_237 : memref<20000x128xf32, #tpu.memory_space<hbm>>) dst(%arg9 : memref<80x128xf32, #tpu.memory_space<vmem>>)
      %dma_start3A_238 = arith.constant 0 : i32
      %dma_start3A_239 = tpu.memref_slice %arg7[%add3A_223, %dma_start3A_238] : memref<50x80xi32, #tpu.memory_space<vmem>> -> memref<1x80xi32, #tpu.memory_space<vmem>>
      %dma_start3A_240 = tpu.memref_squeeze %dma_start3A_239 : memref<1x80xi32, #tpu.memory_space<vmem>> -> memref<80xi32, #tpu.memory_space<vmem>>
      %dma_start3A_241 = arith.constant 0 : i32
      %dma_start3A_242 = arith.constant 0 : i32
      %dma_start3A_243 = tpu.memref_slice %arg11[%dma_start3A_241, %dma_start3A_242] : memref<10000x128xf32, #tpu.memory_space<vmem_shared>> -> memref<10000x128xf32, #tpu.memory_space<vmem_shared>>
      tpu.enqueue_indirect_dma source(%arg9 : memref<80x128xf32, #tpu.memory_space<vmem>>) target(%dma_start3A_243 : memref<10000x128xf32, #tpu.memory_space<vmem_shared>>) offsets(%dma_start3A_240 : memref<80xi32, #tpu.memory_space<vmem>>) semaphore(%arg15 : memref<!tpu.dma_semaphore, #tpu.memory_space<semaphore_mem>>) {add = true}
    }
    %scan3A_100 = arith.constant 25 : i32
    %dma_wait3A_101 = arith.constant 0 : i32
    %dma_wait3A_102 = arith.constant 0 : i32
    %dma_wait3A_103 = tpu.memref_slice %arg7[%dma_wait3A_101, %dma_wait3A_102] : memref<50x80xi32, #tpu.memory_space<vmem>> -> memref<1x80xi32, #tpu.memory_space<vmem>>
    %dma_wait3A_104 = tpu.memref_squeeze %dma_wait3A_103 : memref<1x80xi32, #tpu.memory_space<vmem>> -> memref<80xi32, #tpu.memory_space<vmem>>
    %dma_wait3A_105 = arith.constant 0 : i32
    %dma_wait3A_106 = arith.constant 0 : i32
    %dma_wait3A_107 = tpu.memref_slice %arg11[%dma_wait3A_105, %dma_wait3A_106] : memref<10000x128xf32, #tpu.memory_space<vmem_shared>> -> memref<10000x128xf32, #tpu.memory_space<vmem_shared>>
    tpu.wait_indirect_dma semaphore(%arg14 : memref<!tpu.dma_semaphore, #tpu.memory_space<semaphore_mem>>) src(%arg8 : memref<80x128xf32, #tpu.memory_space<vmem>>) dst(%dma_wait3A_107 : memref<10000x128xf32, #tpu.memory_space<vmem_shared>>)
    %dma_wait3A_108 = arith.constant 0 : i32
    %dma_wait3A_109 = arith.constant 0 : i32
    %dma_wait3A_110 = tpu.memref_slice %arg7[%dma_wait3A_108, %dma_wait3A_109] : memref<50x80xi32, #tpu.memory_space<vmem>> -> memref<1x80xi32, #tpu.memory_space<vmem>>
    %dma_wait3A_111 = tpu.memref_squeeze %dma_wait3A_110 : memref<1x80xi32, #tpu.memory_space<vmem>> -> memref<80xi32, #tpu.memory_space<vmem>>
    %dma_wait3A_112 = arith.constant 0 : i32
    %dma_wait3A_113 = arith.constant 0 : i32
    %dma_wait3A_114 = tpu.memref_slice %arg11[%dma_wait3A_112, %dma_wait3A_113] : memref<10000x128xf32, #tpu.memory_space<vmem_shared>> -> memref<10000x128xf32, #tpu.memory_space<vmem_shared>>
    tpu.wait_indirect_dma semaphore(%arg15 : memref<!tpu.dma_semaphore, #tpu.memory_space<semaphore_mem>>) src(%arg9 : memref<80x128xf32, #tpu.memory_space<vmem>>) dst(%dma_wait3A_114 : memref<10000x128xf32, #tpu.memory_space<vmem_shared>>)
    %run_scoped3A_115 = arith.constant 3 : i32
    "tpu.region"() ({
      %run_scoped3A_196 = tpu.sem_alloc : memref<!tpu.dma_semaphore, #tpu.memory_space<semaphore_mem>>
      %dma_start3A_197 = arith.constant 0 : i32
      %dma_start3A_198 = arith.constant 0 : i32
      %dma_start3A_199 = tpu.memref_slice %arg3[%arg1, %run_scoped3A_115, %dma_start3A_197, %dma_start3A_198] : memref<16x5x50x80xi32, #tpu.memory_space<hbm>> -> memref<1x1x50x80xi32, #tpu.memory_space<hbm>>
      %dma_start3A_200 = tpu.memref_squeeze %dma_start3A_199 : memref<1x1x50x80xi32, #tpu.memory_space<hbm>> -> memref<50x80xi32, #tpu.memory_space<hbm>>
      %dma_start3A_201 = arith.constant 0 : i32
      %dma_start3A_202 = arith.constant 0 : i32
      %dma_start3A_203 = tpu.memref_slice %arg3[%arg1, %run_scoped3A_115, %dma_start3A_201, %dma_start3A_202] : memref<16x5x50x80xi32, #tpu.memory_space<hbm>> -> memref<1x1x50x80xi32, #tpu.memory_space<hbm>>
      %dma_start3A_204 = tpu.memref_squeeze %dma_start3A_203 : memref<1x1x50x80xi32, #tpu.memory_space<hbm>> -> memref<50x80xi32, #tpu.memory_space<hbm>>
      tpu.enqueue_dma source(%dma_start3A_204 : memref<50x80xi32, #tpu.memory_space<hbm>>) target(%arg6 : memref<50x80xi32, #tpu.memory_space<vmem>>) target_semaphore(%run_scoped3A_196 : memref<!tpu.dma_semaphore, #tpu.memory_space<semaphore_mem>>)
      %dma_wait3A_205 = arith.constant 0 : i32
      %dma_wait3A_206 = arith.constant 0 : i32
      %dma_wait3A_207 = tpu.memref_slice %arg3[%arg1, %run_scoped3A_115, %dma_wait3A_205, %dma_wait3A_206] : memref<16x5x50x80xi32, #tpu.memory_space<hbm>> -> memref<1x1x50x80xi32, #tpu.memory_space<hbm>>
      %dma_wait3A_208 = tpu.memref_squeeze %dma_wait3A_207 : memref<1x1x50x80xi32, #tpu.memory_space<hbm>> -> memref<50x80xi32, #tpu.memory_space<hbm>>
      %dma_wait3A_209 = arith.constant 0 : i32
      %dma_wait3A_210 = arith.constant 0 : i32
      %dma_wait3A_211 = tpu.memref_slice %arg3[%arg1, %run_scoped3A_115, %dma_wait3A_209, %dma_wait3A_210] : memref<16x5x50x80xi32, #tpu.memory_space<hbm>> -> memref<1x1x50x80xi32, #tpu.memory_space<hbm>>
      %dma_wait3A_212 = tpu.memref_squeeze %dma_wait3A_211 : memref<1x1x50x80xi32, #tpu.memory_space<hbm>> -> memref<50x80xi32, #tpu.memory_space<hbm>>
      tpu.wait_dma2 semaphore(%run_scoped3A_196 : memref<!tpu.dma_semaphore, #tpu.memory_space<semaphore_mem>>) src(%dma_wait3A_212 : memref<50x80xi32, #tpu.memory_space<hbm>>) dst(%arg6 : memref<50x80xi32, #tpu.memory_space<vmem>>)
      tpu.yield
    }) : () -> ()
    %run_scoped3A_116 = arith.constant 3 : i32
    "tpu.region"() ({
      %run_scoped3A_196 = tpu.sem_alloc : memref<!tpu.dma_semaphore, #tpu.memory_space<semaphore_mem>>
      %dma_start3A_197 = arith.constant 0 : i32
      %dma_start3A_198 = arith.constant 0 : i32
      %dma_start3A_199 = tpu.memref_slice %arg4[%arg1, %run_scoped3A_116, %dma_start3A_197, %dma_start3A_198] : memref<16x5x50x80xi32, #tpu.memory_space<hbm>> -> memref<1x1x50x80xi32, #tpu.memory_space<hbm>>
      %dma_start3A_200 = tpu.memref_squeeze %dma_start3A_199 : memref<1x1x50x80xi32, #tpu.memory_space<hbm>> -> memref<50x80xi32, #tpu.memory_space<hbm>>
      %dma_start3A_201 = arith.constant 0 : i32
      %dma_start3A_202 = arith.constant 0 : i32
      %dma_start3A_203 = tpu.memref_slice %arg4[%arg1, %run_scoped3A_116, %dma_start3A_201, %dma_start3A_202] : memref<16x5x50x80xi32, #tpu.memory_space<hbm>> -> memref<1x1x50x80xi32, #tpu.memory_space<hbm>>
      %dma_start3A_204 = tpu.memref_squeeze %dma_start3A_203 : memref<1x1x50x80xi32, #tpu.memory_space<hbm>> -> memref<50x80xi32, #tpu.memory_space<hbm>>
      tpu.enqueue_dma source(%dma_start3A_204 : memref<50x80xi32, #tpu.memory_space<hbm>>) target(%arg7 : memref<50x80xi32, #tpu.memory_space<vmem>>) target_semaphore(%run_scoped3A_196 : memref<!tpu.dma_semaphore, #tpu.memory_space<semaphore_mem>>)
      %dma_wait3A_205 = arith.constant 0 : i32
      %dma_wait3A_206 = arith.constant 0 : i32
      %dma_wait3A_207 = tpu.memref_slice %arg4[%arg1, %run_scoped3A_116, %dma_wait3A_205, %dma_wait3A_206] : memref<16x5x50x80xi32, #tpu.memory_space<hbm>> -> memref<1x1x50x80xi32, #tpu.memory_space<hbm>>
      %dma_wait3A_208 = tpu.memref_squeeze %dma_wait3A_207 : memref<1x1x50x80xi32, #tpu.memory_space<hbm>> -> memref<50x80xi32, #tpu.memory_space<hbm>>
      %dma_wait3A_209 = arith.constant 0 : i32
      %dma_wait3A_210 = arith.constant 0 : i32
      %dma_wait3A_211 = tpu.memref_slice %arg4[%arg1, %run_scoped3A_116, %dma_wait3A_209, %dma_wait3A_210] : memref<16x5x50x80xi32, #tpu.memory_space<hbm>> -> memref<1x1x50x80xi32, #tpu.memory_space<hbm>>
      %dma_wait3A_212 = tpu.memref_squeeze %dma_wait3A_211 : memref<1x1x50x80xi32, #tpu.memory_space<hbm>> -> memref<50x80xi32, #tpu.memory_space<hbm>>
      tpu.wait_dma2 semaphore(%run_scoped3A_196 : memref<!tpu.dma_semaphore, #tpu.memory_space<semaphore_mem>>) src(%dma_wait3A_212 : memref<50x80xi32, #tpu.memory_space<hbm>>) dst(%arg7 : memref<50x80xi32, #tpu.memory_space<vmem>>)
      tpu.yield
    }) : () -> ()
    %scan3A_117 = arith.constant 0 : i32
    %scan3A_118 = arith.constant 0 : i32
    %scan3A_119 = arith.constant 250 : i32
    %scan3A_120 = arith.addi %scan3A_118, %scan3A_119 : i32
    %scan3A_121 = arith.constant 1 : i32
    scf.for %scan3A_196 = %scan3A_118 to %scan3A_120 step %scan3A_121  : i32 {
      %jit3A = arith.constant 5 : i32
      %div3A = arith.divsi %scan3A_196, %jit3A : i32
      %sign3A = arith.constant 0 : i32
      %sign3A_197 = arith.cmpi sgt, %scan3A_196, %sign3A : i32
      %sign3A_198 = arith.extui %sign3A_197 : i1 to i32
      %sign3A_199 = arith.constant 0 : i32
      %sign3A_200 = arith.cmpi slt, %scan3A_196, %sign3A_199 : i32
      %sign3A_201 = arith.extui %sign3A_200 : i1 to i32
      %sign3A_202 = arith.subi %sign3A_198, %sign3A_201 : i32
      %sign3A_203 = arith.constant 0 : i32
      %sign3A_204 = arith.cmpi sgt, %jit3A, %sign3A_203 : i32
      %sign3A_205 = arith.extui %sign3A_204 : i1 to i32
      %sign3A_206 = arith.constant 0 : i32
      %sign3A_207 = arith.cmpi slt, %jit3A, %sign3A_206 : i32
      %sign3A_208 = arith.extui %sign3A_207 : i1 to i32
      %sign3A_209 = arith.subi %sign3A_205, %sign3A_208 : i32
      %ne3A = arith.cmpi ne, %sign3A_202, %sign3A_209 : i32
      %rem3A = arith.remsi %scan3A_196, %jit3A : i32
      %ne3A_210 = arith.constant 0 : i32
      %ne3A_211 = arith.cmpi ne, %rem3A, %ne3A_210 : i32
      %and3A = arith.andi %ne3A, %ne3A_211 : i1
      %sub3A = arith.constant 1 : i32
      %sub3A_212 = arith.subi %div3A, %sub3A : i32
      %select_n3A = arith.select %and3A, %sub3A_212, %div3A : i32
      %jit3A_213 = arith.constant 5 : i32
      %eq3A_214 = arith.constant 0 : i32
      %eq3A_215 = arith.cmpi eq, %jit3A_213, %eq3A_214 : i32
      %jit3A_216 = arith.constant 1 : i32
      %select_n3A_217 = arith.select %eq3A_215, %jit3A_216, %jit3A_213 : i32
      %rem3A_218 = arith.remsi %scan3A_196, %select_n3A_217 : i32
      %ne3A_219 = arith.constant 0 : i32
      %ne3A_220 = arith.cmpi ne, %rem3A_218, %ne3A_219 : i32
      %lt3A_221 = arith.constant 0 : i32
      %lt3A_222 = arith.cmpi slt, %rem3A_218, %lt3A_221 : i32
      %lt3A_223 = arith.constant 0 : i32
      %lt3A_224 = arith.cmpi slt, %select_n3A_217, %lt3A_223 : i32
      %ne3A_225 = arith.xori %lt3A_222, %lt3A_224 : i1
      %and3A_226 = arith.andi %ne3A_225, %ne3A_220 : i1
      %add3A = arith.addi %rem3A_218, %select_n3A_217 : i32
      %select_n3A_227 = arith.select %and3A_226, %add3A, %rem3A_218 : i32
      %mul3A_228 = arith.constant 16 : i32
      %mul3A_229 = arith.muli %select_n3A_227, %mul3A_228 : i32
      %get3A = arith.index_cast %select_n3A : i32 to index
      %get3A_230 = arith.index_cast %mul3A_229 : i32 to index
      %get3A_231 = tpu.vector_load %arg6[%get3A, %get3A_230] {strides = array<i32>} : memref<50x80xi32, #tpu.memory_space<vmem>>, vector<16xi32>,
      %add3A_232 = vector.broadcast %mul3A_0 : i32 to vector<16xi32>
      %add3A_233 = arith.addi %get3A_231, %add3A_232 : vector<16xi32>
      %mul3A_234 = arith.constant 16 : i32
      %mul3A_235 = arith.muli %select_n3A_227, %mul3A_234 : i32
      %swap3A = arith.index_cast %select_n3A : i32 to index
      %swap3A_236 = arith.index_cast %mul3A_235 : i32 to index
      %swap3A_237 = tpu.vector_load %arg6[%swap3A, %swap3A_236] {strides = array<i32>} : memref<50x80xi32, #tpu.memory_space<vmem>>, vector<16xi32>,
      tpu.vector_store %arg6[%swap3A, %swap3A_236], %add3A_233 {strides = array<i32>} : memref<50x80xi32, #tpu.memory_space<vmem>>, vector<16xi32>,
    }
    %scan3A_122 = arith.constant 250 : i32
    %dma_start3A_123 = arith.constant 0 : i32
    %dma_start3A_124 = arith.constant 0 : i32
    %dma_start3A_125 = tpu.memref_slice %arg6[%dma_start3A_123, %dma_start3A_124] : memref<50x80xi32, #tpu.memory_space<vmem>> -> memref<1x80xi32, #tpu.memory_space<vmem>>
    %dma_start3A_126 = tpu.memref_squeeze %dma_start3A_125 : memref<1x80xi32, #tpu.memory_space<vmem>> -> memref<80xi32, #tpu.memory_space<vmem>>
    %dma_start3A_127 = arith.constant 0 : i32
    %dma_start3A_128 = arith.constant 0 : i32
    %dma_start3A_129 = tpu.memref_slice %arg2[%dma_start3A_127, %dma_start3A_128] : memref<20000x128xf32, #tpu.memory_space<hbm>> -> memref<20000x128xf32, #tpu.memory_space<hbm>>
    tpu.enqueue_indirect_dma source(%dma_start3A_129 : memref<20000x128xf32, #tpu.memory_space<hbm>>) target(%arg8 : memref<80x128xf32, #tpu.memory_space<vmem>>) offsets(%dma_start3A_126 : memref<80xi32, #tpu.memory_space<vmem>>) semaphore(%arg12 : memref<!tpu.dma_semaphore, #tpu.memory_space<semaphore_mem>>)
    %scan3A_130 = arith.constant 0 : i32
    %scan3A_131 = arith.constant 0 : i32
    %scan3A_132 = arith.constant 25 : i32
    %scan3A_133 = arith.addi %scan3A_131, %scan3A_132 : i32
    %scan3A_134 = arith.constant 1 : i32
    scf.for %scan3A_196 = %scan3A_131 to %scan3A_133 step %scan3A_134  : i32 {
      %mul3A_197 = arith.constant 2 : i32
      %mul3A_198 = arith.muli %mul3A_197, %scan3A_196 : i32
      %add3A = arith.constant 0 : i32
      %add3A_199 = arith.addi %mul3A_198, %add3A : i32
      %add3A_200 = arith.constant 1 : i32
      %add3A_201 = arith.addi %add3A_199, %add3A_200 : i32
      %lt3A_202 = arith.constant 50 : i32
      %lt3A_203 = arith.cmpi slt, %add3A_201, %lt3A_202 : i32
      %convert_element_type3A_204 = arith.extui %lt3A_203 : i1 to i32
      %cond3A_205 = arith.constant 0 : i32
      %cond3A_206 = arith.cmpi ne, %convert_element_type3A_204, %cond3A_205 : i32
      scf.if %cond3A_206 {
        %ge3A = arith.constant 1 : i32
        %ge3A_244 = arith.cmpi sge, %add3A_199, %ge3A : i32
        %convert_element_type3A_245 = arith.extui %ge3A_244 : i1 to i32
        %cond3A_246 = arith.constant 0 : i32
        %cond3A_247 = arith.cmpi ne, %convert_element_type3A_245, %cond3A_246 : i32
        scf.if %cond3A_247 {
          %dma_wait3A_256 = arith.constant 0 : i32
          %dma_wait3A_257 = arith.constant 0 : i32
          %dma_wait3A_258 = tpu.memref_slice %arg7[%dma_wait3A_256, %dma_wait3A_257] : memref<50x80xi32, #tpu.memory_space<vmem>> -> memref<1x80xi32, #tpu.memory_space<vmem>>
          %dma_wait3A_259 = tpu.memref_squeeze %dma_wait3A_258 : memref<1x80xi32, #tpu.memory_space<vmem>> -> memref<80xi32, #tpu.memory_space<vmem>>
          %dma_wait3A_260 = arith.constant 0 : i32
          %dma_wait3A_261 = arith.constant 0 : i32
          %dma_wait3A_262 = tpu.memref_slice %arg11[%dma_wait3A_260, %dma_wait3A_261] : memref<10000x128xf32, #tpu.memory_space<vmem_shared>> -> memref<10000x128xf32, #tpu.memory_space<vmem_shared>>
          tpu.wait_indirect_dma semaphore(%arg15 : memref<!tpu.dma_semaphore, #tpu.memory_space<semaphore_mem>>) src(%arg9 : memref<80x128xf32, #tpu.memory_space<vmem>>) dst(%dma_wait3A_262 : memref<10000x128xf32, #tpu.memory_space<vmem_shared>>)
        } else {
        }
        %add3A_248 = arith.constant 1 : i32
        %add3A_249 = arith.addi %add3A_199, %add3A_248 : i32
        %dma_start3A_250 = arith.constant 0 : i32
        %dma_start3A_251 = tpu.memref_slice %arg6[%add3A_249, %dma_start3A_250] : memref<50x80xi32, #tpu.memory_space<vmem>> -> memref<1x80xi32, #tpu.memory_space<vmem>>
        %dma_start3A_252 = tpu.memref_squeeze %dma_start3A_251 : memref<1x80xi32, #tpu.memory_space<vmem>> -> memref<80xi32, #tpu.memory_space<vmem>>
        %dma_start3A_253 = arith.constant 0 : i32
        %dma_start3A_254 = arith.constant 0 : i32
        %dma_start3A_255 = tpu.memref_slice %arg2[%dma_start3A_253, %dma_start3A_254] : memref<20000x128xf32, #tpu.memory_space<hbm>> -> memref<20000x128xf32, #tpu.memory_space<hbm>>
        tpu.enqueue_indirect_dma source(%dma_start3A_255 : memref<20000x128xf32, #tpu.memory_space<hbm>>) target(%arg9 : memref<80x128xf32, #tpu.memory_space<vmem>>) offsets(%dma_start3A_252 : memref<80xi32, #tpu.memory_space<vmem>>) semaphore(%arg13 : memref<!tpu.dma_semaphore, #tpu.memory_space<semaphore_mem>>)
      } else {
      }
      %dma_wait3A_207 = arith.constant 0 : i32
      %dma_wait3A_208 = arith.constant 0 : i32
      %dma_wait3A_209 = tpu.memref_slice %arg6[%dma_wait3A_207, %dma_wait3A_208] : memref<50x80xi32, #tpu.memory_space<vmem>> -> memref<1x80xi32, #tpu.memory_space<vmem>>
      %dma_wait3A_210 = tpu.memref_squeeze %dma_wait3A_209 : memref<1x80xi32, #tpu.memory_space<vmem>> -> memref<80xi32, #tpu.memory_space<vmem>>
      %dma_wait3A_211 = arith.constant 0 : i32
      %dma_wait3A_212 = arith.constant 0 : i32
      %dma_wait3A_213 = tpu.memref_slice %arg2[%dma_wait3A_211, %dma_wait3A_212] : memref<20000x128xf32, #tpu.memory_space<hbm>> -> memref<20000x128xf32, #tpu.memory_space<hbm>>
      tpu.wait_indirect_dma semaphore(%arg12 : memref<!tpu.dma_semaphore, #tpu.memory_space<semaphore_mem>>) src(%dma_wait3A_213 : memref<20000x128xf32, #tpu.memory_space<hbm>>) dst(%arg8 : memref<80x128xf32, #tpu.memory_space<vmem>>)
      %dma_start3A_214 = arith.constant 0 : i32
      %dma_start3A_215 = tpu.memref_slice %arg7[%add3A_199, %dma_start3A_214] : memref<50x80xi32, #tpu.memory_space<vmem>> -> memref<1x80xi32, #tpu.memory_space<vmem>>
      %dma_start3A_216 = tpu.memref_squeeze %dma_start3A_215 : memref<1x80xi32, #tpu.memory_space<vmem>> -> memref<80xi32, #tpu.memory_space<vmem>>
      %dma_start3A_217 = arith.constant 0 : i32
      %dma_start3A_218 = arith.constant 0 : i32
      %dma_start3A_219 = tpu.memref_slice %arg11[%dma_start3A_217, %dma_start3A_218] : memref<10000x128xf32, #tpu.memory_space<vmem_shared>> -> memref<10000x128xf32, #tpu.memory_space<vmem_shared>>
      tpu.enqueue_indirect_dma source(%arg8 : memref<80x128xf32, #tpu.memory_space<vmem>>) target(%dma_start3A_219 : memref<10000x128xf32, #tpu.memory_space<vmem_shared>>) offsets(%dma_start3A_216 : memref<80xi32, #tpu.memory_space<vmem>>) semaphore(%arg14 : memref<!tpu.dma_semaphore, #tpu.memory_space<semaphore_mem>>) {add = true}
      %mul3A_220 = arith.constant 2 : i32
      %mul3A_221 = arith.muli %mul3A_220, %scan3A_196 : i32
      %add3A_222 = arith.constant 1 : i32
      %add3A_223 = arith.addi %mul3A_221, %add3A_222 : i32
      %add3A_224 = arith.constant 1 : i32
      %add3A_225 = arith.addi %add3A_223, %add3A_224 : i32
      %lt3A_226 = arith.constant 50 : i32
      %lt3A_227 = arith.cmpi slt, %add3A_225, %lt3A_226 : i32
      %convert_element_type3A_228 = arith.extui %lt3A_227 : i1 to i32
      %cond3A_229 = arith.constant 0 : i32
      %cond3A_230 = arith.cmpi ne, %convert_element_type3A_228, %cond3A_229 : i32
      scf.if %cond3A_230 {
        %ge3A = arith.constant 1 : i32
        %ge3A_244 = arith.cmpi sge, %add3A_223, %ge3A : i32
        %convert_element_type3A_245 = arith.extui %ge3A_244 : i1 to i32
        %cond3A_246 = arith.constant 0 : i32
        %cond3A_247 = arith.cmpi ne, %convert_element_type3A_245, %cond3A_246 : i32
        scf.if %cond3A_247 {
          %dma_wait3A_256 = arith.constant 0 : i32
          %dma_wait3A_257 = arith.constant 0 : i32
          %dma_wait3A_258 = tpu.memref_slice %arg7[%dma_wait3A_256, %dma_wait3A_257] : memref<50x80xi32, #tpu.memory_space<vmem>> -> memref<1x80xi32, #tpu.memory_space<vmem>>
          %dma_wait3A_259 = tpu.memref_squeeze %dma_wait3A_258 : memref<1x80xi32, #tpu.memory_space<vmem>> -> memref<80xi32, #tpu.memory_space<vmem>>
          %dma_wait3A_260 = arith.constant 0 : i32
          %dma_wait3A_261 = arith.constant 0 : i32
          %dma_wait3A_262 = tpu.memref_slice %arg11[%dma_wait3A_260, %dma_wait3A_261] : memref<10000x128xf32, #tpu.memory_space<vmem_shared>> -> memref<10000x128xf32, #tpu.memory_space<vmem_shared>>
          tpu.wait_indirect_dma semaphore(%arg14 : memref<!tpu.dma_semaphore, #tpu.memory_space<semaphore_mem>>) src(%arg8 : memref<80x128xf32, #tpu.memory_space<vmem>>) dst(%dma_wait3A_262 : memref<10000x128xf32, #tpu.memory_space<vmem_shared>>)
        } else {
        }
        %add3A_248 = arith.constant 1 : i32
        %add3A_249 = arith.addi %add3A_223, %add3A_248 : i32
        %dma_start3A_250 = arith.constant 0 : i32
        %dma_start3A_251 = tpu.memref_slice %arg6[%add3A_249, %dma_start3A_250] : memref<50x80xi32, #tpu.memory_space<vmem>> -> memref<1x80xi32, #tpu.memory_space<vmem>>
        %dma_start3A_252 = tpu.memref_squeeze %dma_start3A_251 : memref<1x80xi32, #tpu.memory_space<vmem>> -> memref<80xi32, #tpu.memory_space<vmem>>
        %dma_start3A_253 = arith.constant 0 : i32
        %dma_start3A_254 = arith.constant 0 : i32
        %dma_start3A_255 = tpu.memref_slice %arg2[%dma_start3A_253, %dma_start3A_254] : memref<20000x128xf32, #tpu.memory_space<hbm>> -> memref<20000x128xf32, #tpu.memory_space<hbm>>
        tpu.enqueue_indirect_dma source(%dma_start3A_255 : memref<20000x128xf32, #tpu.memory_space<hbm>>) target(%arg8 : memref<80x128xf32, #tpu.memory_space<vmem>>) offsets(%dma_start3A_252 : memref<80xi32, #tpu.memory_space<vmem>>) semaphore(%arg12 : memref<!tpu.dma_semaphore, #tpu.memory_space<semaphore_mem>>)
      } else {
      }
      %dma_wait3A_231 = arith.constant 0 : i32
      %dma_wait3A_232 = arith.constant 0 : i32
      %dma_wait3A_233 = tpu.memref_slice %arg6[%dma_wait3A_231, %dma_wait3A_232] : memref<50x80xi32, #tpu.memory_space<vmem>> -> memref<1x80xi32, #tpu.memory_space<vmem>>
      %dma_wait3A_234 = tpu.memref_squeeze %dma_wait3A_233 : memref<1x80xi32, #tpu.memory_space<vmem>> -> memref<80xi32, #tpu.memory_space<vmem>>
      %dma_wait3A_235 = arith.constant 0 : i32
      %dma_wait3A_236 = arith.constant 0 : i32
      %dma_wait3A_237 = tpu.memref_slice %arg2[%dma_wait3A_235, %dma_wait3A_236] : memref<20000x128xf32, #tpu.memory_space<hbm>> -> memref<20000x128xf32, #tpu.memory_space<hbm>>
      tpu.wait_indirect_dma semaphore(%arg13 : memref<!tpu.dma_semaphore, #tpu.memory_space<semaphore_mem>>) src(%dma_wait3A_237 : memref<20000x128xf32, #tpu.memory_space<hbm>>) dst(%arg9 : memref<80x128xf32, #tpu.memory_space<vmem>>)
      %dma_start3A_238 = arith.constant 0 : i32
      %dma_start3A_239 = tpu.memref_slice %arg7[%add3A_223, %dma_start3A_238] : memref<50x80xi32, #tpu.memory_space<vmem>> -> memref<1x80xi32, #tpu.memory_space<vmem>>
      %dma_start3A_240 = tpu.memref_squeeze %dma_start3A_239 : memref<1x80xi32, #tpu.memory_space<vmem>> -> memref<80xi32, #tpu.memory_space<vmem>>
      %dma_start3A_241 = arith.constant 0 : i32
      %dma_start3A_242 = arith.constant 0 : i32
      %dma_start3A_243 = tpu.memref_slice %arg11[%dma_start3A_241, %dma_start3A_242] : memref<10000x128xf32, #tpu.memory_space<vmem_shared>> -> memref<10000x128xf32, #tpu.memory_space<vmem_shared>>
      tpu.enqueue_indirect_dma source(%arg9 : memref<80x128xf32, #tpu.memory_space<vmem>>) target(%dma_start3A_243 : memref<10000x128xf32, #tpu.memory_space<vmem_shared>>) offsets(%dma_start3A_240 : memref<80xi32, #tpu.memory_space<vmem>>) semaphore(%arg15 : memref<!tpu.dma_semaphore, #tpu.memory_space<semaphore_mem>>) {add = true}
    }
    %scan3A_135 = arith.constant 25 : i32
    %dma_wait3A_136 = arith.constant 0 : i32
    %dma_wait3A_137 = arith.constant 0 : i32
    %dma_wait3A_138 = tpu.memref_slice %arg7[%dma_wait3A_136, %dma_wait3A_137] : memref<50x80xi32, #tpu.memory_space<vmem>> -> memref<1x80xi32, #tpu.memory_space<vmem>>
    %dma_wait3A_139 = tpu.memref_squeeze %dma_wait3A_138 : memref<1x80xi32, #tpu.memory_space<vmem>> -> memref<80xi32, #tpu.memory_space<vmem>>
    %dma_wait3A_140 = arith.constant 0 : i32
    %dma_wait3A_141 = arith.constant 0 : i32
    %dma_wait3A_142 = tpu.memref_slice %arg11[%dma_wait3A_140, %dma_wait3A_141] : memref<10000x128xf32, #tpu.memory_space<vmem_shared>> -> memref<10000x128xf32, #tpu.memory_space<vmem_shared>>
    tpu.wait_indirect_dma semaphore(%arg14 : memref<!tpu.dma_semaphore, #tpu.memory_space<semaphore_mem>>) src(%arg8 : memref<80x128xf32, #tpu.memory_space<vmem>>) dst(%dma_wait3A_142 : memref<10000x128xf32, #tpu.memory_space<vmem_shared>>)
    %dma_wait3A_143 = arith.constant 0 : i32
    %dma_wait3A_144 = arith.constant 0 : i32
    %dma_wait3A_145 = tpu.memref_slice %arg7[%dma_wait3A_143, %dma_wait3A_144] : memref<50x80xi32, #tpu.memory_space<vmem>> -> memref<1x80xi32, #tpu.memory_space<vmem>>
    %dma_wait3A_146 = tpu.memref_squeeze %dma_wait3A_145 : memref<1x80xi32, #tpu.memory_space<vmem>> -> memref<80xi32, #tpu.memory_space<vmem>>
    %dma_wait3A_147 = arith.constant 0 : i32
    %dma_wait3A_148 = arith.constant 0 : i32
    %dma_wait3A_149 = tpu.memref_slice %arg11[%dma_wait3A_147, %dma_wait3A_148] : memref<10000x128xf32, #tpu.memory_space<vmem_shared>> -> memref<10000x128xf32, #tpu.memory_space<vmem_shared>>
    tpu.wait_indirect_dma semaphore(%arg15 : memref<!tpu.dma_semaphore, #tpu.memory_space<semaphore_mem>>) src(%arg9 : memref<80x128xf32, #tpu.memory_space<vmem>>) dst(%dma_wait3A_149 : memref<10000x128xf32, #tpu.memory_space<vmem_shared>>)
    %run_scoped3A_150 = arith.constant 4 : i32
    "tpu.region"() ({
      %run_scoped3A_196 = tpu.sem_alloc : memref<!tpu.dma_semaphore, #tpu.memory_space<semaphore_mem>>
      %dma_start3A_197 = arith.constant 0 : i32
      %dma_start3A_198 = arith.constant 0 : i32
      %dma_start3A_199 = tpu.memref_slice %arg3[%arg1, %run_scoped3A_150, %dma_start3A_197, %dma_start3A_198] : memref<16x5x50x80xi32, #tpu.memory_space<hbm>> -> memref<1x1x50x80xi32, #tpu.memory_space<hbm>>
      %dma_start3A_200 = tpu.memref_squeeze %dma_start3A_199 : memref<1x1x50x80xi32, #tpu.memory_space<hbm>> -> memref<50x80xi32, #tpu.memory_space<hbm>>
      %dma_start3A_201 = arith.constant 0 : i32
      %dma_start3A_202 = arith.constant 0 : i32
      %dma_start3A_203 = tpu.memref_slice %arg3[%arg1, %run_scoped3A_150, %dma_start3A_201, %dma_start3A_202] : memref<16x5x50x80xi32, #tpu.memory_space<hbm>> -> memref<1x1x50x80xi32, #tpu.memory_space<hbm>>
      %dma_start3A_204 = tpu.memref_squeeze %dma_start3A_203 : memref<1x1x50x80xi32, #tpu.memory_space<hbm>> -> memref<50x80xi32, #tpu.memory_space<hbm>>
      tpu.enqueue_dma source(%dma_start3A_204 : memref<50x80xi32, #tpu.memory_space<hbm>>) target(%arg6 : memref<50x80xi32, #tpu.memory_space<vmem>>) target_semaphore(%run_scoped3A_196 : memref<!tpu.dma_semaphore, #tpu.memory_space<semaphore_mem>>)
      %dma_wait3A_205 = arith.constant 0 : i32
      %dma_wait3A_206 = arith.constant 0 : i32
      %dma_wait3A_207 = tpu.memref_slice %arg3[%arg1, %run_scoped3A_150, %dma_wait3A_205, %dma_wait3A_206] : memref<16x5x50x80xi32, #tpu.memory_space<hbm>> -> memref<1x1x50x80xi32, #tpu.memory_space<hbm>>
      %dma_wait3A_208 = tpu.memref_squeeze %dma_wait3A_207 : memref<1x1x50x80xi32, #tpu.memory_space<hbm>> -> memref<50x80xi32, #tpu.memory_space<hbm>>
      %dma_wait3A_209 = arith.constant 0 : i32
      %dma_wait3A_210 = arith.constant 0 : i32
      %dma_wait3A_211 = tpu.memref_slice %arg3[%arg1, %run_scoped3A_150, %dma_wait3A_209, %dma_wait3A_210] : memref<16x5x50x80xi32, #tpu.memory_space<hbm>> -> memref<1x1x50x80xi32, #tpu.memory_space<hbm>>
      %dma_wait3A_212 = tpu.memref_squeeze %dma_wait3A_211 : memref<1x1x50x80xi32, #tpu.memory_space<hbm>> -> memref<50x80xi32, #tpu.memory_space<hbm>>
      tpu.wait_dma2 semaphore(%run_scoped3A_196 : memref<!tpu.dma_semaphore, #tpu.memory_space<semaphore_mem>>) src(%dma_wait3A_212 : memref<50x80xi32, #tpu.memory_space<hbm>>) dst(%arg6 : memref<50x80xi32, #tpu.memory_space<vmem>>)
      tpu.yield
    }) : () -> ()
    %run_scoped3A_151 = arith.constant 4 : i32
    "tpu.region"() ({
      %run_scoped3A_196 = tpu.sem_alloc : memref<!tpu.dma_semaphore, #tpu.memory_space<semaphore_mem>>
      %dma_start3A_197 = arith.constant 0 : i32
      %dma_start3A_198 = arith.constant 0 : i32
      %dma_start3A_199 = tpu.memref_slice %arg4[%arg1, %run_scoped3A_151, %dma_start3A_197, %dma_start3A_198] : memref<16x5x50x80xi32, #tpu.memory_space<hbm>> -> memref<1x1x50x80xi32, #tpu.memory_space<hbm>>
      %dma_start3A_200 = tpu.memref_squeeze %dma_start3A_199 : memref<1x1x50x80xi32, #tpu.memory_space<hbm>> -> memref<50x80xi32, #tpu.memory_space<hbm>>
      %dma_start3A_201 = arith.constant 0 : i32
      %dma_start3A_202 = arith.constant 0 : i32
      %dma_start3A_203 = tpu.memref_slice %arg4[%arg1, %run_scoped3A_151, %dma_start3A_201, %dma_start3A_202] : memref<16x5x50x80xi32, #tpu.memory_space<hbm>> -> memref<1x1x50x80xi32, #tpu.memory_space<hbm>>
      %dma_start3A_204 = tpu.memref_squeeze %dma_start3A_203 : memref<1x1x50x80xi32, #tpu.memory_space<hbm>> -> memref<50x80xi32, #tpu.memory_space<hbm>>
      tpu.enqueue_dma source(%dma_start3A_204 : memref<50x80xi32, #tpu.memory_space<hbm>>) target(%arg7 : memref<50x80xi32, #tpu.memory_space<vmem>>) target_semaphore(%run_scoped3A_196 : memref<!tpu.dma_semaphore, #tpu.memory_space<semaphore_mem>>)
      %dma_wait3A_205 = arith.constant 0 : i32
      %dma_wait3A_206 = arith.constant 0 : i32
      %dma_wait3A_207 = tpu.memref_slice %arg4[%arg1, %run_scoped3A_151, %dma_wait3A_205, %dma_wait3A_206] : memref<16x5x50x80xi32, #tpu.memory_space<hbm>> -> memref<1x1x50x80xi32, #tpu.memory_space<hbm>>
      %dma_wait3A_208 = tpu.memref_squeeze %dma_wait3A_207 : memref<1x1x50x80xi32, #tpu.memory_space<hbm>> -> memref<50x80xi32, #tpu.memory_space<hbm>>
      %dma_wait3A_209 = arith.constant 0 : i32
      %dma_wait3A_210 = arith.constant 0 : i32
      %dma_wait3A_211 = tpu.memref_slice %arg4[%arg1, %run_scoped3A_151, %dma_wait3A_209, %dma_wait3A_210] : memref<16x5x50x80xi32, #tpu.memory_space<hbm>> -> memref<1x1x50x80xi32, #tpu.memory_space<hbm>>
      %dma_wait3A_212 = tpu.memref_squeeze %dma_wait3A_211 : memref<1x1x50x80xi32, #tpu.memory_space<hbm>> -> memref<50x80xi32, #tpu.memory_space<hbm>>
      tpu.wait_dma2 semaphore(%run_scoped3A_196 : memref<!tpu.dma_semaphore, #tpu.memory_space<semaphore_mem>>) src(%dma_wait3A_212 : memref<50x80xi32, #tpu.memory_space<hbm>>) dst(%arg7 : memref<50x80xi32, #tpu.memory_space<vmem>>)
      tpu.yield
    }) : () -> ()
    %scan3A_152 = arith.constant 0 : i32
    %scan3A_153 = arith.constant 0 : i32
    %scan3A_154 = arith.constant 250 : i32
    %scan3A_155 = arith.addi %scan3A_153, %scan3A_154 : i32
    %scan3A_156 = arith.constant 1 : i32
    scf.for %scan3A_196 = %scan3A_153 to %scan3A_155 step %scan3A_156  : i32 {
      %jit3A = arith.constant 5 : i32
      %div3A = arith.divsi %scan3A_196, %jit3A : i32
      %sign3A = arith.constant 0 : i32
      %sign3A_197 = arith.cmpi sgt, %scan3A_196, %sign3A : i32
      %sign3A_198 = arith.extui %sign3A_197 : i1 to i32
      %sign3A_199 = arith.constant 0 : i32
      %sign3A_200 = arith.cmpi slt, %scan3A_196, %sign3A_199 : i32
      %sign3A_201 = arith.extui %sign3A_200 : i1 to i32
      %sign3A_202 = arith.subi %sign3A_198, %sign3A_201 : i32
      %sign3A_203 = arith.constant 0 : i32
      %sign3A_204 = arith.cmpi sgt, %jit3A, %sign3A_203 : i32
      %sign3A_205 = arith.extui %sign3A_204 : i1 to i32
      %sign3A_206 = arith.constant 0 : i32
      %sign3A_207 = arith.cmpi slt, %jit3A, %sign3A_206 : i32
      %sign3A_208 = arith.extui %sign3A_207 : i1 to i32
      %sign3A_209 = arith.subi %sign3A_205, %sign3A_208 : i32
      %ne3A = arith.cmpi ne, %sign3A_202, %sign3A_209 : i32
      %rem3A = arith.remsi %scan3A_196, %jit3A : i32
      %ne3A_210 = arith.constant 0 : i32
      %ne3A_211 = arith.cmpi ne, %rem3A, %ne3A_210 : i32
      %and3A = arith.andi %ne3A, %ne3A_211 : i1
      %sub3A = arith.constant 1 : i32
      %sub3A_212 = arith.subi %div3A, %sub3A : i32
      %select_n3A = arith.select %and3A, %sub3A_212, %div3A : i32
      %jit3A_213 = arith.constant 5 : i32
      %eq3A_214 = arith.constant 0 : i32
      %eq3A_215 = arith.cmpi eq, %jit3A_213, %eq3A_214 : i32
      %jit3A_216 = arith.constant 1 : i32
      %select_n3A_217 = arith.select %eq3A_215, %jit3A_216, %jit3A_213 : i32
      %rem3A_218 = arith.remsi %scan3A_196, %select_n3A_217 : i32
      %ne3A_219 = arith.constant 0 : i32
      %ne3A_220 = arith.cmpi ne, %rem3A_218, %ne3A_219 : i32
      %lt3A_221 = arith.constant 0 : i32
      %lt3A_222 = arith.cmpi slt, %rem3A_218, %lt3A_221 : i32
      %lt3A_223 = arith.constant 0 : i32
      %lt3A_224 = arith.cmpi slt, %select_n3A_217, %lt3A_223 : i32
      %ne3A_225 = arith.xori %lt3A_222, %lt3A_224 : i1
      %and3A_226 = arith.andi %ne3A_225, %ne3A_220 : i1
      %add3A = arith.addi %rem3A_218, %select_n3A_217 : i32
      %select_n3A_227 = arith.select %and3A_226, %add3A, %rem3A_218 : i32
      %mul3A_228 = arith.constant 16 : i32
      %mul3A_229 = arith.muli %select_n3A_227, %mul3A_228 : i32
      %get3A = arith.index_cast %select_n3A : i32 to index
      %get3A_230 = arith.index_cast %mul3A_229 : i32 to index
      %get3A_231 = tpu.vector_load %arg6[%get3A, %get3A_230] {strides = array<i32>} : memref<50x80xi32, #tpu.memory_space<vmem>>, vector<16xi32>,
      %add3A_232 = vector.broadcast %mul3A_0 : i32 to vector<16xi32>
      %add3A_233 = arith.addi %get3A_231, %add3A_232 : vector<16xi32>
      %mul3A_234 = arith.constant 16 : i32
      %mul3A_235 = arith.muli %select_n3A_227, %mul3A_234 : i32
      %swap3A = arith.index_cast %select_n3A : i32 to index
      %swap3A_236 = arith.index_cast %mul3A_235 : i32 to index
      %swap3A_237 = tpu.vector_load %arg6[%swap3A, %swap3A_236] {strides = array<i32>} : memref<50x80xi32, #tpu.memory_space<vmem>>, vector<16xi32>,
      tpu.vector_store %arg6[%swap3A, %swap3A_236], %add3A_233 {strides = array<i32>} : memref<50x80xi32, #tpu.memory_space<vmem>>, vector<16xi32>,
    }
    %scan3A_157 = arith.constant 250 : i32
    %dma_start3A_158 = arith.constant 0 : i32
    %dma_start3A_159 = arith.constant 0 : i32
    %dma_start3A_160 = tpu.memref_slice %arg6[%dma_start3A_158, %dma_start3A_159] : memref<50x80xi32, #tpu.memory_space<vmem>> -> memref<1x80xi32, #tpu.memory_space<vmem>>
    %dma_start3A_161 = tpu.memref_squeeze %dma_start3A_160 : memref<1x80xi32, #tpu.memory_space<vmem>> -> memref<80xi32, #tpu.memory_space<vmem>>
    %dma_start3A_162 = arith.constant 0 : i32
    %dma_start3A_163 = arith.constant 0 : i32
    %dma_start3A_164 = tpu.memref_slice %arg2[%dma_start3A_162, %dma_start3A_163] : memref<20000x128xf32, #tpu.memory_space<hbm>> -> memref<20000x128xf32, #tpu.memory_space<hbm>>
    tpu.enqueue_indirect_dma source(%dma_start3A_164 : memref<20000x128xf32, #tpu.memory_space<hbm>>) target(%arg8 : memref<80x128xf32, #tpu.memory_space<vmem>>) offsets(%dma_start3A_161 : memref<80xi32, #tpu.memory_space<vmem>>) semaphore(%arg12 : memref<!tpu.dma_semaphore, #tpu.memory_space<semaphore_mem>>)
    %scan3A_165 = arith.constant 0 : i32
    %scan3A_166 = arith.constant 0 : i32
    %scan3A_167 = arith.constant 25 : i32
    %scan3A_168 = arith.addi %scan3A_166, %scan3A_167 : i32
    %scan3A_169 = arith.constant 1 : i32
    scf.for %scan3A_196 = %scan3A_166 to %scan3A_168 step %scan3A_169  : i32 {
      %mul3A_197 = arith.constant 2 : i32
      %mul3A_198 = arith.muli %mul3A_197, %scan3A_196 : i32
      %add3A = arith.constant 0 : i32
      %add3A_199 = arith.addi %mul3A_198, %add3A : i32
      %add3A_200 = arith.constant 1 : i32
      %add3A_201 = arith.addi %add3A_199, %add3A_200 : i32
      %lt3A_202 = arith.constant 50 : i32
      %lt3A_203 = arith.cmpi slt, %add3A_201, %lt3A_202 : i32
      %convert_element_type3A_204 = arith.extui %lt3A_203 : i1 to i32
      %cond3A_205 = arith.constant 0 : i32
      %cond3A_206 = arith.cmpi ne, %convert_element_type3A_204, %cond3A_205 : i32
      scf.if %cond3A_206 {
        %ge3A = arith.constant 1 : i32
        %ge3A_244 = arith.cmpi sge, %add3A_199, %ge3A : i32
        %convert_element_type3A_245 = arith.extui %ge3A_244 : i1 to i32
        %cond3A_246 = arith.constant 0 : i32
        %cond3A_247 = arith.cmpi ne, %convert_element_type3A_245, %cond3A_246 : i32
        scf.if %cond3A_247 {
          %dma_wait3A_256 = arith.constant 0 : i32
          %dma_wait3A_257 = arith.constant 0 : i32
          %dma_wait3A_258 = tpu.memref_slice %arg7[%dma_wait3A_256, %dma_wait3A_257] : memref<50x80xi32, #tpu.memory_space<vmem>> -> memref<1x80xi32, #tpu.memory_space<vmem>>
          %dma_wait3A_259 = tpu.memref_squeeze %dma_wait3A_258 : memref<1x80xi32, #tpu.memory_space<vmem>> -> memref<80xi32, #tpu.memory_space<vmem>>
          %dma_wait3A_260 = arith.constant 0 : i32
          %dma_wait3A_261 = arith.constant 0 : i32
          %dma_wait3A_262 = tpu.memref_slice %arg11[%dma_wait3A_260, %dma_wait3A_261] : memref<10000x128xf32, #tpu.memory_space<vmem_shared>> -> memref<10000x128xf32, #tpu.memory_space<vmem_shared>>
          tpu.wait_indirect_dma semaphore(%arg15 : memref<!tpu.dma_semaphore, #tpu.memory_space<semaphore_mem>>) src(%arg9 : memref<80x128xf32, #tpu.memory_space<vmem>>) dst(%dma_wait3A_262 : memref<10000x128xf32, #tpu.memory_space<vmem_shared>>)
        } else {
        }
        %add3A_248 = arith.constant 1 : i32
        %add3A_249 = arith.addi %add3A_199, %add3A_248 : i32
        %dma_start3A_250 = arith.constant 0 : i32
        %dma_start3A_251 = tpu.memref_slice %arg6[%add3A_249, %dma_start3A_250] : memref<50x80xi32, #tpu.memory_space<vmem>> -> memref<1x80xi32, #tpu.memory_space<vmem>>
        %dma_start3A_252 = tpu.memref_squeeze %dma_start3A_251 : memref<1x80xi32, #tpu.memory_space<vmem>> -> memref<80xi32, #tpu.memory_space<vmem>>
        %dma_start3A_253 = arith.constant 0 : i32
        %dma_start3A_254 = arith.constant 0 : i32
        %dma_start3A_255 = tpu.memref_slice %arg2[%dma_start3A_253, %dma_start3A_254] : memref<20000x128xf32, #tpu.memory_space<hbm>> -> memref<20000x128xf32, #tpu.memory_space<hbm>>
        tpu.enqueue_indirect_dma source(%dma_start3A_255 : memref<20000x128xf32, #tpu.memory_space<hbm>>) target(%arg9 : memref<80x128xf32, #tpu.memory_space<vmem>>) offsets(%dma_start3A_252 : memref<80xi32, #tpu.memory_space<vmem>>) semaphore(%arg13 : memref<!tpu.dma_semaphore, #tpu.memory_space<semaphore_mem>>)
      } else {
      }
      %dma_wait3A_207 = arith.constant 0 : i32
      %dma_wait3A_208 = arith.constant 0 : i32
      %dma_wait3A_209 = tpu.memref_slice %arg6[%dma_wait3A_207, %dma_wait3A_208] : memref<50x80xi32, #tpu.memory_space<vmem>> -> memref<1x80xi32, #tpu.memory_space<vmem>>
      %dma_wait3A_210 = tpu.memref_squeeze %dma_wait3A_209 : memref<1x80xi32, #tpu.memory_space<vmem>> -> memref<80xi32, #tpu.memory_space<vmem>>
      %dma_wait3A_211 = arith.constant 0 : i32
      %dma_wait3A_212 = arith.constant 0 : i32
      %dma_wait3A_213 = tpu.memref_slice %arg2[%dma_wait3A_211, %dma_wait3A_212] : memref<20000x128xf32, #tpu.memory_space<hbm>> -> memref<20000x128xf32, #tpu.memory_space<hbm>>
      tpu.wait_indirect_dma semaphore(%arg12 : memref<!tpu.dma_semaphore, #tpu.memory_space<semaphore_mem>>) src(%dma_wait3A_213 : memref<20000x128xf32, #tpu.memory_space<hbm>>) dst(%arg8 : memref<80x128xf32, #tpu.memory_space<vmem>>)
      %dma_start3A_214 = arith.constant 0 : i32
      %dma_start3A_215 = tpu.memref_slice %arg7[%add3A_199, %dma_start3A_214] : memref<50x80xi32, #tpu.memory_space<vmem>> -> memref<1x80xi32, #tpu.memory_space<vmem>>
      %dma_start3A_216 = tpu.memref_squeeze %dma_start3A_215 : memref<1x80xi32, #tpu.memory_space<vmem>> -> memref<80xi32, #tpu.memory_space<vmem>>
      %dma_start3A_217 = arith.constant 0 : i32
      %dma_start3A_218 = arith.constant 0 : i32
      %dma_start3A_219 = tpu.memref_slice %arg11[%dma_start3A_217, %dma_start3A_218] : memref<10000x128xf32, #tpu.memory_space<vmem_shared>> -> memref<10000x128xf32, #tpu.memory_space<vmem_shared>>
      tpu.enqueue_indirect_dma source(%arg8 : memref<80x128xf32, #tpu.memory_space<vmem>>) target(%dma_start3A_219 : memref<10000x128xf32, #tpu.memory_space<vmem_shared>>) offsets(%dma_start3A_216 : memref<80xi32, #tpu.memory_space<vmem>>) semaphore(%arg14 : memref<!tpu.dma_semaphore, #tpu.memory_space<semaphore_mem>>) {add = true}
      %mul3A_220 = arith.constant 2 : i32
      %mul3A_221 = arith.muli %mul3A_220, %scan3A_196 : i32
      %add3A_222 = arith.constant 1 : i32
      %add3A_223 = arith.addi %mul3A_221, %add3A_222 : i32
      %add3A_224 = arith.constant 1 : i32
      %add3A_225 = arith.addi %add3A_223, %add3A_224 : i32
      %lt3A_226 = arith.constant 50 : i32
      %lt3A_227 = arith.cmpi slt, %add3A_225, %lt3A_226 : i32
      %convert_element_type3A_228 = arith.extui %lt3A_227 : i1 to i32
      %cond3A_229 = arith.constant 0 : i32
      %cond3A_230 = arith.cmpi ne, %convert_element_type3A_228, %cond3A_229 : i32
      scf.if %cond3A_230 {
        %ge3A = arith.constant 1 : i32
        %ge3A_244 = arith.cmpi sge, %add3A_223, %ge3A : i32
        %convert_element_type3A_245 = arith.extui %ge3A_244 : i1 to i32
        %cond3A_246 = arith.constant 0 : i32
        %cond3A_247 = arith.cmpi ne, %convert_element_type3A_245, %cond3A_246 : i32
        scf.if %cond3A_247 {
          %dma_wait3A_256 = arith.constant 0 : i32
          %dma_wait3A_257 = arith.constant 0 : i32
          %dma_wait3A_258 = tpu.memref_slice %arg7[%dma_wait3A_256, %dma_wait3A_257] : memref<50x80xi32, #tpu.memory_space<vmem>> -> memref<1x80xi32, #tpu.memory_space<vmem>>
          %dma_wait3A_259 = tpu.memref_squeeze %dma_wait3A_258 : memref<1x80xi32, #tpu.memory_space<vmem>> -> memref<80xi32, #tpu.memory_space<vmem>>
          %dma_wait3A_260 = arith.constant 0 : i32
          %dma_wait3A_261 = arith.constant 0 : i32
          %dma_wait3A_262 = tpu.memref_slice %arg11[%dma_wait3A_260, %dma_wait3A_261] : memref<10000x128xf32, #tpu.memory_space<vmem_shared>> -> memref<10000x128xf32, #tpu.memory_space<vmem_shared>>
          tpu.wait_indirect_dma semaphore(%arg14 : memref<!tpu.dma_semaphore, #tpu.memory_space<semaphore_mem>>) src(%arg8 : memref<80x128xf32, #tpu.memory_space<vmem>>) dst(%dma_wait3A_262 : memref<10000x128xf32, #tpu.memory_space<vmem_shared>>)
        } else {
        }
        %add3A_248 = arith.constant 1 : i32
        %add3A_249 = arith.addi %add3A_223, %add3A_248 : i32
        %dma_start3A_250 = arith.constant 0 : i32
        %dma_start3A_251 = tpu.memref_slice %arg6[%add3A_249, %dma_start3A_250] : memref<50x80xi32, #tpu.memory_space<vmem>> -> memref<1x80xi32, #tpu.memory_space<vmem>>
        %dma_start3A_252 = tpu.memref_squeeze %dma_start3A_251 : memref<1x80xi32, #tpu.memory_space<vmem>> -> memref<80xi32, #tpu.memory_space<vmem>>
        %dma_start3A_253 = arith.constant 0 : i32
        %dma_start3A_254 = arith.constant 0 : i32
        %dma_start3A_255 = tpu.memref_slice %arg2[%dma_start3A_253, %dma_start3A_254] : memref<20000x128xf32, #tpu.memory_space<hbm>> -> memref<20000x128xf32, #tpu.memory_space<hbm>>
        tpu.enqueue_indirect_dma source(%dma_start3A_255 : memref<20000x128xf32, #tpu.memory_space<hbm>>) target(%arg8 : memref<80x128xf32, #tpu.memory_space<vmem>>) offsets(%dma_start3A_252 : memref<80xi32, #tpu.memory_space<vmem>>) semaphore(%arg12 : memref<!tpu.dma_semaphore, #tpu.memory_space<semaphore_mem>>)
      } else {
      }
      %dma_wait3A_231 = arith.constant 0 : i32
      %dma_wait3A_232 = arith.constant 0 : i32
      %dma_wait3A_233 = tpu.memref_slice %arg6[%dma_wait3A_231, %dma_wait3A_232] : memref<50x80xi32, #tpu.memory_space<vmem>> -> memref<1x80xi32, #tpu.memory_space<vmem>>
      %dma_wait3A_234 = tpu.memref_squeeze %dma_wait3A_233 : memref<1x80xi32, #tpu.memory_space<vmem>> -> memref<80xi32, #tpu.memory_space<vmem>>
      %dma_wait3A_235 = arith.constant 0 : i32
      %dma_wait3A_236 = arith.constant 0 : i32
      %dma_wait3A_237 = tpu.memref_slice %arg2[%dma_wait3A_235, %dma_wait3A_236] : memref<20000x128xf32, #tpu.memory_space<hbm>> -> memref<20000x128xf32, #tpu.memory_space<hbm>>
      tpu.wait_indirect_dma semaphore(%arg13 : memref<!tpu.dma_semaphore, #tpu.memory_space<semaphore_mem>>) src(%dma_wait3A_237 : memref<20000x128xf32, #tpu.memory_space<hbm>>) dst(%arg9 : memref<80x128xf32, #tpu.memory_space<vmem>>)
      %dma_start3A_238 = arith.constant 0 : i32
      %dma_start3A_239 = tpu.memref_slice %arg7[%add3A_223, %dma_start3A_238] : memref<50x80xi32, #tpu.memory_space<vmem>> -> memref<1x80xi32, #tpu.memory_space<vmem>>
      %dma_start3A_240 = tpu.memref_squeeze %dma_start3A_239 : memref<1x80xi32, #tpu.memory_space<vmem>> -> memref<80xi32, #tpu.memory_space<vmem>>
      %dma_start3A_241 = arith.constant 0 : i32
      %dma_start3A_242 = arith.constant 0 : i32
      %dma_start3A_243 = tpu.memref_slice %arg11[%dma_start3A_241, %dma_start3A_242] : memref<10000x128xf32, #tpu.memory_space<vmem_shared>> -> memref<10000x128xf32, #tpu.memory_space<vmem_shared>>
      tpu.enqueue_indirect_dma source(%arg9 : memref<80x128xf32, #tpu.memory_space<vmem>>) target(%dma_start3A_243 : memref<10000x128xf32, #tpu.memory_space<vmem_shared>>) offsets(%dma_start3A_240 : memref<80xi32, #tpu.memory_space<vmem>>) semaphore(%arg15 : memref<!tpu.dma_semaphore, #tpu.memory_space<semaphore_mem>>) {add = true}
    }
    %scan3A_170 = arith.constant 25 : i32
    %dma_wait3A_171 = arith.constant 0 : i32
    %dma_wait3A_172 = arith.constant 0 : i32
    %dma_wait3A_173 = tpu.memref_slice %arg7[%dma_wait3A_171, %dma_wait3A_172] : memref<50x80xi32, #tpu.memory_space<vmem>> -> memref<1x80xi32, #tpu.memory_space<vmem>>
    %dma_wait3A_174 = tpu.memref_squeeze %dma_wait3A_173 : memref<1x80xi32, #tpu.memory_space<vmem>> -> memref<80xi32, #tpu.memory_space<vmem>>
    %dma_wait3A_175 = arith.constant 0 : i32
    %dma_wait3A_176 = arith.constant 0 : i32
    %dma_wait3A_177 = tpu.memref_slice %arg11[%dma_wait3A_175, %dma_wait3A_176] : memref<10000x128xf32, #tpu.memory_space<vmem_shared>> -> memref<10000x128xf32, #tpu.memory_space<vmem_shared>>
    tpu.wait_indirect_dma semaphore(%arg14 : memref<!tpu.dma_semaphore, #tpu.memory_space<semaphore_mem>>) src(%arg8 : memref<80x128xf32, #tpu.memory_space<vmem>>) dst(%dma_wait3A_177 : memref<10000x128xf32, #tpu.memory_space<vmem_shared>>)
    %dma_wait3A_178 = arith.constant 0 : i32
    %dma_wait3A_179 = arith.constant 0 : i32
    %dma_wait3A_180 = tpu.memref_slice %arg7[%dma_wait3A_178, %dma_wait3A_179] : memref<50x80xi32, #tpu.memory_space<vmem>> -> memref<1x80xi32, #tpu.memory_space<vmem>>
    %dma_wait3A_181 = tpu.memref_squeeze %dma_wait3A_180 : memref<1x80xi32, #tpu.memory_space<vmem>> -> memref<80xi32, #tpu.memory_space<vmem>>
    %dma_wait3A_182 = arith.constant 0 : i32
    %dma_wait3A_183 = arith.constant 0 : i32
    %dma_wait3A_184 = tpu.memref_slice %arg11[%dma_wait3A_182, %dma_wait3A_183] : memref<10000x128xf32, #tpu.memory_space<vmem_shared>> -> memref<10000x128xf32, #tpu.memory_space<vmem_shared>>
    tpu.wait_indirect_dma semaphore(%arg15 : memref<!tpu.dma_semaphore, #tpu.memory_space<semaphore_mem>>) src(%arg9 : memref<80x128xf32, #tpu.memory_space<vmem>>) dst(%dma_wait3A_184 : memref<10000x128xf32, #tpu.memory_space<vmem_shared>>)
    %barrier3A_185 = arith.constant 0 : index
    tpu.barrier barrier_id(%barrier3A_185)
    %lt3A_186 = arith.constant 15 : i32
    %lt3A_187 = arith.cmpi slt, %arg1, %lt3A_186 : i32
    %convert_element_type3A_188 = arith.extui %lt3A_187 : i1 to i32
    %cond3A_189 = arith.constant 0 : i32
    %cond3A_190 = arith.cmpi ne, %convert_element_type3A_188, %cond3A_189 : i32
    scf.if %cond3A_190 {
      %mul3A_196 = arith.constant 632 : i32
      %mul3A_197 = arith.muli %arg1, %mul3A_196 : i32
      %mul3A_198 = arith.constant 10000 : i32
      %mul3A_199 = arith.muli %arg0, %mul3A_198 : i32
      %mul3A_200 = arith.constant 632 : i32
      %mul3A_201 = arith.muli %arg1, %mul3A_200 : i32
      %add3A = arith.addi %mul3A_199, %mul3A_201 : i32
      "tpu.region"() ({
        %run_scoped3A_202 = tpu.sem_alloc : memref<!tpu.dma_semaphore, #tpu.memory_space<semaphore_mem>>
        %dma_start3A_203 = arith.constant 0 : i32
        %dma_start3A_204 = tpu.memref_slice %arg5[%add3A, %dma_start3A_203] : memref<20000x128xf32, #tpu.memory_space<hbm>> -> memref<632x128xf32, #tpu.memory_space<hbm>>
        %dma_start3A_205 = arith.constant 0 : i32
        %dma_start3A_206 = tpu.memref_slice %arg11[%mul3A_197, %dma_start3A_205] : memref<10000x128xf32, #tpu.memory_space<vmem_shared>> -> memref<632x128xf32, #tpu.memory_space<vmem_shared>>
        tpu.enqueue_dma source(%dma_start3A_206 : memref<632x128xf32, #tpu.memory_space<vmem_shared>>) target(%dma_start3A_204 : memref<632x128xf32, #tpu.memory_space<hbm>>) target_semaphore(%run_scoped3A_202 : memref<!tpu.dma_semaphore, #tpu.memory_space<semaphore_mem>>)
        %dma_wait3A_207 = arith.constant 0 : i32
        %dma_wait3A_208 = tpu.memref_slice %arg5[%add3A, %dma_wait3A_207] : memref<20000x128xf32, #tpu.memory_space<hbm>> -> memref<632x128xf32, #tpu.memory_space<hbm>>
        %dma_wait3A_209 = arith.constant 0 : i32
        %dma_wait3A_210 = tpu.memref_slice %arg11[%mul3A_197, %dma_wait3A_209] : memref<10000x128xf32, #tpu.memory_space<vmem_shared>> -> memref<632x128xf32, #tpu.memory_space<vmem_shared>>
        tpu.wait_dma2 semaphore(%run_scoped3A_202 : memref<!tpu.dma_semaphore, #tpu.memory_space<semaphore_mem>>) src(%dma_wait3A_210 : memref<632x128xf32, #tpu.memory_space<vmem_shared>>) dst(%dma_wait3A_208 : memref<632x128xf32, #tpu.memory_space<hbm>>)
        tpu.yield
      }) : () -> ()
    } else {
    }
    %eq3A_191 = arith.constant 15 : i32
    %eq3A_192 = arith.cmpi eq, %arg1, %eq3A_191 : i32
    %convert_element_type3A_193 = arith.extui %eq3A_192 : i1 to i32
    %cond3A_194 = arith.constant 0 : i32
    %cond3A_195 = arith.cmpi ne, %convert_element_type3A_193, %cond3A_194 : i32
    scf.if %cond3A_195 {
      %mul3A_196 = arith.constant 10000 : i32
      %mul3A_197 = arith.muli %arg0, %mul3A_196 : i32
      %add3A = arith.constant 9480 : i32
      %add3A_198 = arith.addi %mul3A_197, %add3A : i32
      "tpu.region"() ({
        %run_scoped3A_199 = tpu.sem_alloc : memref<!tpu.dma_semaphore, #tpu.memory_space<semaphore_mem>>
        %dma_start3A_200 = arith.constant 0 : i32
        %dma_start3A_201 = tpu.memref_slice %arg5[%add3A_198, %dma_start3A_200] : memref<20000x128xf32, #tpu.memory_space<hbm>> -> memref<520x128xf32, #tpu.memory_space<hbm>>
        %dma_start3A_202 = arith.constant 9480 : i32
        %dma_start3A_203 = arith.constant 0 : i32
        %dma_start3A_204 = tpu.memref_slice %arg11[%dma_start3A_202, %dma_start3A_203] : memref<10000x128xf32, #tpu.memory_space<vmem_shared>> -> memref<520x128xf32, #tpu.memory_space<vmem_shared>>
        tpu.enqueue_dma source(%dma_start3A_204 : memref<520x128xf32, #tpu.memory_space<vmem_shared>>) target(%dma_start3A_201 : memref<520x128xf32, #tpu.memory_space<hbm>>) target_semaphore(%run_scoped3A_199 : memref<!tpu.dma_semaphore, #tpu.memory_space<semaphore_mem>>)
        %dma_wait3A_205 = arith.constant 0 : i32
        %dma_wait3A_206 = tpu.memref_slice %arg5[%add3A_198, %dma_wait3A_205] : memref<20000x128xf32, #tpu.memory_space<hbm>> -> memref<520x128xf32, #tpu.memory_space<hbm>>
        %dma_wait3A_207 = arith.constant 9480 : i32
        %dma_wait3A_208 = arith.constant 0 : i32
        %dma_wait3A_209 = tpu.memref_slice %arg11[%dma_wait3A_207, %dma_wait3A_208] : memref<10000x128xf32, #tpu.memory_space<vmem_shared>> -> memref<520x128xf32, #tpu.memory_space<vmem_shared>>
        tpu.wait_dma2 semaphore(%run_scoped3A_199 : memref<!tpu.dma_semaphore, #tpu.memory_space<semaphore_mem>>) src(%dma_wait3A_209 : memref<520x128xf32, #tpu.memory_space<vmem_shared>>) dst(%dma_wait3A_206 : memref<520x128xf32, #tpu.memory_space<hbm>>)
        tpu.yield
      }) : () -> ()
    } else {
    }
    return
  }
}

module attributes {stable_mosaic.version = 14 : i64} {
  func.func @_norm_body(%arg0: memref<32x20000xf32, #tpu.memory_space<vmem>>, %arg1: memref<10000x1xf32, #tpu.memory_space<vmem>>, %arg2: memref<10000x1xf32, #tpu.memory_space<vmem>>) attributes {dimension_semantics = [], scalar_prefetch = 0 : i64, scratch_operands = 0 : i64, tpu.core_type = #tpu.core_type<tc>} {
    %get3A = arith.constant 0 : index
    %get3A_0 = arith.constant 0 : index
    %get3A_1 = vector.load %arg0[%get3A, %get3A_0] : memref<32x20000xf32, #tpu.memory_space<vmem>>, vector<32x20000xf32>
    %reduce_sum3A = arith.constant dense<0.000000e+00> : vector<20000xf32>
    %reduce_sum3A_2 = vector.multi_reduction <add>, %get3A_1, %reduce_sum3A [0] : vector<32x20000xf32> to vector<20000xf32>
    %max3A = arith.constant 1.000000e+00 : f32
    %max3A_3 = vector.broadcast %max3A : f32 to vector<20000xf32>
    %max3A_4 = arith.maximumf %reduce_sum3A_2, %max3A_3 : vector<20000xf32>
    %rsqrt3A = math.rsqrt %max3A_4 : vector<20000xf32>
    %slice3A = vector.extract_strided_slice %rsqrt3A {offsets = [0], sizes = [10000], strides = [1]} : vector<20000xf32> to vector<10000xf32>
    %reshape3A = vector.shape_cast %slice3A : vector<10000xf32> to vector<10000x1xf32>
    %swap3A = arith.constant 0 : index
    %swap3A_5 = arith.constant 0 : index
    %swap3A_6 = vector.load %arg1[%swap3A, %swap3A_5] : memref<10000x1xf32, #tpu.memory_space<vmem>>, vector<10000x1xf32>
    tpu.vector_store %arg1[%swap3A, %swap3A_5], %reshape3A {strides = array<i32>} : memref<10000x1xf32, #tpu.memory_space<vmem>>, vector<10000x1xf32>,
    %slice3A_7 = vector.extract_strided_slice %rsqrt3A {offsets = [10000], sizes = [10000], strides = [1]} : vector<20000xf32> to vector<10000xf32>
    %reshape3A_8 = vector.shape_cast %slice3A_7 : vector<10000xf32> to vector<10000x1xf32>
    %swap3A_9 = arith.constant 0 : index
    %swap3A_10 = arith.constant 0 : index
    %swap3A_11 = vector.load %arg2[%swap3A_9, %swap3A_10] : memref<10000x1xf32, #tpu.memory_space<vmem>>, vector<10000x1xf32>
    tpu.vector_store %arg2[%swap3A_9, %swap3A_10], %reshape3A_8 {strides = array<i32>} : memref<10000x1xf32, #tpu.memory_space<vmem>>, vector<10000x1xf32>,
    return
  }
}

module attributes {stable_mosaic.version = 14 : i64} {
  func.func @_mm1_body(%arg0: i32, %arg1: i32, %arg2: memref<400x128xf32, #tpu.memory_space<vmem>>, %arg3: memref<128x128xf32, #tpu.memory_space<vmem>>, %arg4: memref<400x1xf32, #tpu.memory_space<vmem>>, %arg5: memref<400x128xf32, #tpu.memory_space<vmem>>) attributes {dimension_semantics = [#tpu.dimension_semantics<arbitrary>, #tpu.dimension_semantics<arbitrary>], iteration_bounds = array<i64: 2, 25>, scalar_prefetch = 0 : i64, scratch_operands = 0 : i64, tpu.core_type = #tpu.core_type<tc>, window_params = [{transform_indices = @transform_0, window_bounds = array<i64: 400, 128>}, {transform_indices = @transform_1, window_bounds = array<i64: 128, 128>}, {transform_indices = @transform_2, window_bounds = array<i64: 400, 1>}, {transform_indices = @transform_3, window_bounds = array<i64: 400, 128>}]} {
    %get3A = arith.constant 0 : index
    %get3A_0 = arith.constant 0 : index
    %get3A_1 = vector.load %arg2[%get3A, %get3A_0] : memref<400x128xf32, #tpu.memory_space<vmem>>, vector<400x128xf32>
    %get3A_2 = arith.constant 0 : index
    %get3A_3 = arith.constant 0 : index
    %get3A_4 = vector.load %arg3[%get3A_2, %get3A_3] : memref<128x128xf32, #tpu.memory_space<vmem>>, vector<128x128xf32>
    %dot_general3A = arith.constant dense<0.000000e+00> : vector<400x128xf32>
    %dot_general3A_5 = tpu.matmul %get3A_1, %get3A_4, %dot_general3A {dimension_numbers = #tpu.dot_dimension_numbers<[1], [0], [0], [1], [0, 0, 1, 1], [], []>, transpose_lhs_hint = false} : vector<400x128xf32>, vector<128x128xf32>, vector<400x128xf32> -> vector<400x128xf32>
    %get3A_6 = arith.constant 0 : index
    %get3A_7 = arith.constant 0 : index
    %get3A_8 = vector.load %arg4[%get3A_6, %get3A_7] : memref<400x1xf32, #tpu.memory_space<vmem>>, vector<400x1xf32>
    %mul3A = vector.broadcast %get3A_8 : vector<400x1xf32> to vector<400x128xf32>
    %mul3A_9 = arith.mulf %dot_general3A_5, %mul3A : vector<400x128xf32>
    %swap3A = arith.constant 0 : index
    %swap3A_10 = arith.constant 0 : index
    %swap3A_11 = vector.load %arg5[%swap3A, %swap3A_10] : memref<400x128xf32, #tpu.memory_space<vmem>>, vector<400x128xf32>
    tpu.vector_store %arg5[%swap3A, %swap3A_10], %mul3A_9 {strides = array<i32>} : memref<400x128xf32, #tpu.memory_space<vmem>>, vector<400x128xf32>,
    return
  }
  func.func @transform_0(%arg0: i32, %arg1: i32) -> (i32, i32) {
    %c0_i32 = arith.constant 0 : i32
    %c0_i32_0 = arith.constant 0 : i32
    return %arg1, %c0_i32 : i32, i32
  }
  func.func @transform_1(%arg0: i32, %arg1: i32) -> (i32, i32) {
    %c0_i32 = arith.constant 0 : i32
    %c0_i32_0 = arith.constant 0 : i32
    return %c0_i32, %arg0 : i32, i32
  }
  func.func @transform_2(%arg0: i32, %arg1: i32) -> (i32, i32) {
    %c0_i32 = arith.constant 0 : i32
    %c0_i32_0 = arith.constant 0 : i32
    return %arg1, %c0_i32 : i32, i32
  }
  func.func @transform_3(%arg0: i32, %arg1: i32) -> (i32, i32) {
    %mul3A = arith.constant 25 : i32
    %mul3A_0 = arith.muli %arg0, %mul3A : i32
    %add3A = arith.addi %mul3A_0, %arg1 : i32
    %c0_i32 = arith.constant 0 : i32
    %c0_i32_1 = arith.constant 0 : i32
    return %add3A, %c0_i32 : i32, i32
  }
}

module attributes {stable_mosaic.version = 14 : i64} {
  func.func @_out_body(%arg0: i32, %arg1: memref<400x128xf32, #tpu.memory_space<vmem>>, %arg2: memref<400x128xf32, #tpu.memory_space<vmem>>, %arg3: memref<400x1xf32, #tpu.memory_space<vmem>>, %arg4: memref<1x256xf32, #tpu.memory_space<vmem>>, %arg5: memref<256x40xf32, #tpu.memory_space<vmem>>, %arg6: memref<1x40xf32, #tpu.memory_space<vmem>>, %arg7: memref<400x40xf32, #tpu.memory_space<vmem>>) attributes {dimension_semantics = [#tpu.dimension_semantics<arbitrary>], iteration_bounds = array<i64: 25>, scalar_prefetch = 0 : i64, scratch_operands = 0 : i64, tpu.core_type = #tpu.core_type<tc>, window_params = [{transform_indices = @transform_0, window_bounds = array<i64: 400, 128>}, {transform_indices = @transform_1, window_bounds = array<i64: 400, 128>}, {transform_indices = @transform_2, window_bounds = array<i64: 400, 1>}, {pipeline_mode = #tpu.pipeline_mode<synchronous>, transform_indices = @transform_3, window_bounds = array<i64: 1, 256>}, {pipeline_mode = #tpu.pipeline_mode<synchronous>, transform_indices = @transform_4, window_bounds = array<i64: 256, 40>}, {pipeline_mode = #tpu.pipeline_mode<synchronous>, transform_indices = @transform_5, window_bounds = array<i64: 1, 40>}, {transform_indices = @transform_6, window_bounds = array<i64: 400, 40>}]} {
    %get3A = arith.constant 0 : index
    %get3A_0 = arith.constant 0 : index
    %get3A_1 = vector.load %arg1[%get3A, %get3A_0] : memref<400x128xf32, #tpu.memory_space<vmem>>, vector<400x128xf32>
    %get3A_2 = arith.constant 0 : index
    %get3A_3 = arith.constant 0 : index
    %get3A_4 = vector.load %arg2[%get3A_2, %get3A_3] : memref<400x128xf32, #tpu.memory_space<vmem>>, vector<400x128xf32>
    %concatenate3A = tpu.concatenate %get3A_1, %get3A_4 in 1 : vector<400x128xf32>, vector<400x128xf32> -> vector<400x256xf32>
    %get3A_5 = arith.constant 0 : index
    %get3A_6 = arith.constant 0 : index
    %get3A_7 = vector.load %arg3[%get3A_5, %get3A_6] : memref<400x1xf32, #tpu.memory_space<vmem>>, vector<400x1xf32>
    %mul3A = vector.broadcast %get3A_7 : vector<400x1xf32> to vector<400x256xf32>
    %mul3A_8 = arith.mulf %concatenate3A, %mul3A : vector<400x256xf32>
    %get3A_9 = arith.constant 0 : index
    %get3A_10 = arith.constant 0 : index
    %get3A_11 = vector.load %arg4[%get3A_9, %get3A_10] : memref<1x256xf32, #tpu.memory_space<vmem>>, vector<1x256xf32>
    %add3A = vector.broadcast %get3A_11 : vector<1x256xf32> to vector<400x256xf32>
    %add3A_12 = arith.addf %mul3A_8, %add3A : vector<400x256xf32>
    %max3A = arith.constant 0.000000e+00 : f32
    %max3A_13 = vector.broadcast %max3A : f32 to vector<400x256xf32>
    %max3A_14 = arith.maximumf %add3A_12, %max3A_13 : vector<400x256xf32>
    %get3A_15 = arith.constant 0 : index
    %get3A_16 = arith.constant 0 : index
    %get3A_17 = vector.load %arg5[%get3A_15, %get3A_16] : memref<256x40xf32, #tpu.memory_space<vmem>>, vector<256x40xf32>
    %dot_general3A = arith.constant dense<0.000000e+00> : vector<400x40xf32>
    %dot_general3A_18 = tpu.matmul %max3A_14, %get3A_17, %dot_general3A {dimension_numbers = #tpu.dot_dimension_numbers<[1], [0], [0], [1], [0, 0, 1, 1], [], []>, transpose_lhs_hint = false} : vector<400x256xf32>, vector<256x40xf32>, vector<400x40xf32> -> vector<400x40xf32>
    %get3A_19 = arith.constant 0 : index
    %get3A_20 = arith.constant 0 : index
    %get3A_21 = vector.load %arg6[%get3A_19, %get3A_20] : memref<1x40xf32, #tpu.memory_space<vmem>>, vector<1x40xf32>
    %add3A_22 = vector.broadcast %get3A_21 : vector<1x40xf32> to vector<400x40xf32>
    %add3A_23 = arith.addf %dot_general3A_18, %add3A_22 : vector<400x40xf32>
    %swap3A = arith.constant 0 : index
    %swap3A_24 = arith.constant 0 : index
    %swap3A_25 = vector.load %arg7[%swap3A, %swap3A_24] : memref<400x40xf32, #tpu.memory_space<vmem>>, vector<400x40xf32>
    tpu.vector_store %arg7[%swap3A, %swap3A_24], %add3A_23 {strides = array<i32>} : memref<400x40xf32, #tpu.memory_space<vmem>>, vector<400x40xf32>,
    return
  }
  func.func @transform_0(%arg0: i32) -> (i32, i32) {
    %c0_i32 = arith.constant 0 : i32
    %c0_i32_0 = arith.constant 0 : i32
    return %arg0, %c0_i32 : i32, i32
  }
  func.func @transform_1(%arg0: i32) -> (i32, i32) {
    %add3A = arith.constant 25 : i32
    %add3A_0 = arith.addi %add3A, %arg0 : i32
    %c0_i32 = arith.constant 0 : i32
    %c0_i32_1 = arith.constant 0 : i32
    return %add3A_0, %c0_i32 : i32, i32
  }
  func.func @transform_2(%arg0: i32) -> (i32, i32) {
    %c0_i32 = arith.constant 0 : i32
    %c0_i32_0 = arith.constant 0 : i32
    return %arg0, %c0_i32 : i32, i32
  }
  func.func @transform_3(%arg0: i32) -> (i32, i32) {
    %c0_i32 = arith.constant 0 : i32
    %c0_i32_0 = arith.constant 0 : i32
    %c0_i32_1 = arith.constant 0 : i32
    return %c0_i32, %c0_i32_0 : i32, i32
  }
  func.func @transform_4(%arg0: i32) -> (i32, i32) {
    %c0_i32 = arith.constant 0 : i32
    %c0_i32_0 = arith.constant 0 : i32
    %c0_i32_1 = arith.constant 0 : i32
    return %c0_i32, %c0_i32_0 : i32, i32
  }
  func.func @transform_5(%arg0: i32) -> (i32, i32) {
    %c0_i32 = arith.constant 0 : i32
    %c0_i32_0 = arith.constant 0 : i32
    %c0_i32_1 = arith.constant 0 : i32
    return %c0_i32, %c0_i32_0 : i32, i32
  }
  func.func @transform_6(%arg0: i32) -> (i32, i32) {
    %c0_i32 = arith.constant 0 : i32
    %c0_i32_0 = arith.constant 0 : i32
    return %arg0, %c0_i32 : i32, i32
  }
}

</mosaic_0001>

<sc_bundles>
// kernel: kernel.10.cloned.1.call-start
scs
__scs_entry_jumppad:
0x0: {  	(pc) =	sbr.rel $0x88, $3  }
0x1: {  	(tag) =	ssettag $0x0;
	lr =	simm.s32 $0x1  }
0x2: {  	[smem:$0x3F9B] =	sst lr;
	_ =	strace $0xD0000000  }
0x3: {  	_ = 	snop  }
0x4: {  	_ = 	snop  }
0x5: {  	_ = 	snop  }
0x6: {  	_ = 	snop  }
0x7: {  	_ = 	snop  }
__scs_overlays_trampoline_lowered:
0x8: {  	[smem:$0x3FAA] =	sst s0  }
0x9: {  	[smem:$0x3FAB] =	sst s1  }
0xa: {  	[smem:$0x3FAC] =	sst s2  }
0xb: {  	[smem:$0x3FAD] =	sst s3  }
0xc: {  	[smem:$0x3FAE] =	sst s4  }
0xd: {  	[smem:$0x3FAF] =	sst s5  }
0xe: {  	[smem:$0x3FB0] =	sst s6  }
0xf: {  	[smem:$0x3FB1] =	sst s7  }
0x10: {  	[smem:$0x3FB2] =	sst s8  }
0x11: {  	[smem:$0x3FB3] =	sst s9;
	s0 =	simm.s32 @!p0 $0x0  }
0x12: {  	s1 =	sld [smem:$0x3F99];
	s0 =	simm.s32 @p0 $0x1  }
0x13: {  	[smem:$0x3FB4] =	sst s0;
	s0 =	simm.s32 @!p1 $0x0  }
0x14: {  	s2 =	sld [smem:$0x3F98];
	s0 =	simm.s32 @p1 $0x1  }
0x15: {  	[smem:$0x3FB5] =	sst s0;
	s0 =	simm.s32 @!p2 $0x0  }
0x16: {  	s3 =	sld [smem:$0x3FDB];
	s0 =	simm.s32 @p2 $0x1  }
0x17: {  	s4 =	simm.s32 $0x1BF5;
	[smem:$0x3FB7] =	sst s0  }
0x18: {  	s0 =	sld [smem:$0x3F9A];
	_ =	swait.ge [sflag:s4], $0x0  }
0x19: {  	s7 =	sld [smem:$0x3F9B]  }
0x1a: {  	s8 =	sadd.s32 $0xFFFFE003, lr  }
0x1b: {  	s9 =	sadd.s32 $0xFFFFFEF7, lr;
	s5 =	simm.s32 $0xFFFFFFFF;
	p2 =	slt.u32 s8, $0xFFFFF086  }
0x1c: {  	p1 =	slt.u32 s9, $0xF7A;
	s5 =	simm.s32 @!p2 $0x0  }
0x1d: {  	s5 =	simm.s32 @p1 $0x1;
	p0 =	seq.s32 s7, s2  }
0x1e: {  	s7 =	smul.u32 @!p0 $0xF7A, s2;
	p2 =	seq.s32 @!p0 s5, $0x0  }
0x1f: {  	s9 =	smul.u32 $0xF7A, s1;
	s8 =	simm.s32 @!p0 $0x1BF5;
	p2 =	por !p2, p0  }
0x20: {  	[sflag:s8] =	ssyncset.s32 @!p0 $0xFFFFF086;
	s6 =	sadd.s32 @!p0 s3, s7;
	s7 =	simm.s32 @!p0 $0x108  }
0x21: {  	s3 =	sadd.s32 s3, s9;
	s6 =	sadd.s32 @!p0 $0x88, s6;
	s7 =	simm.s32 @p2 $0x1082  }
0x22: {  	[simem:s7], [sflag:s8] =	dma.local @!p0 [hbm:s6], $0xF7A  }
0x23: {  	s9 =	sor.u32 $0xD0000000, s2;
	s6 =	simm.s32 $0x108;
	_ =	swait.ge @!p0 [sflag:s8], $0x0  }
0x24: {  	s3 =	sadd.s32 $0x88, s3;
	s6 =	simm.s32 @!p1 $0x1082;
	[sflag:s4] =	ssyncset.s32 $0xFFFFF086  }
0x25: {  	[simem:s6], [sflag:s4] =	dma.local [hbm:s3], $0xF7A  }
0x26: {  	[smem:$0x3F9B] =	sst s1;
	(tag) =	ssettag s2;
	_ =	strace s9  }
0x27: {  	s1 =	sld [smem:$0x3FAB]  }
0x28: {  	s2 =	sld [smem:$0x3FAC]  }
0x29: {  	s4 =	sld [smem:$0x3FAE]  }
0x2a: {  	p0 =	seq.s32 s5, $0x0;
	s5 =	sld [smem:$0x3FAF]  }
0x2b: {  	s6 =	sld [smem:$0x3FB0]  }
0x2c: {  	s7 =	sld [smem:$0x3FB1]  }
0x2d: {  	s3 =	simm.s32 $0x108;
	s8 =	sld [smem:$0x3FB2]  }
0x2e: {  	s3 =	simm.s32 @!p0 $0x1082;
	s9 =	sld [smem:$0x3FB3]  }
0x2f: {  	lr =	sadd.s32 s0, s3;
	s0 =	sld [smem:$0x3FAA]  }
0x30: {  	s3 =	sld [smem:$0x3FAD]  }
0x31: {  	[smem:$0x3FB6] =	sst s10  }
0x32: {  	s10 =	sld [smem:$0x3FB4];
	_ =	sdelay $0x3  }
0x33: {  	p0 =	seq.s32 s10, $0x1;
	s10 =	sld [smem:$0x3FB6];
	_ =	sdelay $0x3  }
0x34: {  	[smem:$0x3FB6] =	sst s10  }
0x35: {  	s10 =	sld [smem:$0x3FB5];
	_ =	sdelay $0x3  }
0x36: {  	p1 =	seq.s32 s10, $0x1;
	s10 =	sld [smem:$0x3FB6];
	_ =	sdelay $0x3  }
0x37: {  	[smem:$0x3FB6] =	sst s10  }
0x38: {  	s10 =	sld [smem:$0x3FB7]  }
0x39: {  	_ = 	snop;
	(pc) =	sbr.ind lr, $3  }
0x3a: {  	_ = 	snop  }
0x3b: {  	_ = 	snop  }
0x3c: {  	p2 =	seq.s32 s10, $0x1;
	s10 =	sld [smem:$0x3FB6]  }
0x3d: {  	_ =	shalt  }
0x3e: {  	_ =	shalt  }
0x3f: {  	_ =	shalt  }
0x40: {  	_ =	shalt  }
0x41: {  	_ =	shalt  }
0x42: {  	_ =	shalt  }
0x43: {  	_ =	shalt  }
0x44: {  	_ =	shalt  }
0x45: {  	_ =	shalt  }
0x46: {  	_ =	shalt  }
0x47: {  	_ =	shalt  }
0x48: {  	_ =	shalt  }
0x49: {  	_ =	shalt  }
0x4a: {  	_ =	shalt  }
0x4b: {  	_ =	shalt  }
0x4c: {  	_ =	shalt  }
0x4d: {  	_ =	shalt  }
0x4e: {  	_ =	shalt  }
0x4f: {  	_ =	shalt  }
0x50: {  	_ =	shalt  }
0x51: {  	_ =	shalt  }
0x52: {  	_ =	shalt  }
0x53: {  	_ =	shalt  }
0x54: {  	_ =	shalt  }
0x55: {  	_ =	shalt  }
0x56: {  	_ =	shalt  }
0x57: {  	_ =	shalt  }
0x58: {  	_ =	shalt  }
0x59: {  	_ =	shalt  }
0x5a: {  	_ =	shalt  }
0x5b: {  	_ =	shalt  }
0x5c: {  	_ =	shalt  }
0x5d: {  	_ =	shalt  }
0x5e: {  	_ =	shalt  }
0x5f: {  	_ =	shalt  }
0x60: {  	_ =	shalt  }
0x61: {  	_ =	shalt  }
0x62: {  	_ =	shalt  }
0x63: {  	_ =	shalt  }
0x64: {  	_ =	shalt  }
0x65: {  	_ =	shalt  }
0x66: {  	_ =	shalt  }
0x67: {  	_ =	shalt  }
0x68: {  	_ =	shalt  }
0x69: {  	_ =	shalt  }
0x6a: {  	_ =	shalt  }
0x6b: {  	_ =	shalt  }
0x6c: {  	_ =	shalt  }
0x6d: {  	_ =	shalt  }
0x6e: {  	_ =	shalt  }
0x6f: {  	_ =	shalt  }
0x70: {  	_ =	shalt  }
0x71: {  	_ =	shalt  }
0x72: {  	_ =	shalt  }
0x73: {  	_ =	shalt  }
0x74: {  	_ =	shalt  }
0x75: {  	_ =	shalt  }
0x76: {  	_ =	shalt  }
0x77: {  	_ =	shalt  }
0x78: {  	_ =	shalt  }
0x79: {  	_ =	shalt  }
0x7a: {  	_ =	shalt  }
0x7b: {  	_ =	shalt  }
0x7c: {  	_ =	shalt  }
0x7d: {  	_ =	shalt  }
0x7e: {  	_ =	shalt  }
0x7f: {  	_ =	shalt  }
0x80: {  	_ =	shalt  }
0x81: {  	_ =	shalt  }
0x82: {  	_ =	shalt  }
0x83: {  	_ =	shalt  }
0x84: {  	_ =	shalt  }
0x85: {  	_ =	shalt  }
0x86: {  	_ =	shalt  }
0x87: {  	_ =	shalt  }
.Lfunc_end0:
.L_simem_size_0:
called_computation.1_lowered:
.L_overlay_start_0:
0x88: {  	s2 =	sld [smem:$0x3FD9]  }
0x89: {  	s3 =	sld [smem:$0x3FFE];
	_ =	sdelay $0x1  }
0x8a: {  	s1 =	srdreg.scid  }
0x8b: {  	s0 =	sand.u32 $0x1, s1  }
0x8c: {  	s16 =	sshll.u32 s0, $0xA;
	s2 =	sadd.s32 s3, s2  }
0x8d: {  	s2 =	sadd.s32 s2, s16  }
0x8e: {  	[smem:$0x3FC2] =	sst s2  }
0x8f: {  	_ = 	snop  }
0x90: {  	(tm) =	ssettm $0x1  }
0x91: {  	s17 =	sld [smem:$0x3FFB];
	_ =	sdelay $0x3  }
0x92: {  	_ =	strace s17  }
0x93: {  	s2 =	sld [smem:$0x3FFC];
	_ =	sdelay $0x3  }
0x94: {  	_ =	strace s2  }
0x95: {  	s2 =	sld [smem:$0x3FFD];
	_ =	sdelay $0x3  }
0x96: {  	_ =	strace s2  }
0x97: {  	_ =	strace $0x8FFFFFFF  }
0x98: {  	s18 =	sld [smem:$0x3FDB];
	_ =	sdelay $0x1  }
0x99: {  	s19 =	simm.s32 $_scs_section_size  }
0x9a: {  	s4 =	simm.s32 $_size__tile_overlayer_lowered;
	s5 =	simm.s32 $_tile_overlayer_lowered  }
0x9b: {  	s22 =	simm.s32 $0x1BFF;
	s21 =	sshll.u32 s5, $0x1;
	s2 =	sadd.s32 s19, s18  }
0x9c: {  	s6 =	simm.s32 $0x0;
	s20 =	sshll.u32 s4, $0x1;
	s4 =	sadd.s32 s21, s2  }
0x9d: {  	[timem:s6], [sflag:s22] =	dma.local [hbm:s4], s20  }
0x9e: {  	_ =	swait.ge [sflag:s22], s20  }
0x9f: {  	s3 =	ssub.s32 $0x0, s20;
	[sflag:s22] =	ssyncset.done $0x0  }
0xa0: {  	[sflag:s22] =	ssyncadd.s32 s3;
	_ =	sdelay $0x1  }
0xa1: {  	s23 =	simm.s32 $0x1B8B  }
0xa2: {  	_ =	swait.ge [sflag:s23], $0x1  }
0xa3: {  	[sflag:s23] =	ssyncset.done $0x0  }
0xa4: {  	s25 =	simm.s32 $0x1B8E;
	s24 =	sld [smem:$0x3FFE];
	[sflag:s23] =	ssyncadd.s32 $0xFFFFFFFF  }
0xa5: {  	s26 =	simm.s32 $execute0_lowered;
	[smem:$0x3FD2] =	sst s25  }
0xa6: {  	s4 =	sshll.u32 s26, $0x1;
	_ =	strace $0x80000049;
	[dreg:$0x1] =	wrdreg $0xFFFFFFFF  }
0xa7: {  	s28 =	simm.s32 $_size_execute0_lowered;
	s2 =	sadd.s32 s2, s4;
	[dreg:$0x0] =	wrdreg $0x0  }
0xa8: {  	s4 =	sshll.u32 s28, $0x1;
	[dreg:$0x2] =	wrdreg s2  }
0xa9: {  	[dreg:$0x3] =	wrdreg s4  }
0xaa: {  	[dreg:$0x4] =	wrdreg $0xC0  }
0xab: {  	_ =	task [dreg:s6], $0x5FFFF  }
0xac: {  	[dreg:$0x1] =	wrdreg $0xFFFFFFFF  }
0xad: {  	[dreg:$0x0] =	wrdreg $0x60  }
0xae: {  	[dreg:$0x2] =	wrdreg s24  }
0xaf: {  	[dreg:$0x3] =	wrdreg $0x98000  }
0xb0: {  	[dreg:$0x4] =	wrdreg $0x9  }
0xb1: {  	_ =	task.clear_ibuf [dreg:s6], $0x5FFFF;
	_ =	strace $0x90000049  }
0xb2: {  	s29 =	simm.s32 $0x9;
	_ =	strace $0x8000004B  }
0xb3: {  	_ =	swait.ge [sflag:s29], $0x1  }
0xb4: {  	[sflag:s29] =	ssyncadd.s32 $0xFFFFFFFF  }
0xb5: {  	_ =	strace $0x9000004B  }
0xb6: {  	_ =	sfence  }
0xb7: {  	s30 =	sld [smem:$0x0];
	_ =	sdelay $0x2  }
0xb8: {  	s31 =	sshll.u32 s1, $0xD;
	s1 =	sshrl.u32 s1, $0x2  }
0xb9: {  	s3 =	sand.u32 $0x4000, s31;
	s1 =	sadd.s32 s1, s30  }
0xba: {  	s0 =	sor.u32 s3, s0;
	s1 =	sshll.u32 s1, $0x11  }
0xbb: {  	s0 =	sor.u32 s1, s0  }
0xbc: {  	s0 =	sadd.s32 $0x8F2B, s0  }
0xbd: {  	[sflag:s0] =	ssyncadd.remote.s32 $0x1  }
0xbe: {  	_ =	sfence.sel $0xFFFF  }
0xbf: {  	[dreg:$0x0] =	wrdreg $0xFFFFFFFF;
	(pc) =	sbr.abs _section_cstart, $3  }
0xc0: {  	[dreg:$0x1] =	wrdreg $0xFFFFFFFF  }
0xc1: {  	_ =	task.clear_ibuf [dreg:s6], $0x2FFFF;
	_ =	strace $0x9FFFFFFF  }
0xc2: {  	(tm) =	ssettm $0x7FFFFFFF  }
0xc3: {  	_ =	shalt  }
tec
execute0_lowered:
.L_overlay_start_1:
0x0: {  	(tag) =	ssettag $0x1  }
0x1: {  	s12 =	stileid.u32  }
0x2: {  	s0 =	rddreg [dreg:$0x0];
	s5 =	smul.u32 $0x4F000, s12  }
0x3: {  	s1 =	rddreg [dreg:$0x1];
	s2 =	simm.s32 $0x0;
	s24 =	smul.u32 $0x8C00, s12  }
0x4: {  	s4 =	sadd.s32 $0x42200, s0;
	s6 =	sadd.s32 $0x1F200, s0;
	s7 =	sadd.s32 $0x30A00, s0  }
0x5: {  	s8 =	sadd.s32 $0x90400, s0;
	s5 =	sshrl.u32 s5, $0x2;
	s0 =	sshrl.u32 s24, $0x3  }
0x6: {  	[smem:$0x7FF] =	sst s2;
	s5 =	sadd.s32 s5, s1;
	s17 =	sadd.s32 s7, s0  }
0x7: {  	_ =	strace $0x8000004A;
	s10 =	sadd.s32 $0x1000, s5;
	[dreg:$0xa] =	wrdreg s17  }
0x8: {  	s25 =	sadd.s32 $0x2000, s5;
	[dreg:$0x3] =	wrdreg s10  }
0x9: {  	s3 =	srdreg.scid;
	s26 =	sadd.s32 $0x3000, s5;
	[dreg:$0x4] =	wrdreg s25  }
0xa: {  	s3 =	sand.u32 $0x1, s3;
	s11 =	sadd.s32 $0x4000, s5;
	[dreg:$0x5] =	wrdreg s26  }
0xb: {  	s23 =	ssub.s32 $0x2, s3;
	s14 =	sadd.s32 $0x5000, s5;
	[dreg:$0x6] =	wrdreg s11  }
0xc: {  	s16 =	sadd.s32 $0x380, s0;
	s15 =	sadd.s32 $0x6000, s5;
	[dreg:$0x7] =	wrdreg s14  }
0xd: {  	s19 =	sadd.s32 $0x700, s0;
	s18 =	sadd.s32 s6, s16;
	[dreg:$0x8] =	wrdreg s15  }
0xe: {  	s13 =	smul.u32 $0x2710, s3;
	s20 =	sadd.s32 s6, s19;
	[dreg:$0xb] =	wrdreg s18  }
0xf: {  	s9 =	sshrl.u32 s23, $0x1;
	s22 =	sadd.s32 $0x7000, s5;
	[dreg:$0xd] =	wrdreg s20  }
0x10: {  	s9 =	ssub.s32 s23, s9;
	s23 =	sadd.s32 $0x8000, s5;
	[dreg:$0x10] =	wrdreg s22  }
0x11: {  	s3 =	smul.u32 $0x138800, s3;
	s24 =	sadd.s32 $0x9000, s5;
	[dreg:$0x11] =	wrdreg s23  }
0x12: {  	s17 =	sadd.s32 $0x10000, s5;
	[dreg:$0x12] =	wrdreg s24  }
0x13: {  	s3 =	sshrl.u32 s3, $0x3;
	s11 =	sadd.s32 s6, s0;
	[dreg:$0x19] =	wrdreg s17  }
0x14: {  	s3 =	sadd.s32 s8, s3;
	s10 =	sadd.s32 s7, s16;
	[dreg:$0x9] =	wrdreg s11  }
0x15: {  	s21 =	sadd.s32 $0x25080, s3;
	[dreg:$0xc] =	wrdreg s10  }
0x16: {  	s25 =	sadd.s32 $0xA000, s5;
	[dreg:$0xf] =	wrdreg s21  }
0x17: {  	s26 =	sadd.s32 $0xB000, s5;
	[dreg:$0x13] =	wrdreg s25  }
0x18: {  	s3 =	sadd.s32 $0xC000, s5;
	[dreg:$0x14] =	wrdreg s26  }
0x19: {  	s14 =	sadd.s32 $0xD000, s5;
	[dreg:$0x15] =	wrdreg s3  }
0x1a: {  	s15 =	sadd.s32 $0xE000, s5;
	[dreg:$0x16] =	wrdreg s14  }
0x1b: {  	s16 =	sadd.s32 $0xF000, s5;
	[dreg:$0x17] =	wrdreg s15  }
0x1c: {  	s18 =	sadd.s32 $0x11000, s5;
	[dreg:$0x18] =	wrdreg s16  }
0x1d: {  	s22 =	sadd.s32 $0x129400, s1;
	[dreg:$0x1a] =	wrdreg s18  }
0x1e: {  	s23 =	sadd.s32 $0x12A400, s1;
	[dreg:$0x1e] =	wrdreg s22  }
0x1f: {  	s28 =	simm.s32 $0x80;
	s17 =	sadd.s32 $0x12F400, s1;
	[dreg:$0x1f] =	wrdreg s23  }
0x20: {  	s29 =	simm.s32 $0x6000;
	s10 =	sadd.s32 s7, s19;
	[smem:$0x7F4] =	sst s17  }
0x21: {  	s31 =	simm.s32 $0x1;
	s19 =	sadd.s32 $0x12000, s5;
	[dreg:$0xe] =	wrdreg s10  }
0x22: {  	s25 =	sadd.s32 $0x12B400, s1;
	s26 =	sadd.s32 $0x12C400, s1;
	[dreg:$0x1b] =	wrdreg s19  }
0x23: {  	p0 =	seq.s32 s12, $0xF;
	s16 =	sadd.s32 $0x12E400, s1;
	[smem:$0x7EE] =	sst s25  }
0x24: {  	s9 =	smax.u32 s9, $0x1;
	s18 =	sadd.s32 $0x130400, s1;
	[smem:$0x7EF] =	sst s26  }
0x25: {  	s11 =	sadd.s32 $0xE00, s0;
	s22 =	sadd.s32 $0x134400, s1;
	[smem:$0x7F3] =	sst s16  }
0x26: {  	s14 =	smul.u32 $0x278, s12;
	s23 =	sadd.s32 $0x135400, s1;
	[smem:$0x7F5] =	sst s18  }
0x27: {  	s10 =	sadd.s32 $0xA80, s0;
	s0 =	sadd.s32 $0x128400, s1;
	[smem:$0x7F9] =	sst s22  }
0x28: {  	s24 =	sadd.s32 s6, s11;
	s19 =	sadd.s32 $0x131400, s1;
	[smem:$0x7FA] =	sst s23  }
0x29: {  	s15 =	sadd.s32 s7, s11;
	s25 =	sadd.s32 $0x137400, s1;
	[smem:$0x7ED] =	sst s24  }
0x2a: {  	s12 =	simm.s32 $0x1880;
	s26 =	sadd.s32 $0x138400, s1;
	[smem:$0x7F2] =	sst s15  }
0x2b: {  	s23 =	simm.s32 $0x5;
	s11 =	simm.s32 $0x100;
	[smem:$0x7F6] =	sst s19  }
0x2c: {  	s20 =	sadd.s32 s6, s10;
	s21 =	sadd.s32 s7, s10;
	[smem:$0x7FC] =	sst s25  }
0x2d: {  	s6 =	sadd.s32 $0x13000, s5;
	s10 =	sadd.s32 $0x12D400, s1;
	[smem:$0x7FD] =	sst s26  }
0x2e: {  	s3 =	sadd.s32 s14, s13;
	s24 =	sadd.s32 $0x136400, s1;
	[dreg:$0x1c] =	wrdreg s20  }
0x2f: {  	s25 =	simm.s32 $0x50;
	s26 =	simm.s32 $0x3800;
	[dreg:$0x1d] =	wrdreg s21  }
0x30: {  	v0 =	vmov s13;
	s19 =	simm.s32 $0x2;
	s13 =	simm.s32 $0x3400;
	[smem:$0x7F0] =	sst s6  }
0x31: {  	s14 =	simm.s32 $0x3480;
	s15 =	simm.s32 $0x0;
	[smem:$0x7F1] =	sst s10  }
0x32: {  	s3 =	sshll.u32 s3, $0x4;
	s20 =	sadd.s32 $0x132400, s1;
	[smem:$0x7FB] =	sst s24  }
0x33: {  	s21 =	sadd.s32 $0x133400, s1;
	s24 =	simm.s32 $0x1C00;
	[smem:$0x7F7] =	sst s20  }
0x34: {  	[smem:$0x7F8] =	sst s21;
	s30 =	sadd.s32 s8, s3;
	s21 =	simm.s32 $0x8800  }
0x35: {  	v1 =	vimm.f32 $0.0e+00;
	s8 =	simm.s32 $0x3;
	s20 =	simm.s32 $0x1C80;
	s3 =	simm.s32 $0x4  }
.LBB2_1:
0x36: {  	s6 =	sand.u32 $0x3E00, s2  }
0x37: {  	s7 =	sand.u32 $0x70, s2;
	s10 =	sshrl.u32 s6, $0x2  }
0x38: {  	s16 =	simm.s32 $0x0;
	s6 =	simm.s32 $0x40;
	s7 =	sor.u32 s7, s10  }
.LBB2_2:
0x39: {  	p1 =	sne.s32 s6, $0x3FC0  }
0x3a: {  	[tilespmem:s7+$0x8800] =	vst v1;
	s16 =	sadd.s32 $0x10, s16;
	s7 =	smov.u32 s6;
	s6 =	sadd.s32 $0x40, s6  }
.Ltmp0:
0x3b: {  	(pc) =	sbr.rel @p1 .LBB2_2-.Ltmp0, $4  }
0x3c: {  	_ = 	snop  }
0x3d: {  	s7 =	sand.u32 $0x3E00, s7  }
0x3e: {  	s10 =	sand.u32 $0x70, s16;
	s7 =	sshrl.u32 s7, $0x2  }
0x3f: {  	s7 =	sor.u32 s10, s7  }
.Ltmp1:
0x40: {  	(pc) =	sbr.rel @!p0 .LBB2_4-.Ltmp1, $2  }
0x41: {  	_ =	sdelay $0x2  }
0x42: {  	[tilespmem:s7+$0x8800] =	vst v1  }
0x43: {  	[spmem:s0] =	stream.linear.scatter [tilespmem:s21], [sflag:$0x5], $0x1000, $0x38;
	[tilespmem:$0x1D080] =	vst v63  }
0x44: {  	_ =	swait.ge [sflag:s23], $0x1000  }
0x45: {  	[sflag:s23] =	ssyncset.done $0x0  }
0x46: {  	s6 =	rddreg [dreg:$0x1e];
	[sflag:s23] =	ssyncadd.s32 $0xFFFFF000  }
0x47: {  	[spmem:s6] =	stream.linear.scatter [tilespmem:s21], [sflag:$0x5], $0x1000, $0x38;
	[tilespmem:$0x1D080] =	vst v63  }
0x48: {  	_ =	swait.ge [sflag:s23], $0x1000  }
0x49: {  	[sflag:s23] =	ssyncset.done $0x0  }
0x4a: {  	s17 =	rddreg [dreg:$0x1f];
	[sflag:s23] =	ssyncadd.s32 $0xFFFFF000  }
0x4b: {  	[spmem:s17] =	stream.linear.scatter [tilespmem:s21], [sflag:$0x5], $0x1000, $0x38;
	[tilespmem:$0x1D080] =	vst v63  }
0x4c: {  	_ =	swait.ge [sflag:s23], $0x1000  }
0x4d: {  	s18 =	sld [smem:$0x7EE]  }
0x4e: {  	[sflag:s23] =	ssyncset.done $0x0  }
0x4f: {  	[sflag:s23] =	ssyncadd.s32 $0xFFFFF000  }
0x50: {  	[spmem:s18] =	stream.linear.scatter [tilespmem:s21], [sflag:$0x5], $0x1000, $0x38;
	[tilespmem:$0x1D080] =	vst v63  }
0x51: {  	_ =	swait.ge [sflag:s23], $0x1000  }
0x52: {  	s22 =	sld [smem:$0x7EF]  }
0x53: {  	[sflag:s23] =	ssyncset.done $0x0  }
0x54: {  	[sflag:s23] =	ssyncadd.s32 $0xFFFFF000  }
0x55: {  	[spmem:s22] =	stream.linear.scatter [tilespmem:s21], [sflag:$0x5], $0x1000, $0x38;
	[tilespmem:$0x1D080] =	vst v63  }
0x56: {  	_ =	swait.ge [sflag:s23], $0x1000  }
0x57: {  	s7 =	sld [smem:$0x7F1]  }
0x58: {  	[sflag:s23] =	ssyncset.done $0x0  }
0x59: {  	[sflag:s23] =	ssyncadd.s32 $0xFFFFF000  }
0x5a: {  	[spmem:s7] =	stream.linear.scatter [tilespmem:s21], [sflag:$0x5], $0x1000, $0x38;
	[tilespmem:$0x1D080] =	vst v63  }
0x5b: {  	_ =	swait.ge [sflag:s23], $0x1000  }
0x5c: {  	s10 =	sld [smem:$0x7F3]  }
0x5d: {  	[sflag:s23] =	ssyncset.done $0x0  }
0x5e: {  	[sflag:s23] =	ssyncadd.s32 $0xFFFFF000  }
0x5f: {  	[spmem:s10] =	stream.linear.scatter [tilespmem:s21], [sflag:$0x5], $0x1000, $0x38;
	[tilespmem:$0x1D080] =	vst v63  }
0x60: {  	_ =	swait.ge [sflag:s23], $0x1000  }
0x61: {  	s16 =	sld [smem:$0x7F4]  }
0x62: {  	[sflag:s23] =	ssyncset.done $0x0  }
0x63: {  	[sflag:s23] =	ssyncadd.s32 $0xFFFFF000  }
0x64: {  	[spmem:s16] =	stream.linear.scatter [tilespmem:s21], [sflag:$0x5], $0x1000, $0x38;
	[tilespmem:$0x1D080] =	vst v63  }
0x65: {  	_ =	swait.ge [sflag:s23], $0x1000  }
0x66: {  	s17 =	sld [smem:$0x7F5]  }
0x67: {  	[sflag:s23] =	ssyncset.done $0x0  }
0x68: {  	[sflag:s23] =	ssyncadd.s32 $0xFFFFF000  }
0x69: {  	[spmem:s17] =	stream.linear.scatter [tilespmem:s21], [sflag:$0x5], $0x1000, $0x38;
	[tilespmem:$0x1D080] =	vst v63  }
0x6a: {  	_ =	swait.ge [sflag:s23], $0x1000  }
0x6b: {  	s18 =	sld [smem:$0x7F6]  }
0x6c: {  	[sflag:s23] =	ssyncset.done $0x0  }
0x6d: {  	[sflag:s23] =	ssyncadd.s32 $0xFFFFF000  }
0x6e: {  	[spmem:s18] =	stream.linear.scatter [tilespmem:s21], [sflag:$0x5], $0x1000, $0x38;
	[tilespmem:$0x1D080] =	vst v63  }
0x6f: {  	_ =	swait.ge [sflag:s23], $0x1000  }
0x70: {  	s22 =	sld [smem:$0x7F7]  }
0x71: {  	[sflag:s23] =	ssyncset.done $0x0  }
0x72: {  	[sflag:s23] =	ssyncadd.s32 $0xFFFFF000  }
0x73: {  	[spmem:s22] =	stream.linear.scatter [tilespmem:s21], [sflag:$0x5], $0x1000, $0x38;
	[tilespmem:$0x1D080] =	vst v63  }
0x74: {  	_ =	swait.ge [sflag:s23], $0x1000  }
0x75: {  	s7 =	sld [smem:$0x7F8]  }
0x76: {  	[sflag:s23] =	ssyncset.done $0x0  }
0x77: {  	[sflag:s23] =	ssyncadd.s32 $0xFFFFF000  }
0x78: {  	[spmem:s7] =	stream.linear.scatter [tilespmem:s21], [sflag:$0x5], $0x1000, $0x38;
	[tilespmem:$0x1D080] =	vst v63  }
0x79: {  	_ =	swait.ge [sflag:s23], $0x1000  }
0x7a: {  	s10 =	sld [smem:$0x7F9]  }
0x7b: {  	[sflag:s23] =	ssyncset.done $0x0  }
0x7c: {  	[sflag:s23] =	ssyncadd.s32 $0xFFFFF000  }
0x7d: {  	[spmem:s10] =	stream.linear.scatter [tilespmem:s21], [sflag:$0x5], $0x1000, $0x38;
	[tilespmem:$0x1D080] =	vst v63  }
0x7e: {  	_ =	swait.ge [sflag:s23], $0x1000  }
0x7f: {  	s16 =	sld [smem:$0x7FA]  }
0x80: {  	[sflag:s23] =	ssyncset.done $0x0  }
0x81: {  	[sflag:s23] =	ssyncadd.s32 $0xFFFFF000  }
0x82: {  	[spmem:s16] =	stream.linear.scatter [tilespmem:s21], [sflag:$0x5], $0x1000, $0x38;
	[tilespmem:$0x1D080] =	vst v63  }
0x83: {  	_ =	swait.ge [sflag:s23], $0x1000  }
0x84: {  	s17 =	sld [smem:$0x7FB]  }
0x85: {  	[sflag:s23] =	ssyncset.done $0x0  }
0x86: {  	[sflag:s23] =	ssyncadd.s32 $0xFFFFF000  }
0x87: {  	[spmem:s17] =	stream.linear.scatter [tilespmem:s21], [sflag:$0x5], $0x1000, $0x38;
	[tilespmem:$0x1D080] =	vst v63  }
0x88: {  	_ =	swait.ge [sflag:s23], $0x1000  }
0x89: {  	s18 =	sld [smem:$0x7FC]  }
0x8a: {  	[sflag:s23] =	ssyncset.done $0x0  }
0x8b: {  	[sflag:s23] =	ssyncadd.s32 $0xFFFFF000  }
0x8c: {  	[spmem:s18] =	stream.linear.scatter [tilespmem:s21], [sflag:$0x5], $0x1000, $0x38;
	[tilespmem:$0x1D080] =	vst v63  }
0x8d: {  	_ =	swait.ge [sflag:s23], $0x1000  }
0x8e: {  	s22 =	sld [smem:$0x7FD]  }
0x8f: {  	[sflag:s23] =	ssyncset.done $0x0  }
.Ltmp2:
0x90: {  	[sflag:s23] =	ssyncadd.s32 $0xFFFFF000;
	(pc) =	sbr.rel .LBB2_6-.Ltmp2, $4  }
0x91: {  	[spmem:s22] =	stream.linear.scatter [tilespmem:s21], [sflag:$0x5], $0x400, $0x38;
	[tilespmem:$0x1D080] =	vst v63  }
0x92: {  	_ =	swait.ge [sflag:s23], $0x400  }
0x93: {  	[sflag:s23] =	ssyncset.done $0x0  }
0x94: {  	[sflag:s23] =	ssyncadd.s32 $0xFFFFFC00  }
.LBB2_4:
0x95: {  	[spmem:s5] =	stream.linear.scatter [tilespmem:s21], [sflag:$0x5], $0x1000, $0x38;
	[tilespmem:$0x1D080] =	vst v63  }
0x96: {  	_ =	swait.ge [sflag:s23], $0x1000  }
0x97: {  	[sflag:s23] =	ssyncset.done $0x0  }
0x98: {  	s6 =	rddreg [dreg:$0x3];
	[sflag:s23] =	ssyncadd.s32 $0xFFFFF000  }
0x99: {  	[spmem:s6] =	stream.linear.scatter [tilespmem:s21], [sflag:$0x5], $0x1000, $0x38;
	[tilespmem:$0x1D080] =	vst v63  }
0x9a: {  	_ =	swait.ge [sflag:s23], $0x1000  }
0x9b: {  	[sflag:s23] =	ssyncset.done $0x0  }
0x9c: {  	s7 =	rddreg [dreg:$0x4];
	[sflag:s23] =	ssyncadd.s32 $0xFFFFF000  }
0x9d: {  	[spmem:s7] =	stream.linear.scatter [tilespmem:s21], [sflag:$0x5], $0x1000, $0x38;
	[tilespmem:$0x1D080] =	vst v63  }
0x9e: {  	_ =	swait.ge [sflag:s23], $0x1000  }
0x9f: {  	[sflag:s23] =	ssyncset.done $0x0  }
0xa0: {  	s10 =	rddreg [dreg:$0x5];
	[sflag:s23] =	ssyncadd.s32 $0xFFFFF000  }
0xa1: {  	[spmem:s10] =	stream.linear.scatter [tilespmem:s21], [sflag:$0x5], $0x1000, $0x38;
	[tilespmem:$0x1D080] =	vst v63  }
0xa2: {  	_ =	swait.ge [sflag:s23], $0x1000  }
0xa3: {  	[sflag:s23] =	ssyncset.done $0x0  }
0xa4: {  	s16 =	rddreg [dreg:$0x6];
	[sflag:s23] =	ssyncadd.s32 $0xFFFFF000  }
0xa5: {  	[spmem:s16] =	stream.linear.scatter [tilespmem:s21], [sflag:$0x5], $0x1000, $0x38;
	[tilespmem:$0x1D080] =	vst v63  }
0xa6: {  	_ =	swait.ge [sflag:s23], $0x1000  }
0xa7: {  	[sflag:s23] =	ssyncset.done $0x0  }
0xa8: {  	s17 =	rddreg [dreg:$0x7];
	[sflag:s23] =	ssyncadd.s32 $0xFFFFF000  }
0xa9: {  	[spmem:s17] =	stream.linear.scatter [tilespmem:s21], [sflag:$0x5], $0x1000, $0x38;
	[tilespmem:$0x1D080] =	vst v63  }
0xaa: {  	_ =	swait.ge [sflag:s23], $0x1000  }
0xab: {  	[sflag:s23] =	ssyncset.done $0x0  }
0xac: {  	s18 =	rddreg [dreg:$0x8];
	[sflag:s23] =	ssyncadd.s32 $0xFFFFF000  }
0xad: {  	[spmem:s18] =	stream.linear.scatter [tilespmem:s21], [sflag:$0x5], $0x1000, $0x38;
	[tilespmem:$0x1D080] =	vst v63  }
0xae: {  	_ =	swait.ge [sflag:s23], $0x1000  }
0xaf: {  	[sflag:s23] =	ssyncset.done $0x0  }
0xb0: {  	s22 =	rddreg [dreg:$0x10];
	[sflag:s23] =	ssyncadd.s32 $0xFFFFF000  }
0xb1: {  	[spmem:s22] =	stream.linear.scatter [tilespmem:s21], [sflag:$0x5], $0x1000, $0x38;
	[tilespmem:$0x1D080] =	vst v63  }
0xb2: {  	_ =	swait.ge [sflag:s23], $0x1000  }
0xb3: {  	[sflag:s23] =	ssyncset.done $0x0  }
0xb4: {  	s7 =	rddreg [dreg:$0x11];
	[sflag:s23] =	ssyncadd.s32 $0xFFFFF000  }
0xb5: {  	[spmem:s7] =	stream.linear.scatter [tilespmem:s21], [sflag:$0x5], $0x1000, $0x38;
	[tilespmem:$0x1D080] =	vst v63  }
0xb6: {  	_ =	swait.ge [sflag:s23], $0x1000  }
0xb7: {  	[sflag:s23] =	ssyncset.done $0x0  }
0xb8: {  	s10 =	rddreg [dreg:$0x12];
	[sflag:s23] =	ssyncadd.s32 $0xFFFFF000  }
0xb9: {  	[spmem:s10] =	stream.linear.scatter [tilespmem:s21], [sflag:$0x5], $0x1000, $0x38;
	[tilespmem:$0x1D080] =	vst v63  }
0xba: {  	_ =	swait.ge [sflag:s23], $0x1000  }
0xbb: {  	[sflag:s23] =	ssyncset.done $0x0  }
0xbc: {  	s16 =	rddreg [dreg:$0x13];
	[sflag:s23] =	ssyncadd.s32 $0xFFFFF000  }
0xbd: {  	[spmem:s16] =	stream.linear.scatter [tilespmem:s21], [sflag:$0x5], $0x1000, $0x38;
	[tilespmem:$0x1D080] =	vst v63  }
0xbe: {  	_ =	swait.ge [sflag:s23], $0x1000  }
0xbf: {  	[sflag:s23] =	ssyncset.done $0x0  }
0xc0: {  	s17 =	rddreg [dreg:$0x14];
	[sflag:s23] =	ssyncadd.s32 $0xFFFFF000  }
0xc1: {  	[spmem:s17] =	stream.linear.scatter [tilespmem:s21], [sflag:$0x5], $0x1000, $0x38;
	[tilespmem:$0x1D080] =	vst v63  }
0xc2: {  	_ =	swait.ge [sflag:s23], $0x1000  }
0xc3: {  	[sflag:s23] =	ssyncset.done $0x0  }
0xc4: {  	s18 =	rddreg [dreg:$0x15];
	[sflag:s23] =	ssyncadd.s32 $0xFFFFF000  }
0xc5: {  	[spmem:s18] =	stream.linear.scatter [tilespmem:s21], [sflag:$0x5], $0x1000, $0x38;
	[tilespmem:$0x1D080] =	vst v63  }
0xc6: {  	_ =	swait.ge [sflag:s23], $0x1000  }
0xc7: {  	[sflag:s23] =	ssyncset.done $0x0  }
0xc8: {  	s22 =	rddreg [dreg:$0x16];
	[sflag:s23] =	ssyncadd.s32 $0xFFFFF000  }
0xc9: {  	[spmem:s22] =	stream.linear.scatter [tilespmem:s21], [sflag:$0x5], $0x1000, $0x38;
	[tilespmem:$0x1D080] =	vst v63  }
0xca: {  	_ =	swait.ge [sflag:s23], $0x1000  }
0xcb: {  	[sflag:s23] =	ssyncset.done $0x0  }
0xcc: {  	s7 =	rddreg [dreg:$0x17];
	[sflag:s23] =	ssyncadd.s32 $0xFFFFF000  }
0xcd: {  	[spmem:s7] =	stream.linear.scatter [tilespmem:s21], [sflag:$0x5], $0x1000, $0x38;
	[tilespmem:$0x1D080] =	vst v63  }
0xce: {  	_ =	swait.ge [sflag:s23], $0x1000  }
0xcf: {  	[sflag:s23] =	ssyncset.done $0x0  }
0xd0: {  	s10 =	rddreg [dreg:$0x18];
	[sflag:s23] =	ssyncadd.s32 $0xFFFFF000  }
0xd1: {  	[spmem:s10] =	stream.linear.scatter [tilespmem:s21], [sflag:$0x5], $0x1000, $0x38;
	[tilespmem:$0x1D080] =	vst v63  }
0xd2: {  	_ =	swait.ge [sflag:s23], $0x1000  }
0xd3: {  	[sflag:s23] =	ssyncset.done $0x0  }
0xd4: {  	s16 =	rddreg [dreg:$0x19];
	[sflag:s23] =	ssyncadd.s32 $0xFFFFF000  }
0xd5: {  	[spmem:s16] =	stream.linear.scatter [tilespmem:s21], [sflag:$0x5], $0x1000, $0x38;
	[tilespmem:$0x1D080] =	vst v63  }
0xd6: {  	_ =	swait.ge [sflag:s23], $0x1000  }
0xd7: {  	[sflag:s23] =	ssyncset.done $0x0  }
0xd8: {  	s17 =	rddreg [dreg:$0x1a];
	[sflag:s23] =	ssyncadd.s32 $0xFFFFF000  }
0xd9: {  	[spmem:s17] =	stream.linear.scatter [tilespmem:s21], [sflag:$0x5], $0x1000, $0x38;
	[tilespmem:$0x1D080] =	vst v63  }
0xda: {  	_ =	swait.ge [sflag:s23], $0x1000  }
0xdb: {  	[sflag:s23] =	ssyncset.done $0x0  }
0xdc: {  	s18 =	rddreg [dreg:$0x1b];
	[sflag:s23] =	ssyncadd.s32 $0xFFFFF000  }
0xdd: {  	[spmem:s18] =	stream.linear.scatter [tilespmem:s21], [sflag:$0x5], $0x1000, $0x38;
	[tilespmem:$0x1D080] =	vst v63  }
0xde: {  	_ =	swait.ge [sflag:s23], $0x1000  }
0xdf: {  	s22 =	sld [smem:$0x7F0]  }
0xe0: {  	[sflag:s23] =	ssyncset.done $0x0  }
0xe1: {  	[sflag:s23] =	ssyncadd.s32 $0xFFFFF000  }
0xe2: {  	[spmem:s22] =	stream.linear.scatter [tilespmem:s21], [sflag:$0x5], $0xC00, $0x38;
	[tilespmem:$0x1D080] =	vst v63  }
0xe3: {  	_ =	swait.ge [sflag:s23], $0xC00  }
0xe4: {  	[sflag:s23] =	ssyncset.done $0x0  }
0xe5: {  	[sflag:s23] =	ssyncadd.s32 $0xFFFFF400  }
.LBB2_6:
0xe6: {  	[bflag:$0x0] =	sbarrier.arrive $0xFFFF  }
0xe7: {  	s6 =	simm.s32 $0x0;
	s7 =	rddreg [dreg:$0x9]  }
0xe8: {  	[tilespmem:s6], [sflag:$0x5] =	stream.linear.gather [hbm4b:s7+s6], $0x1900, $0x38;
	[tilespmem:$0x1D080] =	vst v63  }
0xe9: {  	s7 =	smul.u32 $0xCD, s6;
	_ =	swait.ge [sflag:s23], $0x1900  }
0xea: {  	[sflag:s23] =	ssyncset.done $0x0  }
0xeb: {  	s10 =	rddreg [dreg:$0xa];
	s16 =	sshrl.u32 s7, $0xA;
	[sflag:s23] =	ssyncadd.s32 $0xFFFFE700  }
0xec: {  	[tilespmem:s24], [sflag:$0x5] =	stream.linear.gather [hbm4b:s10+s6], $0x1900, $0x38;
	[tilespmem:$0x1D080] =	vst v63  }
0xed: {  	s10 =	sand.u32 $0x3F, s16  }
0xee: {  	s17 =	smul.u32 $0x5, s10  }
0xef: {  	s22 =	simm.s32 $0x1  }
0xf0: {  	s22 =	smul.u32 $0xCD, s22;
	s6 =	ssub.s32 $0x0, s17  }
0xf1: {  	s7 =	sshrl.u32 s7, $0x3;
	_ =	swait.ge [sflag:s23], $0x1900;
	s6 =	sand.u32 $0xFF, s6  }
0xf2: {  	s7 =	sand.u32 $0x1F80, s7;
	[sflag:s23] =	ssyncset.done $0x0;
	s6 =	sshll.u32 s6, $0x4  }
0xf3: {  	s18 =	sshrl.u32 s22, $0xA;
	[sflag:s23] =	ssyncadd.s32 $0xFFFFE700;
	s17 =	sor.u32 s6, s7  }
0xf4: {  	s10 =	sand.u32 $0x3F, s18;
	v2 =	vld [tilespmem:s17+$0x0]  }
0xf5: {  	s10 =	smul.u32 $0x5, s10  }
0xf6: {  	s16 =	simm.s32 $0x2  }
0xf7: {  	s18 =	smul.u32 $0xCD, s16;
	s10 =	ssub.s32 $0x1, s10  }
0xf8: {  	s6 =	simm.s32 $0x3;
	s7 =	sand.u32 $0xFF, s10;
	s10 =	sshrl.u32 s22, $0x3  }
.LBB2_7:
0xf9: {  	p1 =	sne.s32 s6, $0xF9;
	s10 =	sand.u32 $0x1F80, s10;
	s7 =	sshll.u32 s7, $0x4;
	v2 =	vadd.s32 v0, v2  }
0xfa: {  	s22 =	sshrl.u32 s18, $0xA;
	[tilespmem:s17+$0x0] =	vst v2;
	s17 =	sor.u32 s7, s10;
	s10 =	smov.u32 s18  }
.Ltmp3:
0xfb: {  	s7 =	sand.u32 $0x3F, s22;
	v2 =	vld [tilespmem:s17+$0x0];
	(pc) =	sbr.rel @p1 .LBB2_7-.Ltmp3, $3  }
0xfc: {  	s7 =	smul.u32 $0x5, s7;
	_ =	sdelay $0x1  }
0xfd: {  	s18 =	smul.u32 $0xCD, s6;
	s7 =	ssub.s32 s16, s7;
	s16 =	smov.u32 s6  }
0xfe: {  	s10 =	sshrl.u32 s10, $0x3;
	s6 =	sadd.s32 $0x1, s6;
	s7 =	sand.u32 $0xFF, s7  }
0xff: {  	s6 =	sand.u32 $0x1F80, s10;
	s7 =	sshll.u32 s7, $0x4;
	v2 =	vadd.s32 v0, v2  }
0x100: {  	s22 =	sshrl.u32 s18, $0xA;
	s6 =	sor.u32 s7, s6;
	[tilespmem:s17+$0x0] =	vst v2  }
0x101: {  	s10 =	sand.u32 $0x3F, s22;
	v2 =	vld [tilespmem:s6+$0x0]  }
0x102: {  	s7 =	smul.u32 $0x5, s10;
	_ =	sdelay $0x1  }
0x103: {  	s7 =	ssub.s32 s16, s7  }
0x104: {  	s16 =	sshrl.u32 s18, $0x3;
	s7 =	sand.u32 $0xFF, s7  }
0x105: {  	s10 =	sand.u32 $0x1F80, s16;
	s7 =	sshll.u32 s7, $0x4;
	v2 =	vadd.s32 v0, v2  }
0x106: {  	s7 =	sor.u32 s7, s10;
	[tilespmem:s6+$0x0] =	vst v2  }
0x107: {  	v2 =	vld [tilespmem:s7+$0x0];
	_ =	sdelay $0x4  }
0x108: {  	v2 =	vadd.s32 v0, v2  }
0x109: {  	[tilespmem:s7+$0x0] =	vst v2  }
0x10a: {  	[tilespmem:s26], [sflag:$0x1] =	stream.indirect.gather [hbm4b:s4+s25], $0x80, s2, s25, $0xb8;
	[tilespmem:$0x1D080] =	vst v63  }
0x10b: {  	_ = 	snop  }
0x10c: {  	[tilespmem:s29], [sflag:$0x2] =	stream.indirect.gather [hbm4b:s4+s25], $0x80, s28, s25, $0xb8;
	[tilespmem:$0x1D080] =	vst v63  }
0x10d: {  	_ =	swait.ge [sflag:s31], $0x2800  }
0x10e: {  	[sflag:s31] =	ssyncset.done $0x0  }
0x10f: {  	[sflag:s31] =	ssyncadd.s32 $0xFFFFD800  }
0x110: {  	[spmem:s1] =	stream.indirect.scatter.add.f32 [tilespmem:s26], [sflag:$0x3], $0x80, s24, s25, $0xb8;
	[tilespmem:$0x1D080] =	vst v63  }
0x111: {  	_ =	swait.ge [sflag:s8], $0x2800  }
0x112: {  	[sflag:s8] =	ssyncset.done $0x0  }
0x113: {  	[sflag:s8] =	ssyncadd.s32 $0xFFFFD800  }
0x114: {  	[tilespmem:s26], [sflag:$0x1] =	stream.indirect.gather [hbm4b:s4+s25], $0x80, s11, s25, $0xb8;
	[tilespmem:$0x1D080] =	vst v63  }
0x115: {  	_ =	swait.ge [sflag:s19], $0x2800  }
0x116: {  	[sflag:s19] =	ssyncset.done $0x0  }
0x117: {  	[sflag:s19] =	ssyncadd.s32 $0xFFFFD800  }
0x118: {  	[spmem:s1] =	stream.indirect.scatter.add.f32 [tilespmem:s29], [sflag:$0x4], $0x80, s20, s25, $0xb8;
	[tilespmem:$0x1D080] =	vst v63  }
0x119: {  	_ =	swait.ge [sflag:s3], $0x2800  }
0x11a: {  	[sflag:s3] =	ssyncset.done $0x0  }
0x11b: {  	s17 =	simm.s32 $0x180;
	[sflag:s3] =	ssyncadd.s32 $0xFFFFD800  }
0x11c: {  	[tilespmem:s29], [sflag:$0x2] =	stream.indirect.gather [hbm4b:s4+s25], $0x80, s17, s25, $0xb8;
	[tilespmem:$0x1D080] =	vst v63  }
0x11d: {  	_ =	swait.ge [sflag:s31], $0x2800  }
0x11e: {  	[sflag:s31] =	ssyncset.done $0x0  }
0x11f: {  	s18 =	simm.s32 $0x1D00;
	[sflag:s31] =	ssyncadd.s32 $0xFFFFD800  }
0x120: {  	[spmem:s1] =	stream.indirect.scatter.add.f32 [tilespmem:s26], [sflag:$0x3], $0x80, s18, s25, $0xb8;
	[tilespmem:$0x1D080] =	vst v63  }
0x121: {  	_ =	swait.ge [sflag:s8], $0x2800  }
0x122: {  	[sflag:s8] =	ssyncset.done $0x0  }
0x123: {  	s22 =	simm.s32 $0x200;
	[sflag:s8] =	ssyncadd.s32 $0xFFFFD800  }
0x124: {  	[tilespmem:s26], [sflag:$0x1] =	stream.indirect.gather [hbm4b:s4+s25], $0x80, s22, s25, $0xb8;
	[tilespmem:$0x1D080] =	vst v63  }
0x125: {  	_ =	swait.ge [sflag:s19], $0x2800  }
0x126: {  	[sflag:s19] =	ssyncset.done $0x0  }
0x127: {  	s16 =	simm.s32 $0xFFFFA800;
	s6 =	simm.s32 $0x1D80;
	[sflag:s19] =	ssyncadd.s32 $0xFFFFD800  }
.LBB2_9:
0x128: {  	[spmem:s1] =	stream.indirect.scatter.add.f32 [tilespmem:s29], [sflag:$0x4], $0x80, s6, s25, $0xb8;
	[tilespmem:$0x1D080] =	vst v63  }
0x129: {  	s6 =	smov.u32 s16  }
0x12a: {  	p1 =	sne.s32 s16, $0xFFFFFC00;
	s16 =	sadd.s32 $0x400, s16;
	_ =	swait.ge [sflag:s3], $0x2800  }
0x12b: {  	s6 =	sshra.s32 s6, $0x2;
	[sflag:s3] =	ssyncset.done $0x0  }
0x12c: {  	s7 =	sadd.s32 $0x1880, s6;
	[sflag:s3] =	ssyncadd.s32 $0xFFFFD800  }
0x12d: {  	[tilespmem:s29], [sflag:$0x2] =	stream.indirect.gather [hbm4b:s4+s25], $0x80, s7, s25, $0xb8;
	[tilespmem:$0x1D080] =	vst v63  }
0x12e: {  	_ =	swait.ge [sflag:s31], $0x2800  }
0x12f: {  	[sflag:s31] =	ssyncset.done $0x0  }
0x130: {  	s7 =	sadd.s32 $0x3400, s6;
	[sflag:s31] =	ssyncadd.s32 $0xFFFFD800  }
0x131: {  	[spmem:s1] =	stream.indirect.scatter.add.f32 [tilespmem:s26], [sflag:$0x3], $0x80, s7, s25, $0xb8;
	[tilespmem:$0x1D080] =	vst v63  }
0x132: {  	_ =	swait.ge [sflag:s8], $0x2800  }
0x133: {  	[sflag:s8] =	ssyncset.done $0x0  }
.Ltmp4:
0x134: {  	s7 =	sadd.s32 $0x1900, s6;
	[sflag:s8] =	ssyncadd.s32 $0xFFFFD800;
	(pc) =	sbr.rel @p1 .LBB2_9-.Ltmp4, $4  }
0x135: {  	[tilespmem:s26], [sflag:$0x1] =	stream.indirect.gather [hbm4b:s4+s25], $0x80, s7, s25, $0xb8;
	[tilespmem:$0x1D080] =	vst v63  }
0x136: {  	_ =	swait.ge [sflag:s19], $0x2800  }
0x137: {  	[sflag:s19] =	ssyncset.done $0x0  }
0x138: {  	s6 =	sadd.s32 $0x3480, s6;
	[sflag:s19] =	ssyncadd.s32 $0xFFFFD800  }
0x139: {  	[spmem:s1] =	stream.indirect.scatter.add.f32 [tilespmem:s29], [sflag:$0x4], $0x80, s6, s25, $0xb8;
	[tilespmem:$0x1D080] =	vst v63  }
0x13a: {  	_ =	swait.ge [sflag:s3], $0x2800  }
0x13b: {  	[sflag:s3] =	ssyncset.done $0x0  }
0x13c: {  	[sflag:s3] =	ssyncadd.s32 $0xFFFFD800  }
0x13d: {  	[tilespmem:s29], [sflag:$0x2] =	stream.indirect.gather [hbm4b:s4+s25], $0x80, s12, s25, $0xb8;
	[tilespmem:$0x1D080] =	vst v63  }
0x13e: {  	_ =	swait.ge [sflag:s31], $0x2800  }
0x13f: {  	[sflag:s31] =	ssyncset.done $0x0  }
0x140: {  	[sflag:s31] =	ssyncadd.s32 $0xFFFFD800  }
0x141: {  	[spmem:s1] =	stream.indirect.scatter.add.f32 [tilespmem:s26], [sflag:$0x3], $0x80, s13, s25, $0xb8;
	[tilespmem:$0x1D080] =	vst v63  }
0x142: {  	_ =	swait.ge [sflag:s19], $0x2800  }
0x143: {  	[sflag:s19] =	ssyncset.done $0x0  }
0x144: {  	[sflag:s19] =	ssyncadd.s32 $0xFFFFD800  }
0x145: {  	[spmem:s1] =	stream.indirect.scatter.add.f32 [tilespmem:s29], [sflag:$0x4], $0x80, s14, s25, $0xb8;
	[tilespmem:$0x1D080] =	vst v63  }
0x146: {  	_ =	swait.ge [sflag:s8], $0x2800  }
0x147: {  	[sflag:s8] =	ssyncset.done $0x0  }
0x148: {  	[sflag:s8] =	ssyncadd.s32 $0xFFFFD800  }
0x149: {  	_ =	swait.ge [sflag:s3], $0x2800  }
0x14a: {  	[sflag:s3] =	ssyncset.done $0x0  }
0x14b: {  	s18 =	simm.s32 $0x0;
	s7 =	rddreg [dreg:$0xb];
	[sflag:s3] =	ssyncadd.s32 $0xFFFFD800  }
0x14c: {  	[tilespmem:s18], [sflag:$0x5] =	stream.linear.gather [hbm4b:s7+s18], $0x1900, $0x38;
	[tilespmem:$0x1D080] =	vst v63  }
0x14d: {  	s7 =	smul.u32 $0xCD, s18;
	_ =	swait.ge [sflag:s23], $0x1900  }
0x14e: {  	[sflag:s23] =	ssyncset.done $0x0  }
0x14f: {  	s10 =	rddreg [dreg:$0xc];
	s16 =	sshrl.u32 s7, $0xA;
	[sflag:s23] =	ssyncadd.s32 $0xFFFFE700  }
0x150: {  	[tilespmem:s24], [sflag:$0x5] =	stream.linear.gather [hbm4b:s10+s18], $0x1900, $0x38;
	[tilespmem:$0x1D080] =	vst v63  }
0x151: {  	s10 =	sand.u32 $0x3F, s16  }
0x152: {  	s17 =	smul.u32 $0x5, s10  }
0x153: {  	s22 =	simm.s32 $0x1  }
0x154: {  	s22 =	smul.u32 $0xCD, s22;
	s6 =	ssub.s32 $0x0, s17  }
0x155: {  	s7 =	sshrl.u32 s7, $0x3;
	_ =	swait.ge [sflag:s23], $0x1900;
	s6 =	sand.u32 $0xFF, s6  }
0x156: {  	s7 =	sand.u32 $0x1F80, s7;
	[sflag:s23] =	ssyncset.done $0x0;
	s6 =	sshll.u32 s6, $0x4  }
0x157: {  	s18 =	sshrl.u32 s22, $0xA;
	[sflag:s23] =	ssyncadd.s32 $0xFFFFE700;
	s17 =	sor.u32 s6, s7  }
0x158: {  	s10 =	sand.u32 $0x3F, s18;
	v2 =	vld [tilespmem:s17+$0x0]  }
0x159: {  	s10 =	smul.u32 $0x5, s10  }
0x15a: {  	s16 =	simm.s32 $0x2  }
0x15b: {  	s18 =	smul.u32 $0xCD, s16;
	s10 =	ssub.s32 $0x1, s10  }
0x15c: {  	s6 =	simm.s32 $0x3;
	s7 =	sand.u32 $0xFF, s10;
	s10 =	sshrl.u32 s22, $0x3  }
.LBB2_11:
0x15d: {  	p1 =	sne.s32 s6, $0xF9;
	s10 =	sand.u32 $0x1F80, s10;
	s7 =	sshll.u32 s7, $0x4;
	v2 =	vadd.s32 v0, v2  }
0x15e: {  	s22 =	sshrl.u32 s18, $0xA;
	[tilespmem:s17+$0x0] =	vst v2;
	s17 =	sor.u32 s7, s10;
	s10 =	smov.u32 s18  }
.Ltmp5:
0x15f: {  	s7 =	sand.u32 $0x3F, s22;
	v2 =	vld [tilespmem:s17+$0x0];
	(pc) =	sbr.rel @p1 .LBB2_11-.Ltmp5, $3  }
0x160: {  	s7 =	smul.u32 $0x5, s7;
	_ =	sdelay $0x1  }
0x161: {  	s18 =	smul.u32 $0xCD, s6;
	s7 =	ssub.s32 s16, s7;
	s16 =	smov.u32 s6  }
0x162: {  	s10 =	sshrl.u32 s10, $0x3;
	s6 =	sadd.s32 $0x1, s6;
	s7 =	sand.u32 $0xFF, s7  }
0x163: {  	s6 =	sand.u32 $0x1F80, s10;
	s7 =	sshll.u32 s7, $0x4;
	v2 =	vadd.s32 v0, v2  }
0x164: {  	s22 =	sshrl.u32 s18, $0xA;
	s6 =	sor.u32 s7, s6;
	[tilespmem:s17+$0x0] =	vst v2  }
0x165: {  	s10 =	sand.u32 $0x3F, s22;
	v2 =	vld [tilespmem:s6+$0x0]  }
0x166: {  	s7 =	smul.u32 $0x5, s10;
	_ =	sdelay $0x1  }
0x167: {  	s7 =	ssub.s32 s16, s7  }
0x168: {  	s16 =	sshrl.u32 s18, $0x3;
	s7 =	sand.u32 $0xFF, s7  }
0x169: {  	s10 =	sand.u32 $0x1F80, s16;
	s7 =	sshll.u32 s7, $0x4;
	v2 =	vadd.s32 v0, v2  }
0x16a: {  	s7 =	sor.u32 s7, s10;
	[tilespmem:s6+$0x0] =	vst v2  }
0x16b: {  	v2 =	vld [tilespmem:s7+$0x0];
	_ =	sdelay $0x4  }
0x16c: {  	v2 =	vadd.s32 v0, v2  }
0x16d: {  	[tilespmem:s7+$0x0] =	vst v2  }
0x16e: {  	[tilespmem:s26], [sflag:$0x1] =	stream.indirect.gather [hbm4b:s4+s25], $0x80, s2, s25, $0xb8;
	[tilespmem:$0x1D080] =	vst v63  }
0x16f: {  	_ = 	snop  }
0x170: {  	[tilespmem:s29], [sflag:$0x2] =	stream.indirect.gather [hbm4b:s4+s25], $0x80, s28, s25, $0xb8;
	[tilespmem:$0x1D080] =	vst v63  }
0x171: {  	_ =	swait.ge [sflag:s31], $0x2800  }
0x172: {  	[sflag:s31] =	ssyncset.done $0x0  }
0x173: {  	[sflag:s31] =	ssyncadd.s32 $0xFFFFD800  }
0x174: {  	[spmem:s1] =	stream.indirect.scatter.add.f32 [tilespmem:s26], [sflag:$0x3], $0x80, s24, s25, $0xb8;
	[tilespmem:$0x1D080] =	vst v63  }
0x175: {  	_ =	swait.ge [sflag:s8], $0x2800  }
0x176: {  	[sflag:s8] =	ssyncset.done $0x0  }
0x177: {  	[sflag:s8] =	ssyncadd.s32 $0xFFFFD800  }
0x178: {  	[tilespmem:s26], [sflag:$0x1] =	stream.indirect.gather [hbm4b:s4+s25], $0x80, s11, s25, $0xb8;
	[tilespmem:$0x1D080] =	vst v63  }
0x179: {  	_ =	swait.ge [sflag:s19], $0x2800  }
0x17a: {  	[sflag:s19] =	ssyncset.done $0x0  }
0x17b: {  	[sflag:s19] =	ssyncadd.s32 $0xFFFFD800  }
0x17c: {  	[spmem:s1] =	stream.indirect.scatter.add.f32 [tilespmem:s29], [sflag:$0x4], $0x80, s20, s25, $0xb8;
	[tilespmem:$0x1D080] =	vst v63  }
0x17d: {  	_ =	swait.ge [sflag:s3], $0x2800  }
0x17e: {  	[sflag:s3] =	ssyncset.done $0x0  }
0x17f: {  	s17 =	simm.s32 $0x180;
	[sflag:s3] =	ssyncadd.s32 $0xFFFFD800  }
0x180: {  	[tilespmem:s29], [sflag:$0x2] =	stream.indirect.gather [hbm4b:s4+s25], $0x80, s17, s25, $0xb8;
	[tilespmem:$0x1D080] =	vst v63  }
0x181: {  	_ =	swait.ge [sflag:s31], $0x2800  }
0x182: {  	[sflag:s31] =	ssyncset.done $0x0  }
0x183: {  	s18 =	simm.s32 $0x1D00;
	[sflag:s31] =	ssyncadd.s32 $0xFFFFD800  }
0x184: {  	[spmem:s1] =	stream.indirect.scatter.add.f32 [tilespmem:s26], [sflag:$0x3], $0x80, s18, s25, $0xb8;
	[tilespmem:$0x1D080] =	vst v63  }
0x185: {  	_ =	swait.ge [sflag:s8], $0x2800  }
0x186: {  	[sflag:s8] =	ssyncset.done $0x0  }
0x187: {  	s22 =	simm.s32 $0x200;
	[sflag:s8] =	ssyncadd.s32 $0xFFFFD800  }
0x188: {  	[tilespmem:s26], [sflag:$0x1] =	stream.indirect.gather [hbm4b:s4+s25], $0x80, s22, s25, $0xb8;
	[tilespmem:$0x1D080] =	vst v63  }
0x189: {  	_ =	swait.ge [sflag:s19], $0x2800  }
0x18a: {  	[sflag:s19] =	ssyncset.done $0x0  }
0x18b: {  	s16 =	simm.s32 $0xFFFFA800;
	s6 =	simm.s32 $0x1D80;
	[sflag:s19] =	ssyncadd.s32 $0xFFFFD800  }
.LBB2_13:
0x18c: {  	[spmem:s1] =	stream.indirect.scatter.add.f32 [tilespmem:s29], [sflag:$0x4], $0x80, s6, s25, $0xb8;
	[tilespmem:$0x1D080] =	vst v63  }
0x18d: {  	s6 =	smov.u32 s16  }
0x18e: {  	p1 =	sne.s32 s16, $0xFFFFFC00;
	s16 =	sadd.s32 $0x400, s16;
	_ =	swait.ge [sflag:s3], $0x2800  }
0x18f: {  	s6 =	sshra.s32 s6, $0x2;
	[sflag:s3] =	ssyncset.done $0x0  }
0x190: {  	s7 =	sadd.s32 $0x1880, s6;
	[sflag:s3] =	ssyncadd.s32 $0xFFFFD800  }
0x191: {  	[tilespmem:s29], [sflag:$0x2] =	stream.indirect.gather [hbm4b:s4+s25], $0x80, s7, s25, $0xb8;
	[tilespmem:$0x1D080] =	vst v63  }
0x192: {  	_ =	swait.ge [sflag:s31], $0x2800  }
0x193: {  	[sflag:s31] =	ssyncset.done $0x0  }
0x194: {  	s7 =	sadd.s32 $0x3400, s6;
	[sflag:s31] =	ssyncadd.s32 $0xFFFFD800  }
0x195: {  	[spmem:s1] =	stream.indirect.scatter.add.f32 [tilespmem:s26], [sflag:$0x3], $0x80, s7, s25, $0xb8;
	[tilespmem:$0x1D080] =	vst v63  }
0x196: {  	_ =	swait.ge [sflag:s8], $0x2800  }
0x197: {  	[sflag:s8] =	ssyncset.done $0x0  }
.Ltmp6:
0x198: {  	s7 =	sadd.s32 $0x1900, s6;
	[sflag:s8] =	ssyncadd.s32 $0xFFFFD800;
	(pc) =	sbr.rel @p1 .LBB2_13-.Ltmp6, $4  }
0x199: {  	[tilespmem:s26], [sflag:$0x1] =	stream.indirect.gather [hbm4b:s4+s25], $0x80, s7, s25, $0xb8;
	[tilespmem:$0x1D080] =	vst v63  }
0x19a: {  	_ =	swait.ge [sflag:s19], $0x2800  }
0x19b: {  	[sflag:s19] =	ssyncset.done $0x0  }
0x19c: {  	s6 =	sadd.s32 $0x3480, s6;
	[sflag:s19] =	ssyncadd.s32 $0xFFFFD800  }
0x19d: {  	[spmem:s1] =	stream.indirect.scatter.add.f32 [tilespmem:s29], [sflag:$0x4], $0x80, s6, s25, $0xb8;
	[tilespmem:$0x1D080] =	vst v63  }
0x19e: {  	_ =	swait.ge [sflag:s3], $0x2800  }
0x19f: {  	[sflag:s3] =	ssyncset.done $0x0  }
0x1a0: {  	[sflag:s3] =	ssyncadd.s32 $0xFFFFD800  }
0x1a1: {  	[tilespmem:s29], [sflag:$0x2] =	stream.indirect.gather [hbm4b:s4+s25], $0x80, s12, s25, $0xb8;
	[tilespmem:$0x1D080] =	vst v63  }
0x1a2: {  	_ =	swait.ge [sflag:s31], $0x2800  }
0x1a3: {  	[sflag:s31] =	ssyncset.done $0x0  }
0x1a4: {  	[sflag:s31] =	ssyncadd.s32 $0xFFFFD800  }
0x1a5: {  	[spmem:s1] =	stream.indirect.scatter.add.f32 [tilespmem:s26], [sflag:$0x3], $0x80, s13, s25, $0xb8;
	[tilespmem:$0x1D080] =	vst v63  }
0x1a6: {  	_ =	swait.ge [sflag:s19], $0x2800  }
0x1a7: {  	[sflag:s19] =	ssyncset.done $0x0  }
0x1a8: {  	[sflag:s19] =	ssyncadd.s32 $0xFFFFD800  }
0x1a9: {  	[spmem:s1] =	stream.indirect.scatter.add.f32 [tilespmem:s29], [sflag:$0x4], $0x80, s14, s25, $0xb8;
	[tilespmem:$0x1D080] =	vst v63  }
0x1aa: {  	_ =	swait.ge [sflag:s8], $0x2800  }
0x1ab: {  	[sflag:s8] =	ssyncset.done $0x0  }
0x1ac: {  	[sflag:s8] =	ssyncadd.s32 $0xFFFFD800  }
0x1ad: {  	_ =	swait.ge [sflag:s3], $0x2800  }
0x1ae: {  	[sflag:s3] =	ssyncset.done $0x0  }
0x1af: {  	s18 =	simm.s32 $0x0;
	s7 =	rddreg [dreg:$0xd];
	[sflag:s3] =	ssyncadd.s32 $0xFFFFD800  }
0x1b0: {  	[tilespmem:s18], [sflag:$0x5] =	stream.linear.gather [hbm4b:s7+s18], $0x1900, $0x38;
	[tilespmem:$0x1D080] =	vst v63  }
0x1b1: {  	s7 =	smul.u32 $0xCD, s18;
	_ =	swait.ge [sflag:s23], $0x1900  }
0x1b2: {  	[sflag:s23] =	ssyncset.done $0x0  }
0x1b3: {  	s10 =	rddreg [dreg:$0xe];
	s16 =	sshrl.u32 s7, $0xA;
	[sflag:s23] =	ssyncadd.s32 $0xFFFFE700  }
0x1b4: {  	[tilespmem:s24], [sflag:$0x5] =	stream.linear.gather [hbm4b:s10+s18], $0x1900, $0x38;
	[tilespmem:$0x1D080] =	vst v63  }
0x1b5: {  	s10 =	sand.u32 $0x3F, s16  }
0x1b6: {  	s17 =	smul.u32 $0x5, s10  }
0x1b7: {  	s22 =	simm.s32 $0x1  }
0x1b8: {  	s22 =	smul.u32 $0xCD, s22;
	s6 =	ssub.s32 $0x0, s17  }
0x1b9: {  	s7 =	sshrl.u32 s7, $0x3;
	_ =	swait.ge [sflag:s23], $0x1900;
	s6 =	sand.u32 $0xFF, s6  }
0x1ba: {  	s7 =	sand.u32 $0x1F80, s7;
	[sflag:s23] =	ssyncset.done $0x0;
	s6 =	sshll.u32 s6, $0x4  }
0x1bb: {  	s18 =	sshrl.u32 s22, $0xA;
	[sflag:s23] =	ssyncadd.s32 $0xFFFFE700;
	s17 =	sor.u32 s6, s7  }
0x1bc: {  	s10 =	sand.u32 $0x3F, s18;
	v2 =	vld [tilespmem:s17+$0x0]  }
0x1bd: {  	s10 =	smul.u32 $0x5, s10  }
0x1be: {  	s16 =	simm.s32 $0x2  }
0x1bf: {  	s18 =	smul.u32 $0xCD, s16;
	s10 =	ssub.s32 $0x1, s10  }
0x1c0: {  	s6 =	simm.s32 $0x3;
	s7 =	sand.u32 $0xFF, s10;
	s10 =	sshrl.u32 s22, $0x3  }
.LBB2_15:
0x1c1: {  	p1 =	sne.s32 s6, $0xF9;
	s10 =	sand.u32 $0x1F80, s10;
	s7 =	sshll.u32 s7, $0x4;
	v2 =	vadd.s32 v0, v2  }
0x1c2: {  	s22 =	sshrl.u32 s18, $0xA;
	[tilespmem:s17+$0x0] =	vst v2;
	s17 =	sor.u32 s7, s10;
	s10 =	smov.u32 s18  }
.Ltmp7:
0x1c3: {  	s7 =	sand.u32 $0x3F, s22;
	v2 =	vld [tilespmem:s17+$0x0];
	(pc) =	sbr.rel @p1 .LBB2_15-.Ltmp7, $3  }
0x1c4: {  	s7 =	smul.u32 $0x5, s7;
	_ =	sdelay $0x1  }
0x1c5: {  	s18 =	smul.u32 $0xCD, s6;
	s7 =	ssub.s32 s16, s7;
	s16 =	smov.u32 s6  }
0x1c6: {  	s10 =	sshrl.u32 s10, $0x3;
	s6 =	sadd.s32 $0x1, s6;
	s7 =	sand.u32 $0xFF, s7  }
0x1c7: {  	s6 =	sand.u32 $0x1F80, s10;
	s7 =	sshll.u32 s7, $0x4;
	v2 =	vadd.s32 v0, v2  }
0x1c8: {  	s22 =	sshrl.u32 s18, $0xA;
	s6 =	sor.u32 s7, s6;
	[tilespmem:s17+$0x0] =	vst v2  }
0x1c9: {  	s10 =	sand.u32 $0x3F, s22;
	v2 =	vld [tilespmem:s6+$0x0]  }
0x1ca: {  	s7 =	smul.u32 $0x5, s10;
	_ =	sdelay $0x1  }
0x1cb: {  	s7 =	ssub.s32 s16, s7  }
0x1cc: {  	s16 =	sshrl.u32 s18, $0x3;
	s7 =	sand.u32 $0xFF, s7  }
0x1cd: {  	s10 =	sand.u32 $0x1F80, s16;
	s7 =	sshll.u32 s7, $0x4;
	v2 =	vadd.s32 v0, v2  }
0x1ce: {  	s7 =	sor.u32 s7, s10;
	[tilespmem:s6+$0x0] =	vst v2  }
0x1cf: {  	v2 =	vld [tilespmem:s7+$0x0];
	_ =	sdelay $0x4  }
0x1d0: {  	v2 =	vadd.s32 v0, v2  }
0x1d1: {  	[tilespmem:s7+$0x0] =	vst v2  }
0x1d2: {  	[tilespmem:s26], [sflag:$0x1] =	stream.indirect.gather [hbm4b:s4+s25], $0x80, s2, s25, $0xb8;
	[tilespmem:$0x1D080] =	vst v63  }
0x1d3: {  	_ = 	snop  }
0x1d4: {  	[tilespmem:s29], [sflag:$0x2] =	stream.indirect.gather [hbm4b:s4+s25], $0x80, s28, s25, $0xb8;
	[tilespmem:$0x1D080] =	vst v63  }
0x1d5: {  	_ =	swait.ge [sflag:s31], $0x2800  }
0x1d6: {  	[sflag:s31] =	ssyncset.done $0x0  }
0x1d7: {  	[sflag:s31] =	ssyncadd.s32 $0xFFFFD800  }
0x1d8: {  	[spmem:s1] =	stream.indirect.scatter.add.f32 [tilespmem:s26], [sflag:$0x3], $0x80, s24, s25, $0xb8;
	[tilespmem:$0x1D080] =	vst v63  }
0x1d9: {  	_ =	swait.ge [sflag:s8], $0x2800  }
0x1da: {  	[sflag:s8] =	ssyncset.done $0x0  }
0x1db: {  	[sflag:s8] =	ssyncadd.s32 $0xFFFFD800  }
0x1dc: {  	[tilespmem:s26], [sflag:$0x1] =	stream.indirect.gather [hbm4b:s4+s25], $0x80, s11, s25, $0xb8;
	[tilespmem:$0x1D080] =	vst v63  }
0x1dd: {  	_ =	swait.ge [sflag:s19], $0x2800  }
0x1de: {  	[sflag:s19] =	ssyncset.done $0x0  }
0x1df: {  	[sflag:s19] =	ssyncadd.s32 $0xFFFFD800  }
0x1e0: {  	[spmem:s1] =	stream.indirect.scatter.add.f32 [tilespmem:s29], [sflag:$0x4], $0x80, s20, s25, $0xb8;
	[tilespmem:$0x1D080] =	vst v63  }
0x1e1: {  	_ =	swait.ge [sflag:s3], $0x2800  }
0x1e2: {  	[sflag:s3] =	ssyncset.done $0x0  }
0x1e3: {  	s17 =	simm.s32 $0x180;
	[sflag:s3] =	ssyncadd.s32 $0xFFFFD800  }
0x1e4: {  	[tilespmem:s29], [sflag:$0x2] =	stream.indirect.gather [hbm4b:s4+s25], $0x80, s17, s25, $0xb8;
	[tilespmem:$0x1D080] =	vst v63  }
0x1e5: {  	_ =	swait.ge [sflag:s31], $0x2800  }
0x1e6: {  	[sflag:s31] =	ssyncset.done $0x0  }
0x1e7: {  	s18 =	simm.s32 $0x1D00;
	[sflag:s31] =	ssyncadd.s32 $0xFFFFD800  }
0x1e8: {  	[spmem:s1] =	stream.indirect.scatter.add.f32 [tilespmem:s26], [sflag:$0x3], $0x80, s18, s25, $0xb8;
	[tilespmem:$0x1D080] =	vst v63  }
0x1e9: {  	_ =	swait.ge [sflag:s8], $0x2800  }
0x1ea: {  	[sflag:s8] =	ssyncset.done $0x0  }
0x1eb: {  	s22 =	simm.s32 $0x200;
	[sflag:s8] =	ssyncadd.s32 $0xFFFFD800  }
0x1ec: {  	[tilespmem:s26], [sflag:$0x1] =	stream.indirect.gather [hbm4b:s4+s25], $0x80, s22, s25, $0xb8;
	[tilespmem:$0x1D080] =	vst v63  }
0x1ed: {  	_ =	swait.ge [sflag:s19], $0x2800  }
0x1ee: {  	[sflag:s19] =	ssyncset.done $0x0  }
0x1ef: {  	s16 =	simm.s32 $0xFFFFA800;
	s6 =	simm.s32 $0x1D80;
	[sflag:s19] =	ssyncadd.s32 $0xFFFFD800  }
.LBB2_17:
0x1f0: {  	[spmem:s1] =	stream.indirect.scatter.add.f32 [tilespmem:s29], [sflag:$0x4], $0x80, s6, s25, $0xb8;
	[tilespmem:$0x1D080] =	vst v63  }
0x1f1: {  	s6 =	smov.u32 s16  }
0x1f2: {  	p1 =	sne.s32 s16, $0xFFFFFC00;
	s16 =	sadd.s32 $0x400, s16;
	_ =	swait.ge [sflag:s3], $0x2800  }
0x1f3: {  	s6 =	sshra.s32 s6, $0x2;
	[sflag:s3] =	ssyncset.done $0x0  }
0x1f4: {  	s7 =	sadd.s32 $0x1880, s6;
	[sflag:s3] =	ssyncadd.s32 $0xFFFFD800  }
0x1f5: {  	[tilespmem:s29], [sflag:$0x2] =	stream.indirect.gather [hbm4b:s4+s25], $0x80, s7, s25, $0xb8;
	[tilespmem:$0x1D080] =	vst v63  }
0x1f6: {  	_ =	swait.ge [sflag:s31], $0x2800  }
0x1f7: {  	[sflag:s31] =	ssyncset.done $0x0  }
0x1f8: {  	s7 =	sadd.s32 $0x3400, s6;
	[sflag:s31] =	ssyncadd.s32 $0xFFFFD800  }
0x1f9: {  	[spmem:s1] =	stream.indirect.scatter.add.f32 [tilespmem:s26], [sflag:$0x3], $0x80, s7, s25, $0xb8;
	[tilespmem:$0x1D080] =	vst v63  }
0x1fa: {  	_ =	swait.ge [sflag:s8], $0x2800  }
0x1fb: {  	[sflag:s8] =	ssyncset.done $0x0  }
.Ltmp8:
0x1fc: {  	s7 =	sadd.s32 $0x1900, s6;
	[sflag:s8] =	ssyncadd.s32 $0xFFFFD800;
	(pc) =	sbr.rel @p1 .LBB2_17-.Ltmp8, $4  }
0x1fd: {  	[tilespmem:s26], [sflag:$0x1] =	stream.indirect.gather [hbm4b:s4+s25], $0x80, s7, s25, $0xb8;
	[tilespmem:$0x1D080] =	vst v63  }
0x1fe: {  	_ =	swait.ge [sflag:s19], $0x2800  }
0x1ff: {  	[sflag:s19] =	ssyncset.done $0x0  }
0x200: {  	s6 =	sadd.s32 $0x3480, s6;
	[sflag:s19] =	ssyncadd.s32 $0xFFFFD800  }
0x201: {  	[spmem:s1] =	stream.indirect.scatter.add.f32 [tilespmem:s29], [sflag:$0x4], $0x80, s6, s25, $0xb8;
	[tilespmem:$0x1D080] =	vst v63  }
0x202: {  	_ =	swait.ge [sflag:s3], $0x2800  }
0x203: {  	[sflag:s3] =	ssyncset.done $0x0  }
0x204: {  	[sflag:s3] =	ssyncadd.s32 $0xFFFFD800  }
0x205: {  	[tilespmem:s29], [sflag:$0x2] =	stream.indirect.gather [hbm4b:s4+s25], $0x80, s12, s25, $0xb8;
	[tilespmem:$0x1D080] =	vst v63  }
0x206: {  	_ =	swait.ge [sflag:s31], $0x2800  }
0x207: {  	[sflag:s31] =	ssyncset.done $0x0  }
0x208: {  	[sflag:s31] =	ssyncadd.s32 $0xFFFFD800  }
0x209: {  	[spmem:s1] =	stream.indirect.scatter.add.f32 [tilespmem:s26], [sflag:$0x3], $0x80, s13, s25, $0xb8;
	[tilespmem:$0x1D080] =	vst v63  }
0x20a: {  	_ =	swait.ge [sflag:s19], $0x2800  }
0x20b: {  	[sflag:s19] =	ssyncset.done $0x0  }
0x20c: {  	[sflag:s19] =	ssyncadd.s32 $0xFFFFD800  }
0x20d: {  	[spmem:s1] =	stream.indirect.scatter.add.f32 [tilespmem:s29], [sflag:$0x4], $0x80, s14, s25, $0xb8;
	[tilespmem:$0x1D080] =	vst v63  }
0x20e: {  	_ =	swait.ge [sflag:s8], $0x2800  }
0x20f: {  	[sflag:s8] =	ssyncset.done $0x0  }
0x210: {  	[sflag:s8] =	ssyncadd.s32 $0xFFFFD800  }
0x211: {  	_ =	swait.ge [sflag:s3], $0x2800  }
0x212: {  	[sflag:s3] =	ssyncset.done $0x0  }
0x213: {  	s18 =	simm.s32 $0x0;
	s7 =	rddreg [dreg:$0x1c];
	[sflag:s3] =	ssyncadd.s32 $0xFFFFD800  }
0x214: {  	[tilespmem:s18], [sflag:$0x5] =	stream.linear.gather [hbm4b:s7+s18], $0x1900, $0x38;
	[tilespmem:$0x1D080] =	vst v63  }
0x215: {  	s7 =	smul.u32 $0xCD, s18;
	_ =	swait.ge [sflag:s23], $0x1900  }
0x216: {  	[sflag:s23] =	ssyncset.done $0x0  }
0x217: {  	s10 =	rddreg [dreg:$0x1d];
	s16 =	sshrl.u32 s7, $0xA;
	[sflag:s23] =	ssyncadd.s32 $0xFFFFE700  }
0x218: {  	[tilespmem:s24], [sflag:$0x5] =	stream.linear.gather [hbm4b:s10+s18], $0x1900, $0x38;
	[tilespmem:$0x1D080] =	vst v63  }
0x219: {  	s10 =	sand.u32 $0x3F, s16  }
0x21a: {  	s17 =	smul.u32 $0x5, s10  }
0x21b: {  	s22 =	simm.s32 $0x1  }
0x21c: {  	s22 =	smul.u32 $0xCD, s22;
	s6 =	ssub.s32 $0x0, s17  }
0x21d: {  	s7 =	sshrl.u32 s7, $0x3;
	_ =	swait.ge [sflag:s23], $0x1900;
	s6 =	sand.u32 $0xFF, s6  }
0x21e: {  	s7 =	sand.u32 $0x1F80, s7;
	[sflag:s23] =	ssyncset.done $0x0;
	s6 =	sshll.u32 s6, $0x4  }
0x21f: {  	s18 =	sshrl.u32 s22, $0xA;
	[sflag:s23] =	ssyncadd.s32 $0xFFFFE700;
	s17 =	sor.u32 s6, s7  }
0x220: {  	s10 =	sand.u32 $0x3F, s18;
	v2 =	vld [tilespmem:s17+$0x0]  }
0x221: {  	s10 =	smul.u32 $0x5, s10  }
0x222: {  	s16 =	simm.s32 $0x2  }
0x223: {  	s18 =	smul.u32 $0xCD, s16;
	s10 =	ssub.s32 $0x1, s10  }
0x224: {  	s6 =	simm.s32 $0x3;
	s7 =	sand.u32 $0xFF, s10;
	s10 =	sshrl.u32 s22, $0x3  }
.LBB2_19:
0x225: {  	p1 =	sne.s32 s6, $0xF9;
	s10 =	sand.u32 $0x1F80, s10;
	s7 =	sshll.u32 s7, $0x4;
	v2 =	vadd.s32 v0, v2  }
0x226: {  	s22 =	sshrl.u32 s18, $0xA;
	[tilespmem:s17+$0x0] =	vst v2;
	s17 =	sor.u32 s7, s10;
	s10 =	smov.u32 s18  }
.Ltmp9:
0x227: {  	s7 =	sand.u32 $0x3F, s22;
	v2 =	vld [tilespmem:s17+$0x0];
	(pc) =	sbr.rel @p1 .LBB2_19-.Ltmp9, $3  }
0x228: {  	s7 =	smul.u32 $0x5, s7;
	_ =	sdelay $0x1  }
0x229: {  	s18 =	smul.u32 $0xCD, s6;
	s7 =	ssub.s32 s16, s7;
	s16 =	smov.u32 s6  }
0x22a: {  	s10 =	sshrl.u32 s10, $0x3;
	s6 =	sadd.s32 $0x1, s6;
	s7 =	sand.u32 $0xFF, s7  }
0x22b: {  	s6 =	sand.u32 $0x1F80, s10;
	s7 =	sshll.u32 s7, $0x4;
	v2 =	vadd.s32 v0, v2  }
0x22c: {  	s22 =	sshrl.u32 s18, $0xA;
	s6 =	sor.u32 s7, s6;
	[tilespmem:s17+$0x0] =	vst v2  }
0x22d: {  	s10 =	sand.u32 $0x3F, s22;
	v2 =	vld [tilespmem:s6+$0x0]  }
0x22e: {  	s7 =	smul.u32 $0x5, s10;
	_ =	sdelay $0x1  }
0x22f: {  	s7 =	ssub.s32 s16, s7  }
0x230: {  	s16 =	sshrl.u32 s18, $0x3;
	s7 =	sand.u32 $0xFF, s7  }
0x231: {  	s10 =	sand.u32 $0x1F80, s16;
	s7 =	sshll.u32 s7, $0x4;
	v2 =	vadd.s32 v0, v2  }
0x232: {  	s7 =	sor.u32 s7, s10;
	[tilespmem:s6+$0x0] =	vst v2  }
0x233: {  	v2 =	vld [tilespmem:s7+$0x0];
	_ =	sdelay $0x4  }
0x234: {  	v2 =	vadd.s32 v0, v2  }
0x235: {  	[tilespmem:s7+$0x0] =	vst v2  }
0x236: {  	[tilespmem:s26], [sflag:$0x1] =	stream.indirect.gather [hbm4b:s4+s25], $0x80, s2, s25, $0xb8;
	[tilespmem:$0x1D080] =	vst v63  }
0x237: {  	_ = 	snop  }
0x238: {  	[tilespmem:s29], [sflag:$0x2] =	stream.indirect.gather [hbm4b:s4+s25], $0x80, s28, s25, $0xb8;
	[tilespmem:$0x1D080] =	vst v63  }
0x239: {  	_ =	swait.ge [sflag:s31], $0x2800  }
0x23a: {  	[sflag:s31] =	ssyncset.done $0x0  }
0x23b: {  	[sflag:s31] =	ssyncadd.s32 $0xFFFFD800  }
0x23c: {  	[spmem:s1] =	stream.indirect.scatter.add.f32 [tilespmem:s26], [sflag:$0x3], $0x80, s24, s25, $0xb8;
	[tilespmem:$0x1D080] =	vst v63  }
0x23d: {  	_ =	swait.ge [sflag:s8], $0x2800  }
0x23e: {  	[sflag:s8] =	ssyncset.done $0x0  }
0x23f: {  	[sflag:s8] =	ssyncadd.s32 $0xFFFFD800  }
0x240: {  	[tilespmem:s26], [sflag:$0x1] =	stream.indirect.gather [hbm4b:s4+s25], $0x80, s11, s25, $0xb8;
	[tilespmem:$0x1D080] =	vst v63  }
0x241: {  	_ =	swait.ge [sflag:s19], $0x2800  }
0x242: {  	[sflag:s19] =	ssyncset.done $0x0  }
0x243: {  	[sflag:s19] =	ssyncadd.s32 $0xFFFFD800  }
0x244: {  	[spmem:s1] =	stream.indirect.scatter.add.f32 [tilespmem:s29], [sflag:$0x4], $0x80, s20, s25, $0xb8;
	[tilespmem:$0x1D080] =	vst v63  }
0x245: {  	_ =	swait.ge [sflag:s3], $0x2800  }
0x246: {  	[sflag:s3] =	ssyncset.done $0x0  }
0x247: {  	s17 =	simm.s32 $0x180;
	[sflag:s3] =	ssyncadd.s32 $0xFFFFD800  }
0x248: {  	[tilespmem:s29], [sflag:$0x2] =	stream.indirect.gather [hbm4b:s4+s25], $0x80, s17, s25, $0xb8;
	[tilespmem:$0x1D080] =	vst v63  }
0x249: {  	_ =	swait.ge [sflag:s31], $0x2800  }
0x24a: {  	[sflag:s31] =	ssyncset.done $0x0  }
0x24b: {  	s18 =	simm.s32 $0x1D00;
	[sflag:s31] =	ssyncadd.s32 $0xFFFFD800  }
0x24c: {  	[spmem:s1] =	stream.indirect.scatter.add.f32 [tilespmem:s26], [sflag:$0x3], $0x80, s18, s25, $0xb8;
	[tilespmem:$0x1D080] =	vst v63  }
0x24d: {  	_ =	swait.ge [sflag:s8], $0x2800  }
0x24e: {  	[sflag:s8] =	ssyncset.done $0x0  }
0x24f: {  	s22 =	simm.s32 $0x200;
	[sflag:s8] =	ssyncadd.s32 $0xFFFFD800  }
0x250: {  	[tilespmem:s26], [sflag:$0x1] =	stream.indirect.gather [hbm4b:s4+s25], $0x80, s22, s25, $0xb8;
	[tilespmem:$0x1D080] =	vst v63  }
0x251: {  	_ =	swait.ge [sflag:s19], $0x2800  }
0x252: {  	[sflag:s19] =	ssyncset.done $0x0  }
0x253: {  	s16 =	simm.s32 $0xFFFFA800;
	s6 =	simm.s32 $0x1D80;
	[sflag:s19] =	ssyncadd.s32 $0xFFFFD800  }
.LBB2_21:
0x254: {  	[spmem:s1] =	stream.indirect.scatter.add.f32 [tilespmem:s29], [sflag:$0x4], $0x80, s6, s25, $0xb8;
	[tilespmem:$0x1D080] =	vst v63  }
0x255: {  	s6 =	smov.u32 s16  }
0x256: {  	p1 =	sne.s32 s16, $0xFFFFFC00;
	s16 =	sadd.s32 $0x400, s16;
	_ =	swait.ge [sflag:s3], $0x2800  }
0x257: {  	s6 =	sshra.s32 s6, $0x2;
	[sflag:s3] =	ssyncset.done $0x0  }
0x258: {  	s7 =	sadd.s32 $0x1880, s6;
	[sflag:s3] =	ssyncadd.s32 $0xFFFFD800  }
0x259: {  	[tilespmem:s29], [sflag:$0x2] =	stream.indirect.gather [hbm4b:s4+s25], $0x80, s7, s25, $0xb8;
	[tilespmem:$0x1D080] =	vst v63  }
0x25a: {  	_ =	swait.ge [sflag:s31], $0x2800  }
0x25b: {  	[sflag:s31] =	ssyncset.done $0x0  }
0x25c: {  	s7 =	sadd.s32 $0x3400, s6;
	[sflag:s31] =	ssyncadd.s32 $0xFFFFD800  }
0x25d: {  	[spmem:s1] =	stream.indirect.scatter.add.f32 [tilespmem:s26], [sflag:$0x3], $0x80, s7, s25, $0xb8;
	[tilespmem:$0x1D080] =	vst v63  }
0x25e: {  	_ =	swait.ge [sflag:s8], $0x2800  }
0x25f: {  	[sflag:s8] =	ssyncset.done $0x0  }
.Ltmp10:
0x260: {  	s7 =	sadd.s32 $0x1900, s6;
	[sflag:s8] =	ssyncadd.s32 $0xFFFFD800;
	(pc) =	sbr.rel @p1 .LBB2_21-.Ltmp10, $4  }
0x261: {  	[tilespmem:s26], [sflag:$0x1] =	stream.indirect.gather [hbm4b:s4+s25], $0x80, s7, s25, $0xb8;
	[tilespmem:$0x1D080] =	vst v63  }
0x262: {  	_ =	swait.ge [sflag:s19], $0x2800  }
0x263: {  	[sflag:s19] =	ssyncset.done $0x0  }
0x264: {  	s6 =	sadd.s32 $0x3480, s6;
	[sflag:s19] =	ssyncadd.s32 $0xFFFFD800  }
0x265: {  	[spmem:s1] =	stream.indirect.scatter.add.f32 [tilespmem:s29], [sflag:$0x4], $0x80, s6, s25, $0xb8;
	[tilespmem:$0x1D080] =	vst v63  }
0x266: {  	_ =	swait.ge [sflag:s3], $0x2800  }
0x267: {  	[sflag:s3] =	ssyncset.done $0x0  }
0x268: {  	[sflag:s3] =	ssyncadd.s32 $0xFFFFD800  }
0x269: {  	[tilespmem:s29], [sflag:$0x2] =	stream.indirect.gather [hbm4b:s4+s25], $0x80, s12, s25, $0xb8;
	[tilespmem:$0x1D080] =	vst v63  }
0x26a: {  	_ =	swait.ge [sflag:s31], $0x2800  }
0x26b: {  	[sflag:s31] =	ssyncset.done $0x0  }
0x26c: {  	[sflag:s31] =	ssyncadd.s32 $0xFFFFD800  }
0x26d: {  	[spmem:s1] =	stream.indirect.scatter.add.f32 [tilespmem:s26], [sflag:$0x3], $0x80, s13, s25, $0xb8;
	[tilespmem:$0x1D080] =	vst v63  }
0x26e: {  	_ =	swait.ge [sflag:s19], $0x2800  }
0x26f: {  	[sflag:s19] =	ssyncset.done $0x0  }
0x270: {  	[sflag:s19] =	ssyncadd.s32 $0xFFFFD800  }
0x271: {  	[spmem:s1] =	stream.indirect.scatter.add.f32 [tilespmem:s29], [sflag:$0x4], $0x80, s14, s25, $0xb8;
	[tilespmem:$0x1D080] =	vst v63  }
0x272: {  	_ =	swait.ge [sflag:s8], $0x2800  }
0x273: {  	[sflag:s8] =	ssyncset.done $0x0  }
0x274: {  	[sflag:s8] =	ssyncadd.s32 $0xFFFFD800  }
0x275: {  	_ =	swait.ge [sflag:s3], $0x2800  }
0x276: {  	s7 =	sld [smem:$0x7ED]  }
0x277: {  	[sflag:s3] =	ssyncset.done $0x0  }
0x278: {  	s18 =	simm.s32 $0x0;
	[sflag:s3] =	ssyncadd.s32 $0xFFFFD800  }
0x279: {  	[tilespmem:s18], [sflag:$0x5] =	stream.linear.gather [hbm4b:s7+s18], $0x1900, $0x38;
	[tilespmem:$0x1D080] =	vst v63  }
0x27a: {  	_ =	swait.ge [sflag:s23], $0x1900  }
0x27b: {  	s7 =	smul.u32 $0xCD, s18;
	s10 =	sld [smem:$0x7F2]  }
0x27c: {  	[sflag:s23] =	ssyncset.done $0x0  }
0x27d: {  	s16 =	sshrl.u32 s7, $0xA;
	[sflag:s23] =	ssyncadd.s32 $0xFFFFE700  }
0x27e: {  	[tilespmem:s24], [sflag:$0x5] =	stream.linear.gather [hbm4b:s10+s18], $0x1900, $0x38;
	[tilespmem:$0x1D080] =	vst v63  }
0x27f: {  	s10 =	sand.u32 $0x3F, s16  }
0x280: {  	s17 =	smul.u32 $0x5, s10  }
0x281: {  	s22 =	simm.s32 $0x1  }
0x282: {  	s22 =	smul.u32 $0xCD, s22;
	s6 =	ssub.s32 $0x0, s17  }
0x283: {  	s7 =	sshrl.u32 s7, $0x3;
	_ =	swait.ge [sflag:s23], $0x1900;
	s6 =	sand.u32 $0xFF, s6  }
0x284: {  	s7 =	sand.u32 $0x1F80, s7;
	[sflag:s23] =	ssyncset.done $0x0;
	s6 =	sshll.u32 s6, $0x4  }
0x285: {  	s18 =	sshrl.u32 s22, $0xA;
	[sflag:s23] =	ssyncadd.s32 $0xFFFFE700;
	s17 =	sor.u32 s6, s7  }
0x286: {  	s10 =	sand.u32 $0x3F, s18;
	v2 =	vld [tilespmem:s17+$0x0]  }
0x287: {  	s10 =	smul.u32 $0x5, s10  }
0x288: {  	s16 =	simm.s32 $0x2  }
0x289: {  	s18 =	smul.u32 $0xCD, s16;
	s10 =	ssub.s32 $0x1, s10  }
0x28a: {  	s6 =	simm.s32 $0x3;
	s7 =	sand.u32 $0xFF, s10;
	s10 =	sshrl.u32 s22, $0x3  }
.LBB2_23:
0x28b: {  	p1 =	sne.s32 s6, $0xF9;
	s10 =	sand.u32 $0x1F80, s10;
	s7 =	sshll.u32 s7, $0x4;
	v2 =	vadd.s32 v0, v2  }
0x28c: {  	s22 =	sshrl.u32 s18, $0xA;
	[tilespmem:s17+$0x0] =	vst v2;
	s17 =	sor.u32 s7, s10;
	s10 =	smov.u32 s18  }
.Ltmp11:
0x28d: {  	s7 =	sand.u32 $0x3F, s22;
	v2 =	vld [tilespmem:s17+$0x0];
	(pc) =	sbr.rel @p1 .LBB2_23-.Ltmp11, $3  }
0x28e: {  	s7 =	smul.u32 $0x5, s7;
	_ =	sdelay $0x1  }
0x28f: {  	s18 =	smul.u32 $0xCD, s6;
	s7 =	ssub.s32 s16, s7;
	s16 =	smov.u32 s6  }
0x290: {  	s10 =	sshrl.u32 s10, $0x3;
	s6 =	sadd.s32 $0x1, s6;
	s7 =	sand.u32 $0xFF, s7  }
0x291: {  	s6 =	sand.u32 $0x1F80, s10;
	s7 =	sshll.u32 s7, $0x4;
	v2 =	vadd.s32 v0, v2  }
0x292: {  	s22 =	sshrl.u32 s18, $0xA;
	s6 =	sor.u32 s7, s6;
	[tilespmem:s17+$0x0] =	vst v2  }
0x293: {  	s10 =	sand.u32 $0x3F, s22;
	v2 =	vld [tilespmem:s6+$0x0]  }
0x294: {  	s7 =	smul.u32 $0x5, s10;
	_ =	sdelay $0x1  }
0x295: {  	s7 =	ssub.s32 s16, s7  }
0x296: {  	s16 =	sshrl.u32 s18, $0x3;
	s7 =	sand.u32 $0xFF, s7  }
0x297: {  	s10 =	sand.u32 $0x1F80, s16;
	s7 =	sshll.u32 s7, $0x4;
	v2 =	vadd.s32 v0, v2  }
0x298: {  	s7 =	sor.u32 s7, s10;
	[tilespmem:s6+$0x0] =	vst v2  }
0x299: {  	v2 =	vld [tilespmem:s7+$0x0];
	_ =	sdelay $0x4  }
0x29a: {  	v2 =	vadd.s32 v0, v2  }
0x29b: {  	[tilespmem:s7+$0x0] =	vst v2  }
0x29c: {  	[tilespmem:s26], [sflag:$0x1] =	stream.indirect.gather [hbm4b:s4+s25], $0x80, s2, s25, $0xb8;
	[tilespmem:$0x1D080] =	vst v63  }
0x29d: {  	_ = 	snop  }
0x29e: {  	[tilespmem:s29], [sflag:$0x2] =	stream.indirect.gather [hbm4b:s4+s25], $0x80, s28, s25, $0xb8;
	[tilespmem:$0x1D080] =	vst v63  }
0x29f: {  	_ =	swait.ge [sflag:s31], $0x2800  }
0x2a0: {  	[sflag:s31] =	ssyncset.done $0x0  }
0x2a1: {  	[sflag:s31] =	ssyncadd.s32 $0xFFFFD800  }
0x2a2: {  	[spmem:s1] =	stream.indirect.scatter.add.f32 [tilespmem:s26], [sflag:$0x3], $0x80, s24, s25, $0xb8;
	[tilespmem:$0x1D080] =	vst v63  }
0x2a3: {  	_ =	swait.ge [sflag:s8], $0x2800  }
0x2a4: {  	[sflag:s8] =	ssyncset.done $0x0  }
0x2a5: {  	[sflag:s8] =	ssyncadd.s32 $0xFFFFD800  }
0x2a6: {  	[tilespmem:s26], [sflag:$0x1] =	stream.indirect.gather [hbm4b:s4+s25], $0x80, s11, s25, $0xb8;
	[tilespmem:$0x1D080] =	vst v63  }
0x2a7: {  	_ =	swait.ge [sflag:s19], $0x2800  }
0x2a8: {  	[sflag:s19] =	ssyncset.done $0x0  }
0x2a9: {  	[sflag:s19] =	ssyncadd.s32 $0xFFFFD800  }
0x2aa: {  	[spmem:s1] =	stream.indirect.scatter.add.f32 [tilespmem:s29], [sflag:$0x4], $0x80, s20, s25, $0xb8;
	[tilespmem:$0x1D080] =	vst v63  }
0x2ab: {  	_ =	swait.ge [sflag:s3], $0x2800  }
0x2ac: {  	[sflag:s3] =	ssyncset.done $0x0  }
0x2ad: {  	s17 =	simm.s32 $0x180;
	[sflag:s3] =	ssyncadd.s32 $0xFFFFD800  }
0x2ae: {  	[tilespmem:s29], [sflag:$0x2] =	stream.indirect.gather [hbm4b:s4+s25], $0x80, s17, s25, $0xb8;
	[tilespmem:$0x1D080] =	vst v63  }
0x2af: {  	_ =	swait.ge [sflag:s31], $0x2800  }
0x2b0: {  	[sflag:s31] =	ssyncset.done $0x0  }
0x2b1: {  	s18 =	simm.s32 $0x1D00;
	[sflag:s31] =	ssyncadd.s32 $0xFFFFD800  }
0x2b2: {  	[spmem:s1] =	stream.indirect.scatter.add.f32 [tilespmem:s26], [sflag:$0x3], $0x80, s18, s25, $0xb8;
	[tilespmem:$0x1D080] =	vst v63  }
0x2b3: {  	_ =	swait.ge [sflag:s8], $0x2800  }
0x2b4: {  	[sflag:s8] =	ssyncset.done $0x0  }
0x2b5: {  	s22 =	simm.s32 $0x200;
	[sflag:s8] =	ssyncadd.s32 $0xFFFFD800  }
0x2b6: {  	[tilespmem:s26], [sflag:$0x1] =	stream.indirect.gather [hbm4b:s4+s25], $0x80, s22, s25, $0xb8;
	[tilespmem:$0x1D080] =	vst v63  }
0x2b7: {  	_ =	swait.ge [sflag:s19], $0x2800  }
0x2b8: {  	[sflag:s19] =	ssyncset.done $0x0  }
0x2b9: {  	s16 =	simm.s32 $0xFFFFA800;
	s6 =	simm.s32 $0x1D80;
	[sflag:s19] =	ssyncadd.s32 $0xFFFFD800  }
.LBB2_25:
0x2ba: {  	[spmem:s1] =	stream.indirect.scatter.add.f32 [tilespmem:s29], [sflag:$0x4], $0x80, s6, s25, $0xb8;
	[tilespmem:$0x1D080] =	vst v63  }
0x2bb: {  	s6 =	smov.u32 s16  }
0x2bc: {  	p1 =	sne.s32 s16, $0xFFFFFC00;
	s16 =	sadd.s32 $0x400, s16;
	_ =	swait.ge [sflag:s3], $0x2800  }
0x2bd: {  	s6 =	sshra.s32 s6, $0x2;
	[sflag:s3] =	ssyncset.done $0x0  }
0x2be: {  	s7 =	sadd.s32 $0x1880, s6;
	[sflag:s3] =	ssyncadd.s32 $0xFFFFD800  }
0x2bf: {  	[tilespmem:s29], [sflag:$0x2] =	stream.indirect.gather [hbm4b:s4+s25], $0x80, s7, s25, $0xb8;
	[tilespmem:$0x1D080] =	vst v63  }
0x2c0: {  	_ =	swait.ge [sflag:s31], $0x2800  }
0x2c1: {  	[sflag:s31] =	ssyncset.done $0x0  }
0x2c2: {  	s7 =	sadd.s32 $0x3400, s6;
	[sflag:s31] =	ssyncadd.s32 $0xFFFFD800  }
0x2c3: {  	[spmem:s1] =	stream.indirect.scatter.add.f32 [tilespmem:s26], [sflag:$0x3], $0x80, s7, s25, $0xb8;
	[tilespmem:$0x1D080] =	vst v63  }
0x2c4: {  	_ =	swait.ge [sflag:s8], $0x2800  }
0x2c5: {  	[sflag:s8] =	ssyncset.done $0x0  }
.Ltmp12:
0x2c6: {  	s7 =	sadd.s32 $0x1900, s6;
	[sflag:s8] =	ssyncadd.s32 $0xFFFFD800;
	(pc) =	sbr.rel @p1 .LBB2_25-.Ltmp12, $4  }
0x2c7: {  	[tilespmem:s26], [sflag:$0x1] =	stream.indirect.gather [hbm4b:s4+s25], $0x80, s7, s25, $0xb8;
	[tilespmem:$0x1D080] =	vst v63  }
0x2c8: {  	_ =	swait.ge [sflag:s19], $0x2800  }
0x2c9: {  	[sflag:s19] =	ssyncset.done $0x0  }
0x2ca: {  	s6 =	sadd.s32 $0x3480, s6;
	[sflag:s19] =	ssyncadd.s32 $0xFFFFD800  }
0x2cb: {  	[spmem:s1] =	stream.indirect.scatter.add.f32 [tilespmem:s29], [sflag:$0x4], $0x80, s6, s25, $0xb8;
	[tilespmem:$0x1D080] =	vst v63  }
0x2cc: {  	_ =	swait.ge [sflag:s3], $0x2800  }
0x2cd: {  	[sflag:s3] =	ssyncset.done $0x0  }
0x2ce: {  	[sflag:s3] =	ssyncadd.s32 $0xFFFFD800  }
0x2cf: {  	[tilespmem:s29], [sflag:$0x2] =	stream.indirect.gather [hbm4b:s4+s25], $0x80, s12, s25, $0xb8;
	[tilespmem:$0x1D080] =	vst v63  }
0x2d0: {  	_ =	swait.ge [sflag:s31], $0x2800  }
0x2d1: {  	[sflag:s31] =	ssyncset.done $0x0  }
0x2d2: {  	[sflag:s31] =	ssyncadd.s32 $0xFFFFD800  }
0x2d3: {  	[spmem:s1] =	stream.indirect.scatter.add.f32 [tilespmem:s26], [sflag:$0x3], $0x80, s13, s25, $0xb8;
	[tilespmem:$0x1D080] =	vst v63  }
0x2d4: {  	_ =	swait.ge [sflag:s19], $0x2800  }
0x2d5: {  	[sflag:s19] =	ssyncset.done $0x0  }
0x2d6: {  	[sflag:s19] =	ssyncadd.s32 $0xFFFFD800  }
0x2d7: {  	[spmem:s1] =	stream.indirect.scatter.add.f32 [tilespmem:s29], [sflag:$0x4], $0x80, s14, s25, $0xb8;
	[tilespmem:$0x1D080] =	vst v63  }
0x2d8: {  	_ =	swait.ge [sflag:s8], $0x2800  }
0x2d9: {  	[sflag:s8] =	ssyncset.done $0x0  }
0x2da: {  	[sflag:s8] =	ssyncadd.s32 $0xFFFFD800  }
0x2db: {  	_ =	swait.ge [sflag:s3], $0x2800  }
0x2dc: {  	[sflag:s3] =	ssyncset.done $0x0  }
0x2dd: {  	[sflag:s3] =	ssyncadd.s32 $0xFFFFD800  }
0x2de: {  	[bflag:$0x0] =	sbarrier.arrive $0xFFFF  }
0x2df: {  	s6 =	sshrl.u32 @p0 s0, $0x3;
	s7 =	simm.s32 @p0 $0x1FC5;
	s10 =	rddreg [dreg:$0xf]  }
0x2e0: {  	[hbm:s10], [sflag:s7] =	dma.local @p0 [spmem:s6], $0x2080  }
0x2e1: {  	s6 =	simm.s32 @p0 $0x5  }
0x2e2: {  	s15 =	sadd.s32 $0x1, s15;
	s7 =	stileid.u32;
	_ =	swait.ge @p0 [sflag:s6], $0x2080  }
0x2e3: {  	p1 =	sne.s32 s15, s9;
	s7 =	sshll.u32 @!p0 s7, $0x6;
	[sflag:s6] =	ssyncset.done @p0 $0x0  }
0x2e4: {  	[sflag:s6] =	ssyncadd.s32 @p0 $0xFFFFDF80;
	s6 =	sor.u32 @!p0 $0x1C05, s7;
	s7 =	sshrl.u32 @!p0 s5, $0x3  }
0x2e5: {  	[hbm:s30], [sflag:s6] =	dma.local @!p0 [spmem:s7], $0x2780  }
.Ltmp13:
0x2e6: {  	_ = 	snop;
	(pc) =	sbr.rel @p1 .LBB2_1-.Ltmp13, $4  }
0x2e7: {  	s6 =	simm.s32 @!p0 $0x5  }
0x2e8: {  	_ =	swait.ge @!p0 [sflag:s6], $0x2780  }
0x2e9: {  	[sflag:s6] =	ssyncset.done @!p0 $0x0  }
0x2ea: {  	[sflag:s6] =	ssyncadd.s32 @!p0 $0xFFFFD880  }
0x2eb: {  	_ =	sfence.sel $0x180000  }
0x2ec: {  	[bflag:$0x0] =	sbarrier.arrive $0xFFFF  }
0x2ed: {  	_ =	strace $0x9000004A  }
0x2ee: {  	s0 =	stileid.u32;
	[bflag:$0x2] =	sbarrier.arrive $0xFFFF  }
0x2ef: {  	p0 =	sne.s32 s0, $0x0;
	s0 =	rddreg [dreg:$0x2]  }
0x2f0: {  	s0 =	sadd.s32 @!p0 $0x100000, s0  }
0x2f1: {  	[sflag:s0] =	ssyncadd.tile.s32 @!p0 $0x1;
	_ =	shalt  }
.Lfunc_end2:
_tile_overlayer_lowered:
.L_overlay_start_2:
0x2f2: {  	(tag) =	ssettag $0x2  }
0x2f3: {  	s0 =	rddreg [dreg:$0x0];
	s2 =	stileid.u32  }
0x2f4: {  	s1 =	rddreg [dreg:$0x1];
	p0 =	sne.s32 s2, $0x0  }
0x2f5: {  	s3 =	rddreg [dreg:$0x2];
	[bflag:$0x3] =	sbarrier.arrive $0xFFFF;
	s2 =	simm.s32 @!p0 $0x1C05  }
0x2f6: {  	[timem:s3], [sflag:s2] =	dma.local @!p0 [hbm:s0], s1  }
0x2f7: {  	s0 =	simm.s32 @!p0 $0x5  }
0x2f8: {  	_ =	swait.ge @!p0 [sflag:s0], s1  }
0x2f9: {  	s1 =	ssub.s32 @!p0 $0x0, s1;
	[sflag:s0] =	ssyncset.done @!p0 $0x0  }
0x2fa: {  	[sflag:s0] =	ssyncadd.s32 @!p0 s1  }
0x2fb: {  	[bflag:$0x3] =	sbarrier.arrive $0xFFFF  }
0x2fc: {  	_ =	shalt  }

// kernel: kernel.7.cloned.1.call-start
scs
__scs_entry_jumppad:
0x0: {  	(pc) =	sbr.rel $0x88, $3  }
0x1: {  	(tag) =	ssettag $0x0;
	lr =	simm.s32 $0x1  }
0x2: {  	[smem:$0x3F9B] =	sst lr;
	_ =	strace $0xD0000000  }
0x3: {  	_ = 	snop  }
0x4: {  	_ = 	snop  }
0x5: {  	_ = 	snop  }
0x6: {  	_ = 	snop  }
0x7: {  	_ = 	snop  }
__scs_overlays_trampoline_lowered:
0x8: {  	[smem:$0x3FAA] =	sst s0  }
0x9: {  	[smem:$0x3FAB] =	sst s1  }
0xa: {  	[smem:$0x3FAC] =	sst s2  }
0xb: {  	[smem:$0x3FAD] =	sst s3  }
0xc: {  	[smem:$0x3FAE] =	sst s4  }
0xd: {  	[smem:$0x3FAF] =	sst s5  }
0xe: {  	[smem:$0x3FB0] =	sst s6  }
0xf: {  	[smem:$0x3FB1] =	sst s7  }
0x10: {  	[smem:$0x3FB2] =	sst s8  }
0x11: {  	[smem:$0x3FB3] =	sst s9;
	s0 =	simm.s32 @!p0 $0x0  }
0x12: {  	s1 =	sld [smem:$0x3F99];
	s0 =	simm.s32 @p0 $0x1  }
0x13: {  	[smem:$0x3FB4] =	sst s0;
	s0 =	simm.s32 @!p1 $0x0  }
0x14: {  	s2 =	sld [smem:$0x3F98];
	s0 =	simm.s32 @p1 $0x1  }
0x15: {  	[smem:$0x3FB5] =	sst s0;
	s0 =	simm.s32 @!p2 $0x0  }
0x16: {  	s3 =	sld [smem:$0x3FDB];
	s0 =	simm.s32 @p2 $0x1  }
0x17: {  	s4 =	simm.s32 $0x1BF5;
	[smem:$0x3FB7] =	sst s0  }
0x18: {  	s0 =	sld [smem:$0x3F9A];
	_ =	swait.ge [sflag:s4], $0x0  }
0x19: {  	s7 =	sld [smem:$0x3F9B]  }
0x1a: {  	s8 =	sadd.s32 $0xFFFFE003, lr  }
0x1b: {  	s9 =	sadd.s32 $0xFFFFFEF7, lr;
	s5 =	simm.s32 $0xFFFFFFFF;
	p2 =	slt.u32 s8, $0xFFFFF086  }
0x1c: {  	p1 =	slt.u32 s9, $0xF7A;
	s5 =	simm.s32 @!p2 $0x0  }
0x1d: {  	s5 =	simm.s32 @p1 $0x1;
	p0 =	seq.s32 s7, s2  }
0x1e: {  	s7 =	smul.u32 @!p0 $0xF7A, s2;
	p2 =	seq.s32 @!p0 s5, $0x0  }
0x1f: {  	s9 =	smul.u32 $0xF7A, s1;
	s8 =	simm.s32 @!p0 $0x1BF5;
	p2 =	por !p2, p0  }
0x20: {  	[sflag:s8] =	ssyncset.s32 @!p0 $0xFFFFF086;
	s6 =	sadd.s32 @!p0 s3, s7;
	s7 =	simm.s32 @!p0 $0x108  }
0x21: {  	s3 =	sadd.s32 s3, s9;
	s6 =	sadd.s32 @!p0 $0x88, s6;
	s7 =	simm.s32 @p2 $0x1082  }
0x22: {  	[simem:s7], [sflag:s8] =	dma.local @!p0 [hbm:s6], $0xF7A  }
0x23: {  	s9 =	sor.u32 $0xD0000000, s2;
	s6 =	simm.s32 $0x108;
	_ =	swait.ge @!p0 [sflag:s8], $0x0  }
0x24: {  	s3 =	sadd.s32 $0x88, s3;
	s6 =	simm.s32 @!p1 $0x1082;
	[sflag:s4] =	ssyncset.s32 $0xFFFFF086  }
0x25: {  	[simem:s6], [sflag:s4] =	dma.local [hbm:s3], $0xF7A  }
0x26: {  	[smem:$0x3F9B] =	sst s1;
	(tag) =	ssettag s2;
	_ =	strace s9  }
0x27: {  	s1 =	sld [smem:$0x3FAB]  }
0x28: {  	s2 =	sld [smem:$0x3FAC]  }
0x29: {  	s4 =	sld [smem:$0x3FAE]  }
0x2a: {  	p0 =	seq.s32 s5, $0x0;
	s5 =	sld [smem:$0x3FAF]  }
0x2b: {  	s6 =	sld [smem:$0x3FB0]  }
0x2c: {  	s7 =	sld [smem:$0x3FB1]  }
0x2d: {  	s3 =	simm.s32 $0x108;
	s8 =	sld [smem:$0x3FB2]  }
0x2e: {  	s3 =	simm.s32 @!p0 $0x1082;
	s9 =	sld [smem:$0x3FB3]  }
0x2f: {  	lr =	sadd.s32 s0, s3;
	s0 =	sld [smem:$0x3FAA]  }
0x30: {  	s3 =	sld [smem:$0x3FAD]  }
0x31: {  	[smem:$0x3FB6] =	sst s10  }
0x32: {  	s10 =	sld [smem:$0x3FB4];
	_ =	sdelay $0x3  }
0x33: {  	p0 =	seq.s32 s10, $0x1;
	s10 =	sld [smem:$0x3FB6];
	_ =	sdelay $0x3  }
0x34: {  	[smem:$0x3FB6] =	sst s10  }
0x35: {  	s10 =	sld [smem:$0x3FB5];
	_ =	sdelay $0x3  }
0x36: {  	p1 =	seq.s32 s10, $0x1;
	s10 =	sld [smem:$0x3FB6];
	_ =	sdelay $0x3  }
0x37: {  	[smem:$0x3FB6] =	sst s10  }
0x38: {  	s10 =	sld [smem:$0x3FB7]  }
0x39: {  	_ = 	snop;
	(pc) =	sbr.ind lr, $3  }
0x3a: {  	_ = 	snop  }
0x3b: {  	_ = 	snop  }
0x3c: {  	p2 =	seq.s32 s10, $0x1;
	s10 =	sld [smem:$0x3FB6]  }
0x3d: {  	_ =	shalt  }
0x3e: {  	_ =	shalt  }
0x3f: {  	_ =	shalt  }
0x40: {  	_ =	shalt  }
0x41: {  	_ =	shalt  }
0x42: {  	_ =	shalt  }
0x43: {  	_ =	shalt  }
0x44: {  	_ =	shalt  }
0x45: {  	_ =	shalt  }
0x46: {  	_ =	shalt  }
0x47: {  	_ =	shalt  }
0x48: {  	_ =	shalt  }
0x49: {  	_ =	shalt  }
0x4a: {  	_ =	shalt  }
0x4b: {  	_ =	shalt  }
0x4c: {  	_ =	shalt  }
0x4d: {  	_ =	shalt  }
0x4e: {  	_ =	shalt  }
0x4f: {  	_ =	shalt  }
0x50: {  	_ =	shalt  }
0x51: {  	_ =	shalt  }
0x52: {  	_ =	shalt  }
0x53: {  	_ =	shalt  }
0x54: {  	_ =	shalt  }
0x55: {  	_ =	shalt  }
0x56: {  	_ =	shalt  }
0x57: {  	_ =	shalt  }
0x58: {  	_ =	shalt  }
0x59: {  	_ =	shalt  }
0x5a: {  	_ =	shalt  }
0x5b: {  	_ =	shalt  }
0x5c: {  	_ =	shalt  }
0x5d: {  	_ =	shalt  }
0x5e: {  	_ =	shalt  }
0x5f: {  	_ =	shalt  }
0x60: {  	_ =	shalt  }
0x61: {  	_ =	shalt  }
0x62: {  	_ =	shalt  }
0x63: {  	_ =	shalt  }
0x64: {  	_ =	shalt  }
0x65: {  	_ =	shalt  }
0x66: {  	_ =	shalt  }
0x67: {  	_ =	shalt  }
0x68: {  	_ =	shalt  }
0x69: {  	_ =	shalt  }
0x6a: {  	_ =	shalt  }
0x6b: {  	_ =	shalt  }
0x6c: {  	_ =	shalt  }
0x6d: {  	_ =	shalt  }
0x6e: {  	_ =	shalt  }
0x6f: {  	_ =	shalt  }
0x70: {  	_ =	shalt  }
0x71: {  	_ =	shalt  }
0x72: {  	_ =	shalt  }
0x73: {  	_ =	shalt  }
0x74: {  	_ =	shalt  }
0x75: {  	_ =	shalt  }
0x76: {  	_ =	shalt  }
0x77: {  	_ =	shalt  }
0x78: {  	_ =	shalt  }
0x79: {  	_ =	shalt  }
0x7a: {  	_ =	shalt  }
0x7b: {  	_ =	shalt  }
0x7c: {  	_ =	shalt  }
0x7d: {  	_ =	shalt  }
0x7e: {  	_ =	shalt  }
0x7f: {  	_ =	shalt  }
0x80: {  	_ =	shalt  }
0x81: {  	_ =	shalt  }
0x82: {  	_ =	shalt  }
0x83: {  	_ =	shalt  }
0x84: {  	_ =	shalt  }
0x85: {  	_ =	shalt  }
0x86: {  	_ =	shalt  }
0x87: {  	_ =	shalt  }
.Lfunc_end0:
.L_simem_size_0:
called_computation_lowered:
.L_overlay_start_0:
0x88: {  	s2 =	sld [smem:$0x3FD9]  }
0x89: {  	s3 =	sld [smem:$0x3FFE];
	_ =	sdelay $0x1  }
0x8a: {  	s1 =	srdreg.scid  }
0x8b: {  	s0 =	sand.u32 $0x1, s1  }
0x8c: {  	s17 =	sshll.u32 s0, $0xA;
	s2 =	sadd.s32 s3, s2  }
0x8d: {  	s2 =	sadd.s32 s2, s17  }
0x8e: {  	[smem:$0x3FC2] =	sst s2  }
0x8f: {  	_ = 	snop  }
0x90: {  	s2 =	sld [smem:$0x3FD0];
	(tm) =	ssettm $0x1  }
0x91: {  	s18 =	sld [smem:$0x3FFB];
	_ =	sdelay $0x3  }
0x92: {  	_ =	strace s18  }
0x93: {  	s3 =	sld [smem:$0x3FFC];
	_ =	sdelay $0x3  }
0x94: {  	_ =	strace s3  }
0x95: {  	s3 =	sld [smem:$0x3FFD];
	_ =	sdelay $0x3  }
0x96: {  	_ =	strace s3  }
0x97: {  	_ =	strace $0x8FFFFFFF  }
0x98: {  	s19 =	sld [smem:$0x3FDB];
	_ =	sdelay $0x1  }
0x99: {  	s4 =	simm.s32 $_scs_section_size  }
0x9a: {  	s5 =	simm.s32 $_size__tile_overlayer_lowered;
	s6 =	simm.s32 $_tile_overlayer_lowered  }
0x9b: {  	s22 =	simm.s32 $0x1BFF;
	s21 =	sshll.u32 s6, $0x1;
	s3 =	sadd.s32 s4, s19  }
0x9c: {  	s7 =	simm.s32 $0x0;
	s20 =	sshll.u32 s5, $0x1;
	s5 =	sadd.s32 s21, s3  }
0x9d: {  	[timem:s7], [sflag:s22] =	dma.local [hbm:s5], s20  }
0x9e: {  	_ =	swait.ge [sflag:s22], s20  }
0x9f: {  	s4 =	ssub.s32 $0x0, s20;
	[sflag:s22] =	ssyncset.done $0x0  }
0xa0: {  	[sflag:s22] =	ssyncadd.s32 s4;
	_ =	sdelay $0x1  }
0xa1: {  	s23 =	simm.s32 $0x1B8B  }
0xa2: {  	_ =	swait.ge [sflag:s23], $0x1  }
0xa3: {  	[sflag:s23] =	ssyncset.done $0x0  }
0xa4: {  	s25 =	simm.s32 $0x1B8E;
	s24 =	sld [smem:$0x3FFE];
	[sflag:s23] =	ssyncadd.s32 $0xFFFFFFFF  }
0xa5: {  	s26 =	simm.s32 $execute0_lowered;
	[smem:$0x3FD2] =	sst s25  }
0xa6: {  	s5 =	sshll.u32 s26, $0x1;
	_ =	strace $0x80000046;
	[dreg:$0x1] =	wrdreg $0xFFFFFFFF  }
0xa7: {  	s28 =	simm.s32 $_size_execute0_lowered;
	s3 =	sadd.s32 s3, s5;
	[dreg:$0x0] =	wrdreg $0x0  }
0xa8: {  	s5 =	sshll.u32 s28, $0x1;
	[dreg:$0x2] =	wrdreg s3  }
0xa9: {  	[dreg:$0x3] =	wrdreg s5  }
0xaa: {  	[dreg:$0x4] =	wrdreg $0xC0  }
0xab: {  	_ =	task [dreg:s7], $0x5FFFF  }
0xac: {  	[dreg:$0x1] =	wrdreg $0xFFFFFFFF  }
0xad: {  	[dreg:$0x0] =	wrdreg $0x60  }
0xae: {  	[dreg:$0x2] =	wrdreg s24  }
0xaf: {  	[dreg:$0x3] =	wrdreg s2  }
0xb0: {  	[dreg:$0x4] =	wrdreg $0x9  }
0xb1: {  	_ =	task.clear_ibuf [dreg:s7], $0x5FFFF;
	_ =	strace $0x90000046  }
0xb2: {  	s29 =	simm.s32 $0x9;
	_ =	strace $0x80000048  }
0xb3: {  	_ =	swait.ge [sflag:s29], $0x1  }
0xb4: {  	[sflag:s29] =	ssyncadd.s32 $0xFFFFFFFF  }
0xb5: {  	_ =	strace $0x90000048  }
0xb6: {  	_ =	sfence  }
0xb7: {  	s30 =	sld [smem:$0x0];
	_ =	sdelay $0x2  }
0xb8: {  	s31 =	sshll.u32 s1, $0xD;
	s1 =	sshrl.u32 s1, $0x2  }
0xb9: {  	s3 =	sand.u32 $0x4000, s31;
	s1 =	sadd.s32 s1, s30  }
0xba: {  	s0 =	sor.u32 s3, s0;
	s1 =	sshll.u32 s1, $0x11  }
0xbb: {  	s0 =	sor.u32 s1, s0  }
0xbc: {  	s0 =	sadd.s32 $0x8F2B, s0  }
0xbd: {  	[sflag:s0] =	ssyncadd.remote.s32 $0x1  }
0xbe: {  	_ =	sfence.sel $0xFFFF  }
0xbf: {  	[dreg:$0x0] =	wrdreg $0xFFFFFFFF;
	(pc) =	sbr.abs _section_cstart, $3  }
0xc0: {  	[dreg:$0x1] =	wrdreg $0xFFFFFFFF  }
0xc1: {  	_ =	task.clear_ibuf [dreg:s7], $0x2FFFF;
	_ =	strace $0x9FFFFFFF  }
0xc2: {  	(tm) =	ssettm $0x7FFFFFFF  }
0xc3: {  	_ =	shalt  }
tec
execute0_lowered:
.L_overlay_start_1:
0x0: {  	(tag) =	ssettag $0x1  }
0x1: {  	s1 =	srdreg.scid;
	s0 =	stileid.u32  }
0x2: {  	s3 =	rddreg [dreg:$0x0];
	s4 =	sand.u32 $0x1, s1;
	s30 =	sshll.u32 s0, $0x1  }
0x3: {  	s5 =	rddreg [dreg:$0x1];
	s2 =	simm.s32 $0x0;
	s6 =	sor.u32 s4, s30  }
0x4: {  	s10 =	simm.s32 $0x0;
	s4 =	ssub.s32 $0x2, s4;
	s7 =	smul.u32 $0x4E2, s6  }
0x5: {  	[smem:$0x7FF] =	sst s2;
	s6 =	smul.u32 $0x9C4, s6;
	s31 =	sshrl.u32 s4, $0x1  }
0x6: {  	s1 =	rddreg [dreg:$0x2];
	_ =	strace $0x80000047;
	s9 =	ssub.s32 s4, s31  }
0x7: {  	s8 =	sadd.s32 s7, s3;
	s6 =	sadd.s32 s6, s3;
	s4 =	sadd.s32 s5, s7  }
0x8: {  	s7 =	simm.s32 $0x1;
	s3 =	sadd.s32 $0x1A00, s8;
	s5 =	sadd.s32 $0xB800, s6  }
0x9: {  	v0 =	vimm.f32 $0.0e+00;
	v1 =	vimm.f32 $1.000000000e+00;
	s6 =	smax.u32 s9, $0x1;
	s8 =	simm.s32 $0x2780;
	s9 =	simm.s32 $0x4F00  }
.LBB2_1:
0xa: {  	s11 =	simm.s32 $0x40;
	s12 =	simm.s32 $0x0  }
.LBB2_2:
0xb: {  	p0 =	sne.s32 s11, $0x13840;
	[tilespmem:s12+$0x4F00] =	vst v0;
	s12 =	smov.u32 s11;
	s11 =	sadd.s32 $0x40, s11  }
.Ltmp0:
0xc: {  	(pc) =	sbr.rel @p0 .LBB2_2-.Ltmp0, $2  }
0xd: {  	_ =	sdelay $0x2  }
0xe: {  	s12 =	sshra.s32 s12, $0x2  }
0xf: {  	[tilespmem:s12+$0x4F00] =	vst v0;
	s11 =	simm.s32 $0x0  }
0x10: {  	[tilespmem:s11], [sflag:$0x1] =	stream.linear.gather [hbm4b:s3+s11], $0x2710, $0x38;
	[tilespmem:$0x9D80] =	vst v63  }
0x11: {  	_ =	swait.ge [sflag:s7], $0x2710  }
0x12: {  	[sflag:s7] =	ssyncset.done $0x0  }
0x13: {  	[sflag:s7] =	ssyncadd.s32 $0xFFFFD8F0  }
0x14: {  	[tilespmem:s8], [sflag:$0x1] =	stream.linear.gather [hbm4b:s4+s11], $0x2710, $0x38;
	[tilespmem:$0x9D80] =	vst v63  }
0x15: {  	_ =	swait.ge [sflag:s7], $0x2710  }
0x16: {  	[sflag:s7] =	ssyncset.done $0x0  }
0x17: {  	[sflag:s7] =	ssyncadd.s32 $0xFFFFD8F0  }
.LBB2_4:
0x18: {  	s12 =	sshra.s32 s11, $0x2  }
0x19: {  	v2 =	vld [tilespmem:s12+$0x0];
	_ =	sdelay $0x7  }
0x1a: {  	[tilespmem:v2+s9+$0x0] =	vst.idx.add.f32.msk $0xffff, v1  }
0x1b: {  	v2 =	vld [tilespmem:s12+$0x2780];
	_ =	sdelay $0x4  }
0x1c: {  	p0 =	sne.s32 s11, $0x9C00;
	v2 =	vadd.s32 $0x2710, v2  }
.Ltmp1:
0x1d: {  	_ = 	snop;
	(pc) =	sbr.rel @p0 .LBB2_4-.Ltmp1, $2  }
0x1e: {  	_ =	sdelay $0x2  }
0x1f: {  	s11 =	sadd.s32 $0x40, s11;
	[tilespmem:v2+s9+$0x0] =	vst.idx.add.f32.msk $0xffff, v1  }
0x20: {  	s10 =	sadd.s32 $0x1, s10  }
0x21: {  	p0 =	sne.s32 s10, s6  }
.Ltmp2:
0x22: {  	_ = 	snop;
	(pc) =	sbr.rel @p0 .LBB2_1-.Ltmp2, $4  }
0x23: {  	[hbm4b:s5+s2] =	stream.linear.scatter [tilespmem:s9], [sflag:$0x1], $0x4E20, $0x38;
	[tilespmem:$0x9D80] =	vst v63  }
0x24: {  	_ =	swait.ge [sflag:s7], $0x4E20  }
0x25: {  	[sflag:s7] =	ssyncset.done $0x0  }
0x26: {  	[sflag:s7] =	ssyncadd.s32 $0xFFFFB1E0  }
0x27: {  	_ =	sfence.sel $0x180000  }
0x28: {  	[bflag:$0x0] =	sbarrier.arrive $0xFFFF  }
0x29: {  	p0 =	sne.s32 s0, $0x0;
	_ =	strace $0x90000047  }
0x2a: {  	s0 =	sadd.s32 @!p0 $0x100000, s1;
	[bflag:$0x2] =	sbarrier.arrive $0xFFFF  }
0x2b: {  	[sflag:s0] =	ssyncadd.tile.s32 @!p0 $0x1;
	_ =	shalt  }
.Lfunc_end2:
_tile_overlayer_lowered:
.L_overlay_start_2:
0x2c: {  	(tag) =	ssettag $0x2  }
0x2d: {  	s0 =	rddreg [dreg:$0x0];
	s2 =	stileid.u32  }
0x2e: {  	s1 =	rddreg [dreg:$0x1];
	p0 =	sne.s32 s2, $0x0  }
0x2f: {  	s3 =	rddreg [dreg:$0x2];
	[bflag:$0x3] =	sbarrier.arrive $0xFFFF;
	s2 =	simm.s32 @!p0 $0x1C01  }
0x30: {  	[timem:s3], [sflag:s2] =	dma.local @!p0 [hbm:s0], s1  }
0x31: {  	s0 =	simm.s32 @!p0 $0x1  }
0x32: {  	_ =	swait.ge @!p0 [sflag:s0], s1  }
0x33: {  	s1 =	ssub.s32 @!p0 $0x0, s1;
	[sflag:s0] =	ssyncset.done @!p0 $0x0  }
0x34: {  	[sflag:s0] =	ssyncadd.s32 @!p0 s1  }
0x35: {  	[bflag:$0x3] =	sbarrier.arrive $0xFFFF  }
0x36: {  	_ =	shalt  }

</sc_bundles>
